<compile_context>
chip_gen: v7x
topology: tpu7x:2x2x1
jax: 0.10.2.dev20260603
libtpu: 0.0.44.dev20260713+nightly
codegen_flags: <defaults>
</compile_context>

<pallas_src>
import jax
import jax.numpy as jnp
from jax import lax
from jax.experimental import pallas as pl
from jax.experimental.pallas import tpu as pltpu
from jax.experimental.pallas import tpu_sc as plsc

NUM_HEADS = 16
EMBED = 3969
ROWS = 1024
COLS = 1024
LANES = 16
HEAD_GROUPS = 2
HEADS_PER_TILE = NUM_HEADS // HEAD_GROUPS
ROW_GROUPS = 16
ROWS_PER_TILE = ROWS // ROW_GROUPS
CHUNK_ROWS = 4
CHUNKS = ROWS_PER_TILE // CHUNK_ROWS


def _gather_body(table_hbm, idx_hbm, out_hbm, table_v, idx_v0, idx_v1,
                 out_v0, out_v1, sem_tab, sem_in0, sem_in1, sem_out0,
                 sem_out1):
    idx_bufs = (idx_v0, idx_v1)
    out_bufs = (out_v0, out_v1)
    sems_in = (sem_in0, sem_in1)
    sems_out = (sem_out0, sem_out1)
    wid = lax.axis_index("s") * 2 + lax.axis_index("c")
    hg = wid % HEAD_GROUPS
    rg = wid // HEAD_GROUPS
    base = rg * ROWS_PER_TILE
    head0 = hg * HEADS_PER_TILE

    table_copy = pltpu.make_async_copy(
        table_hbm.at[pl.ds(head0 * EMBED, HEADS_PER_TILE * EMBED)],
        table_v, sem_tab,
    )
    table_copy.start()

    pltpu.make_async_copy(
        idx_hbm.at[pl.ds(base, CHUNK_ROWS)], idx_bufs[0], sems_in[0]
    ).start()

    table_copy.wait()

    def chunk_pair(c2, carry):
        for b in range(2):
            c = c2 * 2 + b
            row = base + c * CHUNK_ROWS

            @pl.when(c + 1 < CHUNKS)
            def _prefetch():
                pltpu.make_async_copy(
                    idx_hbm.at[pl.ds(row + CHUNK_ROWS, CHUNK_ROWS)],
                    idx_bufs[1 - b],
                    sems_in[1 - b],
                ).start()

            pltpu.make_async_copy(
                idx_hbm.at[pl.ds(row, CHUNK_ROWS)], idx_bufs[b], sems_in[b]
            ).wait()

            @pl.when(c2 >= 1)
            def _drain():
                pltpu.make_async_copy(
                    out_bufs[b],
                    out_hbm.at[pl.ds(head0, HEADS_PER_TILE),
                               pl.ds(row, CHUNK_ROWS), :],
                    sems_out[b],
                ).wait()

            for rr in range(CHUNK_ROWS):
                @plsc.parallel_loop(0, COLS, step=LANES, unroll=4)
                def _cols(col):
                    iv = idx_bufs[b][rr, pl.ds(col, LANES)]
                    for h in range(HEADS_PER_TILE):
                        vals = plsc.load_gather(table_v, [iv + h * EMBED])
                        out_bufs[b][h, rr, pl.ds(col, LANES)] = vals

            pltpu.make_async_copy(
                out_bufs[b],
                out_hbm.at[pl.ds(head0, HEADS_PER_TILE),
                           pl.ds(row, CHUNK_ROWS), :],
                sems_out[b],
            ).start()
        return carry

    lax.fori_loop(0, CHUNKS // 2, chunk_pair, 0)

    for b in range(2):
        pltpu.make_async_copy(
            out_bufs[b],
            out_hbm.at[pl.ds(head0, HEADS_PER_TILE),
                       pl.ds(base, CHUNK_ROWS), :],
            sems_out[b],
        ).wait()


@jax.jit
def _rpe_gather(idx, table_flat):
    mesh = plsc.VectorSubcoreMesh(core_axis_name="c", subcore_axis_name="s")
    run = pl.kernel(
        _gather_body,
        out_type=jax.ShapeDtypeStruct((NUM_HEADS, ROWS, COLS), jnp.float32),
        mesh=mesh,
        compiler_params=pltpu.CompilerParams(needs_layout_passes=False),
        scratch_types=[
            pltpu.VMEM((HEADS_PER_TILE * EMBED,), jnp.float32),
            pltpu.VMEM((CHUNK_ROWS, COLS), jnp.int32),
            pltpu.VMEM((CHUNK_ROWS, COLS), jnp.int32),
            pltpu.VMEM((HEADS_PER_TILE, CHUNK_ROWS, COLS), jnp.float32),
            pltpu.VMEM((HEADS_PER_TILE, CHUNK_ROWS, COLS), jnp.float32),
            pltpu.SemaphoreType.DMA,
            pltpu.SemaphoreType.DMA,
            pltpu.SemaphoreType.DMA,
            pltpu.SemaphoreType.DMA,
            pltpu.SemaphoreType.DMA,
        ],
    )
    return run(table_flat, idx)


def kernel(attn_rpe_index, relative_position_bias_table):
    idx = attn_rpe_index.astype(jnp.int32)
    table_flat = relative_position_bias_table.reshape(-1)
    out = _rpe_gather(idx, table_flat)
    return out[None]

# --- scband reference (transcript-rebuilt; emitter-appended) ---
"""Pipeline reference for scband-relative-position2-dencoder-32684701123407 (READ-ONLY COPY).

The authoritative reference and input builder live on the scoring server;
editing this copy changes nothing except your own understanding.
"""

import jax, jax.numpy as jnp
import numpy as np

NUM_HEADS = 16
EMBED_SIZE = 3969
IDX_SHAPE = (1024, 1024)

def setup_inputs(seed: int = 0) -> dict:
    key = jax.random.key(seed)
    k1, k2 = jax.random.split(key)
    attn_rpe_index = jax.random.randint(k1, IDX_SHAPE, 0, EMBED_SIZE, dtype=jnp.int64 if jax.config.jax_enable_x64 else jnp.int32)
    relative_position_bias_table = jax.random.normal(k2, (NUM_HEADS, EMBED_SIZE), dtype=jnp.float32) * 0.02
    return {"attn_rpe_index": attn_rpe_index, "relative_position_bias_table": relative_position_bias_table}

def reference(attn_rpe_index, relative_position_bias_table):
    # table[:, idx] gathers along axis=1, producing (num_heads, *idx_shape); unsqueeze(0) -> (1, num_heads, *)
    out = jnp.take(relative_position_bias_table, attn_rpe_index, axis=1)
    return out[None]

if __name__ == "__main__":
    import jax
    _d = setup_inputs()
    print(jax.jit(kernel)(*tuple(_d.values())))

</pallas_src>

<mosaic_0001>
#map = affine_map<(d0, d1) -> (0)>
#map1 = affine_map<(d0, d1) -> (0, 0)>
#map2 = affine_map<(d0, d1) -> (0, 0, 0)>
module attributes {stable_mosaic.version = 14 : i64} {
  func.func @_gather_body(%arg0: i32, %arg1: i32, %arg2: memref<63504xf32, #tpu.memory_space<hbm>>, %arg3: memref<1024x1024xi32, #tpu.memory_space<hbm>>, %arg4: memref<16x1024x1024xf32, #tpu.memory_space<hbm>>, %arg5: memref<31752xf32, #tpu.memory_space<vmem>>, %arg6: memref<4x1024xi32, #tpu.memory_space<vmem>>, %arg7: memref<4x1024xi32, #tpu.memory_space<vmem>>, %arg8: memref<8x4x1024xf32, #tpu.memory_space<vmem>>, %arg9: memref<8x4x1024xf32, #tpu.memory_space<vmem>>, %arg10: memref<!tpu.dma_semaphore, #tpu.memory_space<semaphore_mem>>, %arg11: memref<!tpu.dma_semaphore, #tpu.memory_space<semaphore_mem>>, %arg12: memref<!tpu.dma_semaphore, #tpu.memory_space<semaphore_mem>>, %arg13: memref<!tpu.dma_semaphore, #tpu.memory_space<semaphore_mem>>, %arg14: memref<!tpu.dma_semaphore, #tpu.memory_space<semaphore_mem>>) attributes {dimension_semantics = [#tpu.dimension_semantics<core_parallel>, #tpu.dimension_semantics<subcore_parallel>], iteration_bounds = array<i64: 2, 16>, scalar_prefetch = 0 : i64, scratch_operands = 10 : i64, tpu.core_type = #tpu.core_type<sc_vector_subcore>, window_params = [{transform_indices = #map}, {transform_indices = #map1}, {transform_indices = #map2}]} {
    %mul3A = arith.constant 2 : i32
    %mul3A_0 = arith.muli %arg1, %mul3A : i32
    %add3A = arith.addi %mul3A_0, %arg0 : i32
    %jit3A = arith.constant 2 : i32
    %eq3A = arith.constant 0 : i32
    %eq3A_1 = arith.cmpi eq, %jit3A, %eq3A : i32
    %jit3A_2 = arith.constant 1 : i32
    %select_n3A = arith.select %eq3A_1, %jit3A_2, %jit3A : i32
    %rem3A = arith.remsi %add3A, %select_n3A : i32
    %ne3A = arith.constant 0 : i32
    %ne3A_3 = arith.cmpi ne, %rem3A, %ne3A : i32
    %lt3A = arith.constant 0 : i32
    %lt3A_4 = arith.cmpi slt, %rem3A, %lt3A : i32
    %lt3A_5 = arith.constant 0 : i32
    %lt3A_6 = arith.cmpi slt, %select_n3A, %lt3A_5 : i32
    %ne3A_7 = arith.xori %lt3A_4, %lt3A_6 : i1
    %and3A = arith.andi %ne3A_7, %ne3A_3 : i1
    %add3A_8 = arith.addi %rem3A, %select_n3A : i32
    %select_n3A_9 = arith.select %and3A, %add3A_8, %rem3A : i32
    %jit3A_10 = arith.constant 2 : i32
    %div3A = arith.divsi %add3A, %jit3A_10 : i32
    %sign3A = arith.constant 0 : i32
    %sign3A_11 = arith.cmpi sgt, %add3A, %sign3A : i32
    %sign3A_12 = arith.extui %sign3A_11 : i1 to i32
    %sign3A_13 = arith.constant 0 : i32
    %sign3A_14 = arith.cmpi slt, %add3A, %sign3A_13 : i32
    %sign3A_15 = arith.extui %sign3A_14 : i1 to i32
    %sign3A_16 = arith.subi %sign3A_12, %sign3A_15 : i32
    %sign3A_17 = arith.constant 0 : i32
    %sign3A_18 = arith.cmpi sgt, %jit3A_10, %sign3A_17 : i32
    %sign3A_19 = arith.extui %sign3A_18 : i1 to i32
    %sign3A_20 = arith.constant 0 : i32
    %sign3A_21 = arith.cmpi slt, %jit3A_10, %sign3A_20 : i32
    %sign3A_22 = arith.extui %sign3A_21 : i1 to i32
    %sign3A_23 = arith.subi %sign3A_19, %sign3A_22 : i32
    %ne3A_24 = arith.cmpi ne, %sign3A_16, %sign3A_23 : i32
    %rem3A_25 = arith.remsi %add3A, %jit3A_10 : i32
    %ne3A_26 = arith.constant 0 : i32
    %ne3A_27 = arith.cmpi ne, %rem3A_25, %ne3A_26 : i32
    %and3A_28 = arith.andi %ne3A_24, %ne3A_27 : i1
    %sub3A = arith.constant 1 : i32
    %sub3A_29 = arith.subi %div3A, %sub3A : i32
    %select_n3A_30 = arith.select %and3A_28, %sub3A_29, %div3A : i32
    %mul3A_31 = arith.constant 64 : i32
    %mul3A_32 = arith.muli %select_n3A_30, %mul3A_31 : i32
    %mul3A_33 = arith.constant 8 : i32
    %mul3A_34 = arith.muli %select_n3A_9, %mul3A_33 : i32
    %mul3A_35 = arith.constant 3969 : i32
    %mul3A_36 = arith.muli %mul3A_34, %mul3A_35 : i32
    %dma_start3A = tpu.memref_slice %arg2[%mul3A_36] : memref<63504xf32, #tpu.memory_space<hbm>> -> memref<31752xf32, #tpu.memory_space<hbm>>
    %dma_start3A_37 = tpu.memref_slice %arg2[%mul3A_36] : memref<63504xf32, #tpu.memory_space<hbm>> -> memref<31752xf32, #tpu.memory_space<hbm>>
    tpu.enqueue_dma source(%dma_start3A_37 : memref<31752xf32, #tpu.memory_space<hbm>>) target(%arg5 : memref<31752xf32, #tpu.memory_space<vmem>>) target_semaphore(%arg10 : memref<!tpu.dma_semaphore, #tpu.memory_space<semaphore_mem>>)
    %dma_start3A_38 = arith.constant 0 : i32
    %dma_start3A_39 = tpu.memref_slice %arg3[%mul3A_32, %dma_start3A_38] : memref<1024x1024xi32, #tpu.memory_space<hbm>> -> memref<4x1024xi32, #tpu.memory_space<hbm>>
    %dma_start3A_40 = arith.constant 0 : i32
    %dma_start3A_41 = tpu.memref_slice %arg3[%mul3A_32, %dma_start3A_40] : memref<1024x1024xi32, #tpu.memory_space<hbm>> -> memref<4x1024xi32, #tpu.memory_space<hbm>>
    tpu.enqueue_dma source(%dma_start3A_41 : memref<4x1024xi32, #tpu.memory_space<hbm>>) target(%arg6 : memref<4x1024xi32, #tpu.memory_space<vmem>>) target_semaphore(%arg11 : memref<!tpu.dma_semaphore, #tpu.memory_space<semaphore_mem>>)
    %dma_wait3A = tpu.memref_slice %arg2[%mul3A_36] : memref<63504xf32, #tpu.memory_space<hbm>> -> memref<31752xf32, #tpu.memory_space<hbm>>
    %dma_wait3A_42 = tpu.memref_slice %arg2[%mul3A_36] : memref<63504xf32, #tpu.memory_space<hbm>> -> memref<31752xf32, #tpu.memory_space<hbm>>
    tpu.wait_dma2 semaphore(%arg10 : memref<!tpu.dma_semaphore, #tpu.memory_space<semaphore_mem>>) src(%dma_wait3A_42 : memref<31752xf32, #tpu.memory_space<hbm>>) dst(%arg5 : memref<31752xf32, #tpu.memory_space<vmem>>)
    %scan3A = arith.constant 0 : i32
    %scan3A_43 = arith.constant 0 : i32
    %scan3A_44 = arith.constant 8 : i32
    %scan3A_45 = arith.addi %scan3A_43, %scan3A_44 : i32
    %scan3A_46 = arith.constant 1 : i32
    scf.for %scan3A_56 = %scan3A_43 to %scan3A_45 step %scan3A_46  : i32 {
      %mul3A_57 = arith.constant 2 : i32
      %mul3A_58 = arith.muli %scan3A_56, %mul3A_57 : i32
      %add3A_59 = arith.constant 0 : i32
      %add3A_60 = arith.addi %mul3A_58, %add3A_59 : i32
      %mul3A_61 = arith.constant 4 : i32
      %mul3A_62 = arith.muli %add3A_60, %mul3A_61 : i32
      %add3A_63 = arith.addi %mul3A_32, %mul3A_62 : i32
      %add3A_64 = arith.constant 1 : i32
      %add3A_65 = arith.addi %add3A_60, %add3A_64 : i32
      %lt3A_66 = arith.constant 16 : i32
      %lt3A_67 = arith.cmpi slt, %add3A_65, %lt3A_66 : i32
      %convert_element_type3A = arith.extui %lt3A_67 : i1 to i32
      %cond3A = arith.constant 0 : i32
      %cond3A_68 = arith.cmpi ne, %convert_element_type3A, %cond3A : i32
      scf.if %cond3A_68 {
        %add3A_131 = arith.constant 4 : i32
        %add3A_132 = arith.addi %add3A_63, %add3A_131 : i32
        %dma_start3A_133 = arith.constant 0 : i32
        %dma_start3A_134 = tpu.memref_slice %arg3[%add3A_132, %dma_start3A_133] : memref<1024x1024xi32, #tpu.memory_space<hbm>> -> memref<4x1024xi32, #tpu.memory_space<hbm>>
        %dma_start3A_135 = arith.constant 0 : i32
        %dma_start3A_136 = tpu.memref_slice %arg3[%add3A_132, %dma_start3A_135] : memref<1024x1024xi32, #tpu.memory_space<hbm>> -> memref<4x1024xi32, #tpu.memory_space<hbm>>
        tpu.enqueue_dma source(%dma_start3A_136 : memref<4x1024xi32, #tpu.memory_space<hbm>>) target(%arg7 : memref<4x1024xi32, #tpu.memory_space<vmem>>) target_semaphore(%arg12 : memref<!tpu.dma_semaphore, #tpu.memory_space<semaphore_mem>>)
      } else {
      }
      %dma_wait3A_69 = arith.constant 0 : i32
      %dma_wait3A_70 = tpu.memref_slice %arg3[%add3A_63, %dma_wait3A_69] : memref<1024x1024xi32, #tpu.memory_space<hbm>> -> memref<4x1024xi32, #tpu.memory_space<hbm>>
      %dma_wait3A_71 = arith.constant 0 : i32
      %dma_wait3A_72 = tpu.memref_slice %arg3[%add3A_63, %dma_wait3A_71] : memref<1024x1024xi32, #tpu.memory_space<hbm>> -> memref<4x1024xi32, #tpu.memory_space<hbm>>
      tpu.wait_dma2 semaphore(%arg11 : memref<!tpu.dma_semaphore, #tpu.memory_space<semaphore_mem>>) src(%dma_wait3A_72 : memref<4x1024xi32, #tpu.memory_space<hbm>>) dst(%arg6 : memref<4x1024xi32, #tpu.memory_space<vmem>>)
      %ge3A = arith.constant 1 : i32
      %ge3A_73 = arith.cmpi sge, %scan3A_56, %ge3A : i32
      %convert_element_type3A_74 = arith.extui %ge3A_73 : i1 to i32
      %cond3A_75 = arith.constant 0 : i32
      %cond3A_76 = arith.cmpi ne, %convert_element_type3A_74, %cond3A_75 : i32
      scf.if %cond3A_76 {
        %dma_wait3A_131 = arith.constant 0 : i32
        %dma_wait3A_132 = tpu.memref_slice %arg4[%mul3A_34, %add3A_63, %dma_wait3A_131] : memref<16x1024x1024xf32, #tpu.memory_space<hbm>> -> memref<8x4x1024xf32, #tpu.memory_space<hbm>>
        %dma_wait3A_133 = arith.constant 0 : i32
        %dma_wait3A_134 = tpu.memref_slice %arg4[%mul3A_34, %add3A_63, %dma_wait3A_133] : memref<16x1024x1024xf32, #tpu.memory_space<hbm>> -> memref<8x4x1024xf32, #tpu.memory_space<hbm>>
        tpu.wait_dma2 semaphore(%arg13 : memref<!tpu.dma_semaphore, #tpu.memory_space<semaphore_mem>>) src(%arg8 : memref<8x4x1024xf32, #tpu.memory_space<vmem>>) dst(%dma_wait3A_134 : memref<8x4x1024xf32, #tpu.memory_space<hbm>>)
      } else {
      }
      %parallel_loop3A = arith.constant 0 : i32
      %parallel_loop3A_77 = arith.constant 1024 : i32
      %parallel_loop3A_78 = arith.constant 16 : i32
      scf.for %parallel_loop3A_131 = %parallel_loop3A to %parallel_loop3A_77 step %parallel_loop3A_78  : i32 {
        %parallel_loop3A_132 = arith.constant 0 : i32
        %parallel_loop3A_133 = arith.index_cast %parallel_loop3A_132 : i32 to index
        %parallel_loop3A_134 = arith.index_cast %parallel_loop3A_131 : i32 to index
        %parallel_loop3A_135 = tpu.vector_load %arg6[%parallel_loop3A_133, %parallel_loop3A_134] {strides = array<i32>} : memref<4x1024xi32, #tpu.memory_space<vmem>>, vector<16xi32>,
        %parallel_loop3A_136 = arith.constant 0 : i32
        %parallel_loop3A_137 = vector.broadcast %parallel_loop3A_136 : i32 to vector<16xi32>
        %parallel_loop3A_138 = arith.addi %parallel_loop3A_135, %parallel_loop3A_137 : vector<16xi32>
        %parallel_loop3A_139 = tpu.vector_load_idx %arg5[%parallel_loop3A_138] : memref<31752xf32, #tpu.memory_space<vmem>>[vector<16xi32>], vector<16xf32>,
        %parallel_loop3A_140 = arith.constant 0 : i32
        %parallel_loop3A_141 = arith.constant 0 : i32
        %parallel_loop3A_142 = arith.index_cast %parallel_loop3A_140 : i32 to index
        %parallel_loop3A_143 = arith.index_cast %parallel_loop3A_141 : i32 to index
        %parallel_loop3A_144 = arith.index_cast %parallel_loop3A_131 : i32 to index
        %parallel_loop3A_145 = tpu.vector_load %arg8[%parallel_loop3A_142, %parallel_loop3A_143, %parallel_loop3A_144] {strides = array<i32>} : memref<8x4x1024xf32, #tpu.memory_space<vmem>>, vector<16xf32>,
        tpu.vector_store %arg8[%parallel_loop3A_142, %parallel_loop3A_143, %parallel_loop3A_144], %parallel_loop3A_139 {strides = array<i32>} : memref<8x4x1024xf32, #tpu.memory_space<vmem>>, vector<16xf32>,
        %parallel_loop3A_146 = arith.constant 3969 : i32
        %parallel_loop3A_147 = vector.broadcast %parallel_loop3A_146 : i32 to vector<16xi32>
        %parallel_loop3A_148 = arith.addi %parallel_loop3A_135, %parallel_loop3A_147 : vector<16xi32>
        %parallel_loop3A_149 = tpu.vector_load_idx %arg5[%parallel_loop3A_148] : memref<31752xf32, #tpu.memory_space<vmem>>[vector<16xi32>], vector<16xf32>,
        %parallel_loop3A_150 = arith.constant 1 : i32
        %parallel_loop3A_151 = arith.constant 0 : i32
        %parallel_loop3A_152 = arith.index_cast %parallel_loop3A_150 : i32 to index
        %parallel_loop3A_153 = arith.index_cast %parallel_loop3A_151 : i32 to index
        %parallel_loop3A_154 = arith.index_cast %parallel_loop3A_131 : i32 to index
        %parallel_loop3A_155 = tpu.vector_load %arg8[%parallel_loop3A_152, %parallel_loop3A_153, %parallel_loop3A_154] {strides = array<i32>} : memref<8x4x1024xf32, #tpu.memory_space<vmem>>, vector<16xf32>,
        tpu.vector_store %arg8[%parallel_loop3A_152, %parallel_loop3A_153, %parallel_loop3A_154], %parallel_loop3A_149 {strides = array<i32>} : memref<8x4x1024xf32, #tpu.memory_space<vmem>>, vector<16xf32>,
        %parallel_loop3A_156 = arith.constant 7938 : i32
        %parallel_loop3A_157 = vector.broadcast %parallel_loop3A_156 : i32 to vector<16xi32>
        %parallel_loop3A_158 = arith.addi %parallel_loop3A_135, %parallel_loop3A_157 : vector<16xi32>
        %parallel_loop3A_159 = tpu.vector_load_idx %arg5[%parallel_loop3A_158] : memref<31752xf32, #tpu.memory_space<vmem>>[vector<16xi32>], vector<16xf32>,
        %parallel_loop3A_160 = arith.constant 2 : i32
        %parallel_loop3A_161 = arith.constant 0 : i32
        %parallel_loop3A_162 = arith.index_cast %parallel_loop3A_160 : i32 to index
        %parallel_loop3A_163 = arith.index_cast %parallel_loop3A_161 : i32 to index
        %parallel_loop3A_164 = arith.index_cast %parallel_loop3A_131 : i32 to index
        %parallel_loop3A_165 = tpu.vector_load %arg8[%parallel_loop3A_162, %parallel_loop3A_163, %parallel_loop3A_164] {strides = array<i32>} : memref<8x4x1024xf32, #tpu.memory_space<vmem>>, vector<16xf32>,
        tpu.vector_store %arg8[%parallel_loop3A_162, %parallel_loop3A_163, %parallel_loop3A_164], %parallel_loop3A_159 {strides = array<i32>} : memref<8x4x1024xf32, #tpu.memory_space<vmem>>, vector<16xf32>,
        %parallel_loop3A_166 = arith.constant 11907 : i32
        %parallel_loop3A_167 = vector.broadcast %parallel_loop3A_166 : i32 to vector<16xi32>
        %parallel_loop3A_168 = arith.addi %parallel_loop3A_135, %parallel_loop3A_167 : vector<16xi32>
        %parallel_loop3A_169 = tpu.vector_load_idx %arg5[%parallel_loop3A_168] : memref<31752xf32, #tpu.memory_space<vmem>>[vector<16xi32>], vector<16xf32>,
        %parallel_loop3A_170 = arith.constant 3 : i32
        %parallel_loop3A_171 = arith.constant 0 : i32
        %parallel_loop3A_172 = arith.index_cast %parallel_loop3A_170 : i32 to index
        %parallel_loop3A_173 = arith.index_cast %parallel_loop3A_171 : i32 to index
        %parallel_loop3A_174 = arith.index_cast %parallel_loop3A_131 : i32 to index
        %parallel_loop3A_175 = tpu.vector_load %arg8[%parallel_loop3A_172, %parallel_loop3A_173, %parallel_loop3A_174] {strides = array<i32>} : memref<8x4x1024xf32, #tpu.memory_space<vmem>>, vector<16xf32>,
        tpu.vector_store %arg8[%parallel_loop3A_172, %parallel_loop3A_173, %parallel_loop3A_174], %parallel_loop3A_169 {strides = array<i32>} : memref<8x4x1024xf32, #tpu.memory_space<vmem>>, vector<16xf32>,
        %parallel_loop3A_176 = arith.constant 15876 : i32
        %parallel_loop3A_177 = vector.broadcast %parallel_loop3A_176 : i32 to vector<16xi32>
        %parallel_loop3A_178 = arith.addi %parallel_loop3A_135, %parallel_loop3A_177 : vector<16xi32>
        %parallel_loop3A_179 = tpu.vector_load_idx %arg5[%parallel_loop3A_178] : memref<31752xf32, #tpu.memory_space<vmem>>[vector<16xi32>], vector<16xf32>,
        %parallel_loop3A_180 = arith.constant 4 : i32
        %parallel_loop3A_181 = arith.constant 0 : i32
        %parallel_loop3A_182 = arith.index_cast %parallel_loop3A_180 : i32 to index
        %parallel_loop3A_183 = arith.index_cast %parallel_loop3A_181 : i32 to index
        %parallel_loop3A_184 = arith.index_cast %parallel_loop3A_131 : i32 to index
        %parallel_loop3A_185 = tpu.vector_load %arg8[%parallel_loop3A_182, %parallel_loop3A_183, %parallel_loop3A_184] {strides = array<i32>} : memref<8x4x1024xf32, #tpu.memory_space<vmem>>, vector<16xf32>,
        tpu.vector_store %arg8[%parallel_loop3A_182, %parallel_loop3A_183, %parallel_loop3A_184], %parallel_loop3A_179 {strides = array<i32>} : memref<8x4x1024xf32, #tpu.memory_space<vmem>>, vector<16xf32>,
        %parallel_loop3A_186 = arith.constant 19845 : i32
        %parallel_loop3A_187 = vector.broadcast %parallel_loop3A_186 : i32 to vector<16xi32>
        %parallel_loop3A_188 = arith.addi %parallel_loop3A_135, %parallel_loop3A_187 : vector<16xi32>
        %parallel_loop3A_189 = tpu.vector_load_idx %arg5[%parallel_loop3A_188] : memref<31752xf32, #tpu.memory_space<vmem>>[vector<16xi32>], vector<16xf32>,
        %parallel_loop3A_190 = arith.constant 5 : i32
        %parallel_loop3A_191 = arith.constant 0 : i32
        %parallel_loop3A_192 = arith.index_cast %parallel_loop3A_190 : i32 to index
        %parallel_loop3A_193 = arith.index_cast %parallel_loop3A_191 : i32 to index
        %parallel_loop3A_194 = arith.index_cast %parallel_loop3A_131 : i32 to index
        %parallel_loop3A_195 = tpu.vector_load %arg8[%parallel_loop3A_192, %parallel_loop3A_193, %parallel_loop3A_194] {strides = array<i32>} : memref<8x4x1024xf32, #tpu.memory_space<vmem>>, vector<16xf32>,
        tpu.vector_store %arg8[%parallel_loop3A_192, %parallel_loop3A_193, %parallel_loop3A_194], %parallel_loop3A_189 {strides = array<i32>} : memref<8x4x1024xf32, #tpu.memory_space<vmem>>, vector<16xf32>,
        %parallel_loop3A_196 = arith.constant 23814 : i32
        %parallel_loop3A_197 = vector.broadcast %parallel_loop3A_196 : i32 to vector<16xi32>
        %parallel_loop3A_198 = arith.addi %parallel_loop3A_135, %parallel_loop3A_197 : vector<16xi32>
        %parallel_loop3A_199 = tpu.vector_load_idx %arg5[%parallel_loop3A_198] : memref<31752xf32, #tpu.memory_space<vmem>>[vector<16xi32>], vector<16xf32>,
        %parallel_loop3A_200 = arith.constant 6 : i32
        %parallel_loop3A_201 = arith.constant 0 : i32
        %parallel_loop3A_202 = arith.index_cast %parallel_loop3A_200 : i32 to index
        %parallel_loop3A_203 = arith.index_cast %parallel_loop3A_201 : i32 to index
        %parallel_loop3A_204 = arith.index_cast %parallel_loop3A_131 : i32 to index
        %parallel_loop3A_205 = tpu.vector_load %arg8[%parallel_loop3A_202, %parallel_loop3A_203, %parallel_loop3A_204] {strides = array<i32>} : memref<8x4x1024xf32, #tpu.memory_space<vmem>>, vector<16xf32>,
        tpu.vector_store %arg8[%parallel_loop3A_202, %parallel_loop3A_203, %parallel_loop3A_204], %parallel_loop3A_199 {strides = array<i32>} : memref<8x4x1024xf32, #tpu.memory_space<vmem>>, vector<16xf32>,
        %parallel_loop3A_206 = arith.constant 27783 : i32
        %parallel_loop3A_207 = vector.broadcast %parallel_loop3A_206 : i32 to vector<16xi32>
        %parallel_loop3A_208 = arith.addi %parallel_loop3A_135, %parallel_loop3A_207 : vector<16xi32>
        %parallel_loop3A_209 = tpu.vector_load_idx %arg5[%parallel_loop3A_208] : memref<31752xf32, #tpu.memory_space<vmem>>[vector<16xi32>], vector<16xf32>,
        %parallel_loop3A_210 = arith.constant 7 : i32
        %parallel_loop3A_211 = arith.constant 0 : i32
        %parallel_loop3A_212 = arith.index_cast %parallel_loop3A_210 : i32 to index
        %parallel_loop3A_213 = arith.index_cast %parallel_loop3A_211 : i32 to index
        %parallel_loop3A_214 = arith.index_cast %parallel_loop3A_131 : i32 to index
        %parallel_loop3A_215 = tpu.vector_load %arg8[%parallel_loop3A_212, %parallel_loop3A_213, %parallel_loop3A_214] {strides = array<i32>} : memref<8x4x1024xf32, #tpu.memory_space<vmem>>, vector<16xf32>,
        tpu.vector_store %arg8[%parallel_loop3A_212, %parallel_loop3A_213, %parallel_loop3A_214], %parallel_loop3A_209 {strides = array<i32>} : memref<8x4x1024xf32, #tpu.memory_space<vmem>>, vector<16xf32>,
      } {sc.loop_unroll_factor = 4 : i64, sc.parallel_access}
      %parallel_loop3A_79 = arith.constant 0 : i32
      %parallel_loop3A_80 = arith.constant 1024 : i32
      %parallel_loop3A_81 = arith.constant 16 : i32
      scf.for %parallel_loop3A_131 = %parallel_loop3A_79 to %parallel_loop3A_80 step %parallel_loop3A_81  : i32 {
        %parallel_loop3A_132 = arith.constant 1 : i32
        %parallel_loop3A_133 = arith.index_cast %parallel_loop3A_132 : i32 to index
        %parallel_loop3A_134 = arith.index_cast %parallel_loop3A_131 : i32 to index
        %parallel_loop3A_135 = tpu.vector_load %arg6[%parallel_loop3A_133, %parallel_loop3A_134] {strides = array<i32>} : memref<4x1024xi32, #tpu.memory_space<vmem>>, vector<16xi32>,
        %parallel_loop3A_136 = arith.constant 0 : i32
        %parallel_loop3A_137 = vector.broadcast %parallel_loop3A_136 : i32 to vector<16xi32>
        %parallel_loop3A_138 = arith.addi %parallel_loop3A_135, %parallel_loop3A_137 : vector<16xi32>
        %parallel_loop3A_139 = tpu.vector_load_idx %arg5[%parallel_loop3A_138] : memref<31752xf32, #tpu.memory_space<vmem>>[vector<16xi32>], vector<16xf32>,
        %parallel_loop3A_140 = arith.constant 0 : i32
        %parallel_loop3A_141 = arith.constant 1 : i32
        %parallel_loop3A_142 = arith.index_cast %parallel_loop3A_140 : i32 to index
        %parallel_loop3A_143 = arith.index_cast %parallel_loop3A_141 : i32 to index
        %parallel_loop3A_144 = arith.index_cast %parallel_loop3A_131 : i32 to index
        %parallel_loop3A_145 = tpu.vector_load %arg8[%parallel_loop3A_142, %parallel_loop3A_143, %parallel_loop3A_144] {strides = array<i32>} : memref<8x4x1024xf32, #tpu.memory_space<vmem>>, vector<16xf32>,
        tpu.vector_store %arg8[%parallel_loop3A_142, %parallel_loop3A_143, %parallel_loop3A_144], %parallel_loop3A_139 {strides = array<i32>} : memref<8x4x1024xf32, #tpu.memory_space<vmem>>, vector<16xf32>,
        %parallel_loop3A_146 = arith.constant 3969 : i32
        %parallel_loop3A_147 = vector.broadcast %parallel_loop3A_146 : i32 to vector<16xi32>
        %parallel_loop3A_148 = arith.addi %parallel_loop3A_135, %parallel_loop3A_147 : vector<16xi32>
        %parallel_loop3A_149 = tpu.vector_load_idx %arg5[%parallel_loop3A_148] : memref<31752xf32, #tpu.memory_space<vmem>>[vector<16xi32>], vector<16xf32>,
        %parallel_loop3A_150 = arith.constant 1 : i32
        %parallel_loop3A_151 = arith.constant 1 : i32
        %parallel_loop3A_152 = arith.index_cast %parallel_loop3A_150 : i32 to index
        %parallel_loop3A_153 = arith.index_cast %parallel_loop3A_151 : i32 to index
        %parallel_loop3A_154 = arith.index_cast %parallel_loop3A_131 : i32 to index
        %parallel_loop3A_155 = tpu.vector_load %arg8[%parallel_loop3A_152, %parallel_loop3A_153, %parallel_loop3A_154] {strides = array<i32>} : memref<8x4x1024xf32, #tpu.memory_space<vmem>>, vector<16xf32>,
        tpu.vector_store %arg8[%parallel_loop3A_152, %parallel_loop3A_153, %parallel_loop3A_154], %parallel_loop3A_149 {strides = array<i32>} : memref<8x4x1024xf32, #tpu.memory_space<vmem>>, vector<16xf32>,
        %parallel_loop3A_156 = arith.constant 7938 : i32
        %parallel_loop3A_157 = vector.broadcast %parallel_loop3A_156 : i32 to vector<16xi32>
        %parallel_loop3A_158 = arith.addi %parallel_loop3A_135, %parallel_loop3A_157 : vector<16xi32>
        %parallel_loop3A_159 = tpu.vector_load_idx %arg5[%parallel_loop3A_158] : memref<31752xf32, #tpu.memory_space<vmem>>[vector<16xi32>], vector<16xf32>,
        %parallel_loop3A_160 = arith.constant 2 : i32
        %parallel_loop3A_161 = arith.constant 1 : i32
        %parallel_loop3A_162 = arith.index_cast %parallel_loop3A_160 : i32 to index
        %parallel_loop3A_163 = arith.index_cast %parallel_loop3A_161 : i32 to index
        %parallel_loop3A_164 = arith.index_cast %parallel_loop3A_131 : i32 to index
        %parallel_loop3A_165 = tpu.vector_load %arg8[%parallel_loop3A_162, %parallel_loop3A_163, %parallel_loop3A_164] {strides = array<i32>} : memref<8x4x1024xf32, #tpu.memory_space<vmem>>, vector<16xf32>,
        tpu.vector_store %arg8[%parallel_loop3A_162, %parallel_loop3A_163, %parallel_loop3A_164], %parallel_loop3A_159 {strides = array<i32>} : memref<8x4x1024xf32, #tpu.memory_space<vmem>>, vector<16xf32>,
        %parallel_loop3A_166 = arith.constant 11907 : i32
        %parallel_loop3A_167 = vector.broadcast %parallel_loop3A_166 : i32 to vector<16xi32>
        %parallel_loop3A_168 = arith.addi %parallel_loop3A_135, %parallel_loop3A_167 : vector<16xi32>
        %parallel_loop3A_169 = tpu.vector_load_idx %arg5[%parallel_loop3A_168] : memref<31752xf32, #tpu.memory_space<vmem>>[vector<16xi32>], vector<16xf32>,
        %parallel_loop3A_170 = arith.constant 3 : i32
        %parallel_loop3A_171 = arith.constant 1 : i32
        %parallel_loop3A_172 = arith.index_cast %parallel_loop3A_170 : i32 to index
        %parallel_loop3A_173 = arith.index_cast %parallel_loop3A_171 : i32 to index
        %parallel_loop3A_174 = arith.index_cast %parallel_loop3A_131 : i32 to index
        %parallel_loop3A_175 = tpu.vector_load %arg8[%parallel_loop3A_172, %parallel_loop3A_173, %parallel_loop3A_174] {strides = array<i32>} : memref<8x4x1024xf32, #tpu.memory_space<vmem>>, vector<16xf32>,
        tpu.vector_store %arg8[%parallel_loop3A_172, %parallel_loop3A_173, %parallel_loop3A_174], %parallel_loop3A_169 {strides = array<i32>} : memref<8x4x1024xf32, #tpu.memory_space<vmem>>, vector<16xf32>,
        %parallel_loop3A_176 = arith.constant 15876 : i32
        %parallel_loop3A_177 = vector.broadcast %parallel_loop3A_176 : i32 to vector<16xi32>
        %parallel_loop3A_178 = arith.addi %parallel_loop3A_135, %parallel_loop3A_177 : vector<16xi32>
        %parallel_loop3A_179 = tpu.vector_load_idx %arg5[%parallel_loop3A_178] : memref<31752xf32, #tpu.memory_space<vmem>>[vector<16xi32>], vector<16xf32>,
        %parallel_loop3A_180 = arith.constant 4 : i32
        %parallel_loop3A_181 = arith.constant 1 : i32
        %parallel_loop3A_182 = arith.index_cast %parallel_loop3A_180 : i32 to index
        %parallel_loop3A_183 = arith.index_cast %parallel_loop3A_181 : i32 to index
        %parallel_loop3A_184 = arith.index_cast %parallel_loop3A_131 : i32 to index
        %parallel_loop3A_185 = tpu.vector_load %arg8[%parallel_loop3A_182, %parallel_loop3A_183, %parallel_loop3A_184] {strides = array<i32>} : memref<8x4x1024xf32, #tpu.memory_space<vmem>>, vector<16xf32>,
        tpu.vector_store %arg8[%parallel_loop3A_182, %parallel_loop3A_183, %parallel_loop3A_184], %parallel_loop3A_179 {strides = array<i32>} : memref<8x4x1024xf32, #tpu.memory_space<vmem>>, vector<16xf32>,
        %parallel_loop3A_186 = arith.constant 19845 : i32
        %parallel_loop3A_187 = vector.broadcast %parallel_loop3A_186 : i32 to vector<16xi32>
        %parallel_loop3A_188 = arith.addi %parallel_loop3A_135, %parallel_loop3A_187 : vector<16xi32>
        %parallel_loop3A_189 = tpu.vector_load_idx %arg5[%parallel_loop3A_188] : memref<31752xf32, #tpu.memory_space<vmem>>[vector<16xi32>], vector<16xf32>,
        %parallel_loop3A_190 = arith.constant 5 : i32
        %parallel_loop3A_191 = arith.constant 1 : i32
        %parallel_loop3A_192 = arith.index_cast %parallel_loop3A_190 : i32 to index
        %parallel_loop3A_193 = arith.index_cast %parallel_loop3A_191 : i32 to index
        %parallel_loop3A_194 = arith.index_cast %parallel_loop3A_131 : i32 to index
        %parallel_loop3A_195 = tpu.vector_load %arg8[%parallel_loop3A_192, %parallel_loop3A_193, %parallel_loop3A_194] {strides = array<i32>} : memref<8x4x1024xf32, #tpu.memory_space<vmem>>, vector<16xf32>,
        tpu.vector_store %arg8[%parallel_loop3A_192, %parallel_loop3A_193, %parallel_loop3A_194], %parallel_loop3A_189 {strides = array<i32>} : memref<8x4x1024xf32, #tpu.memory_space<vmem>>, vector<16xf32>,
        %parallel_loop3A_196 = arith.constant 23814 : i32
        %parallel_loop3A_197 = vector.broadcast %parallel_loop3A_196 : i32 to vector<16xi32>
        %parallel_loop3A_198 = arith.addi %parallel_loop3A_135, %parallel_loop3A_197 : vector<16xi32>
        %parallel_loop3A_199 = tpu.vector_load_idx %arg5[%parallel_loop3A_198] : memref<31752xf32, #tpu.memory_space<vmem>>[vector<16xi32>], vector<16xf32>,
        %parallel_loop3A_200 = arith.constant 6 : i32
        %parallel_loop3A_201 = arith.constant 1 : i32
        %parallel_loop3A_202 = arith.index_cast %parallel_loop3A_200 : i32 to index
        %parallel_loop3A_203 = arith.index_cast %parallel_loop3A_201 : i32 to index
        %parallel_loop3A_204 = arith.index_cast %parallel_loop3A_131 : i32 to index
        %parallel_loop3A_205 = tpu.vector_load %arg8[%parallel_loop3A_202, %parallel_loop3A_203, %parallel_loop3A_204] {strides = array<i32>} : memref<8x4x1024xf32, #tpu.memory_space<vmem>>, vector<16xf32>,
        tpu.vector_store %arg8[%parallel_loop3A_202, %parallel_loop3A_203, %parallel_loop3A_204], %parallel_loop3A_199 {strides = array<i32>} : memref<8x4x1024xf32, #tpu.memory_space<vmem>>, vector<16xf32>,
        %parallel_loop3A_206 = arith.constant 27783 : i32
        %parallel_loop3A_207 = vector.broadcast %parallel_loop3A_206 : i32 to vector<16xi32>
        %parallel_loop3A_208 = arith.addi %parallel_loop3A_135, %parallel_loop3A_207 : vector<16xi32>
        %parallel_loop3A_209 = tpu.vector_load_idx %arg5[%parallel_loop3A_208] : memref<31752xf32, #tpu.memory_space<vmem>>[vector<16xi32>], vector<16xf32>,
        %parallel_loop3A_210 = arith.constant 7 : i32
        %parallel_loop3A_211 = arith.constant 1 : i32
        %parallel_loop3A_212 = arith.index_cast %parallel_loop3A_210 : i32 to index
        %parallel_loop3A_213 = arith.index_cast %parallel_loop3A_211 : i32 to index
        %parallel_loop3A_214 = arith.index_cast %parallel_loop3A_131 : i32 to index
        %parallel_loop3A_215 = tpu.vector_load %arg8[%parallel_loop3A_212, %parallel_loop3A_213, %parallel_loop3A_214] {strides = array<i32>} : memref<8x4x1024xf32, #tpu.memory_space<vmem>>, vector<16xf32>,
        tpu.vector_store %arg8[%parallel_loop3A_212, %parallel_loop3A_213, %parallel_loop3A_214], %parallel_loop3A_209 {strides = array<i32>} : memref<8x4x1024xf32, #tpu.memory_space<vmem>>, vector<16xf32>,
      } {sc.loop_unroll_factor = 4 : i64, sc.parallel_access}
      %parallel_loop3A_82 = arith.constant 0 : i32
      %parallel_loop3A_83 = arith.constant 1024 : i32
      %parallel_loop3A_84 = arith.constant 16 : i32
      scf.for %parallel_loop3A_131 = %parallel_loop3A_82 to %parallel_loop3A_83 step %parallel_loop3A_84  : i32 {
        %parallel_loop3A_132 = arith.constant 2 : i32
        %parallel_loop3A_133 = arith.index_cast %parallel_loop3A_132 : i32 to index
        %parallel_loop3A_134 = arith.index_cast %parallel_loop3A_131 : i32 to index
        %parallel_loop3A_135 = tpu.vector_load %arg6[%parallel_loop3A_133, %parallel_loop3A_134] {strides = array<i32>} : memref<4x1024xi32, #tpu.memory_space<vmem>>, vector<16xi32>,
        %parallel_loop3A_136 = arith.constant 0 : i32
        %parallel_loop3A_137 = vector.broadcast %parallel_loop3A_136 : i32 to vector<16xi32>
        %parallel_loop3A_138 = arith.addi %parallel_loop3A_135, %parallel_loop3A_137 : vector<16xi32>
        %parallel_loop3A_139 = tpu.vector_load_idx %arg5[%parallel_loop3A_138] : memref<31752xf32, #tpu.memory_space<vmem>>[vector<16xi32>], vector<16xf32>,
        %parallel_loop3A_140 = arith.constant 0 : i32
        %parallel_loop3A_141 = arith.constant 2 : i32
        %parallel_loop3A_142 = arith.index_cast %parallel_loop3A_140 : i32 to index
        %parallel_loop3A_143 = arith.index_cast %parallel_loop3A_141 : i32 to index
        %parallel_loop3A_144 = arith.index_cast %parallel_loop3A_131 : i32 to index
        %parallel_loop3A_145 = tpu.vector_load %arg8[%parallel_loop3A_142, %parallel_loop3A_143, %parallel_loop3A_144] {strides = array<i32>} : memref<8x4x1024xf32, #tpu.memory_space<vmem>>, vector<16xf32>,
        tpu.vector_store %arg8[%parallel_loop3A_142, %parallel_loop3A_143, %parallel_loop3A_144], %parallel_loop3A_139 {strides = array<i32>} : memref<8x4x1024xf32, #tpu.memory_space<vmem>>, vector<16xf32>,
        %parallel_loop3A_146 = arith.constant 3969 : i32
        %parallel_loop3A_147 = vector.broadcast %parallel_loop3A_146 : i32 to vector<16xi32>
        %parallel_loop3A_148 = arith.addi %parallel_loop3A_135, %parallel_loop3A_147 : vector<16xi32>
        %parallel_loop3A_149 = tpu.vector_load_idx %arg5[%parallel_loop3A_148] : memref<31752xf32, #tpu.memory_space<vmem>>[vector<16xi32>], vector<16xf32>,
        %parallel_loop3A_150 = arith.constant 1 : i32
        %parallel_loop3A_151 = arith.constant 2 : i32
        %parallel_loop3A_152 = arith.index_cast %parallel_loop3A_150 : i32 to index
        %parallel_loop3A_153 = arith.index_cast %parallel_loop3A_151 : i32 to index
        %parallel_loop3A_154 = arith.index_cast %parallel_loop3A_131 : i32 to index
        %parallel_loop3A_155 = tpu.vector_load %arg8[%parallel_loop3A_152, %parallel_loop3A_153, %parallel_loop3A_154] {strides = array<i32>} : memref<8x4x1024xf32, #tpu.memory_space<vmem>>, vector<16xf32>,
        tpu.vector_store %arg8[%parallel_loop3A_152, %parallel_loop3A_153, %parallel_loop3A_154], %parallel_loop3A_149 {strides = array<i32>} : memref<8x4x1024xf32, #tpu.memory_space<vmem>>, vector<16xf32>,
        %parallel_loop3A_156 = arith.constant 7938 : i32
        %parallel_loop3A_157 = vector.broadcast %parallel_loop3A_156 : i32 to vector<16xi32>
        %parallel_loop3A_158 = arith.addi %parallel_loop3A_135, %parallel_loop3A_157 : vector<16xi32>
        %parallel_loop3A_159 = tpu.vector_load_idx %arg5[%parallel_loop3A_158] : memref<31752xf32, #tpu.memory_space<vmem>>[vector<16xi32>], vector<16xf32>,
        %parallel_loop3A_160 = arith.constant 2 : i32
        %parallel_loop3A_161 = arith.constant 2 : i32
        %parallel_loop3A_162 = arith.index_cast %parallel_loop3A_160 : i32 to index
        %parallel_loop3A_163 = arith.index_cast %parallel_loop3A_161 : i32 to index
        %parallel_loop3A_164 = arith.index_cast %parallel_loop3A_131 : i32 to index
        %parallel_loop3A_165 = tpu.vector_load %arg8[%parallel_loop3A_162, %parallel_loop3A_163, %parallel_loop3A_164] {strides = array<i32>} : memref<8x4x1024xf32, #tpu.memory_space<vmem>>, vector<16xf32>,
        tpu.vector_store %arg8[%parallel_loop3A_162, %parallel_loop3A_163, %parallel_loop3A_164], %parallel_loop3A_159 {strides = array<i32>} : memref<8x4x1024xf32, #tpu.memory_space<vmem>>, vector<16xf32>,
        %parallel_loop3A_166 = arith.constant 11907 : i32
        %parallel_loop3A_167 = vector.broadcast %parallel_loop3A_166 : i32 to vector<16xi32>
        %parallel_loop3A_168 = arith.addi %parallel_loop3A_135, %parallel_loop3A_167 : vector<16xi32>
        %parallel_loop3A_169 = tpu.vector_load_idx %arg5[%parallel_loop3A_168] : memref<31752xf32, #tpu.memory_space<vmem>>[vector<16xi32>], vector<16xf32>,
        %parallel_loop3A_170 = arith.constant 3 : i32
        %parallel_loop3A_171 = arith.constant 2 : i32
        %parallel_loop3A_172 = arith.index_cast %parallel_loop3A_170 : i32 to index
        %parallel_loop3A_173 = arith.index_cast %parallel_loop3A_171 : i32 to index
        %parallel_loop3A_174 = arith.index_cast %parallel_loop3A_131 : i32 to index
        %parallel_loop3A_175 = tpu.vector_load %arg8[%parallel_loop3A_172, %parallel_loop3A_173, %parallel_loop3A_174] {strides = array<i32>} : memref<8x4x1024xf32, #tpu.memory_space<vmem>>, vector<16xf32>,
        tpu.vector_store %arg8[%parallel_loop3A_172, %parallel_loop3A_173, %parallel_loop3A_174], %parallel_loop3A_169 {strides = array<i32>} : memref<8x4x1024xf32, #tpu.memory_space<vmem>>, vector<16xf32>,
        %parallel_loop3A_176 = arith.constant 15876 : i32
        %parallel_loop3A_177 = vector.broadcast %parallel_loop3A_176 : i32 to vector<16xi32>
        %parallel_loop3A_178 = arith.addi %parallel_loop3A_135, %parallel_loop3A_177 : vector<16xi32>
        %parallel_loop3A_179 = tpu.vector_load_idx %arg5[%parallel_loop3A_178] : memref<31752xf32, #tpu.memory_space<vmem>>[vector<16xi32>], vector<16xf32>,
        %parallel_loop3A_180 = arith.constant 4 : i32
        %parallel_loop3A_181 = arith.constant 2 : i32
        %parallel_loop3A_182 = arith.index_cast %parallel_loop3A_180 : i32 to index
        %parallel_loop3A_183 = arith.index_cast %parallel_loop3A_181 : i32 to index
        %parallel_loop3A_184 = arith.index_cast %parallel_loop3A_131 : i32 to index
        %parallel_loop3A_185 = tpu.vector_load %arg8[%parallel_loop3A_182, %parallel_loop3A_183, %parallel_loop3A_184] {strides = array<i32>} : memref<8x4x1024xf32, #tpu.memory_space<vmem>>, vector<16xf32>,
        tpu.vector_store %arg8[%parallel_loop3A_182, %parallel_loop3A_183, %parallel_loop3A_184], %parallel_loop3A_179 {strides = array<i32>} : memref<8x4x1024xf32, #tpu.memory_space<vmem>>, vector<16xf32>,
        %parallel_loop3A_186 = arith.constant 19845 : i32
        %parallel_loop3A_187 = vector.broadcast %parallel_loop3A_186 : i32 to vector<16xi32>
        %parallel_loop3A_188 = arith.addi %parallel_loop3A_135, %parallel_loop3A_187 : vector<16xi32>
        %parallel_loop3A_189 = tpu.vector_load_idx %arg5[%parallel_loop3A_188] : memref<31752xf32, #tpu.memory_space<vmem>>[vector<16xi32>], vector<16xf32>,
        %parallel_loop3A_190 = arith.constant 5 : i32
        %parallel_loop3A_191 = arith.constant 2 : i32
        %parallel_loop3A_192 = arith.index_cast %parallel_loop3A_190 : i32 to index
        %parallel_loop3A_193 = arith.index_cast %parallel_loop3A_191 : i32 to index
        %parallel_loop3A_194 = arith.index_cast %parallel_loop3A_131 : i32 to index
        %parallel_loop3A_195 = tpu.vector_load %arg8[%parallel_loop3A_192, %parallel_loop3A_193, %parallel_loop3A_194] {strides = array<i32>} : memref<8x4x1024xf32, #tpu.memory_space<vmem>>, vector<16xf32>,
        tpu.vector_store %arg8[%parallel_loop3A_192, %parallel_loop3A_193, %parallel_loop3A_194], %parallel_loop3A_189 {strides = array<i32>} : memref<8x4x1024xf32, #tpu.memory_space<vmem>>, vector<16xf32>,
        %parallel_loop3A_196 = arith.constant 23814 : i32
        %parallel_loop3A_197 = vector.broadcast %parallel_loop3A_196 : i32 to vector<16xi32>
        %parallel_loop3A_198 = arith.addi %parallel_loop3A_135, %parallel_loop3A_197 : vector<16xi32>
        %parallel_loop3A_199 = tpu.vector_load_idx %arg5[%parallel_loop3A_198] : memref<31752xf32, #tpu.memory_space<vmem>>[vector<16xi32>], vector<16xf32>,
        %parallel_loop3A_200 = arith.constant 6 : i32
        %parallel_loop3A_201 = arith.constant 2 : i32
        %parallel_loop3A_202 = arith.index_cast %parallel_loop3A_200 : i32 to index
        %parallel_loop3A_203 = arith.index_cast %parallel_loop3A_201 : i32 to index
        %parallel_loop3A_204 = arith.index_cast %parallel_loop3A_131 : i32 to index
        %parallel_loop3A_205 = tpu.vector_load %arg8[%parallel_loop3A_202, %parallel_loop3A_203, %parallel_loop3A_204] {strides = array<i32>} : memref<8x4x1024xf32, #tpu.memory_space<vmem>>, vector<16xf32>,
        tpu.vector_store %arg8[%parallel_loop3A_202, %parallel_loop3A_203, %parallel_loop3A_204], %parallel_loop3A_199 {strides = array<i32>} : memref<8x4x1024xf32, #tpu.memory_space<vmem>>, vector<16xf32>,
        %parallel_loop3A_206 = arith.constant 27783 : i32
        %parallel_loop3A_207 = vector.broadcast %parallel_loop3A_206 : i32 to vector<16xi32>
        %parallel_loop3A_208 = arith.addi %parallel_loop3A_135, %parallel_loop3A_207 : vector<16xi32>
        %parallel_loop3A_209 = tpu.vector_load_idx %arg5[%parallel_loop3A_208] : memref<31752xf32, #tpu.memory_space<vmem>>[vector<16xi32>], vector<16xf32>,
        %parallel_loop3A_210 = arith.constant 7 : i32
        %parallel_loop3A_211 = arith.constant 2 : i32
        %parallel_loop3A_212 = arith.index_cast %parallel_loop3A_210 : i32 to index
        %parallel_loop3A_213 = arith.index_cast %parallel_loop3A_211 : i32 to index
        %parallel_loop3A_214 = arith.index_cast %parallel_loop3A_131 : i32 to index
        %parallel_loop3A_215 = tpu.vector_load %arg8[%parallel_loop3A_212, %parallel_loop3A_213, %parallel_loop3A_214] {strides = array<i32>} : memref<8x4x1024xf32, #tpu.memory_space<vmem>>, vector<16xf32>,
        tpu.vector_store %arg8[%parallel_loop3A_212, %parallel_loop3A_213, %parallel_loop3A_214], %parallel_loop3A_209 {strides = array<i32>} : memref<8x4x1024xf32, #tpu.memory_space<vmem>>, vector<16xf32>,
      } {sc.loop_unroll_factor = 4 : i64, sc.parallel_access}
      %parallel_loop3A_85 = arith.constant 0 : i32
      %parallel_loop3A_86 = arith.constant 1024 : i32
      %parallel_loop3A_87 = arith.constant 16 : i32
      scf.for %parallel_loop3A_131 = %parallel_loop3A_85 to %parallel_loop3A_86 step %parallel_loop3A_87  : i32 {
        %parallel_loop3A_132 = arith.constant 3 : i32
        %parallel_loop3A_133 = arith.index_cast %parallel_loop3A_132 : i32 to index
        %parallel_loop3A_134 = arith.index_cast %parallel_loop3A_131 : i32 to index
        %parallel_loop3A_135 = tpu.vector_load %arg6[%parallel_loop3A_133, %parallel_loop3A_134] {strides = array<i32>} : memref<4x1024xi32, #tpu.memory_space<vmem>>, vector<16xi32>,
        %parallel_loop3A_136 = arith.constant 0 : i32
        %parallel_loop3A_137 = vector.broadcast %parallel_loop3A_136 : i32 to vector<16xi32>
        %parallel_loop3A_138 = arith.addi %parallel_loop3A_135, %parallel_loop3A_137 : vector<16xi32>
        %parallel_loop3A_139 = tpu.vector_load_idx %arg5[%parallel_loop3A_138] : memref<31752xf32, #tpu.memory_space<vmem>>[vector<16xi32>], vector<16xf32>,
        %parallel_loop3A_140 = arith.constant 0 : i32
        %parallel_loop3A_141 = arith.constant 3 : i32
        %parallel_loop3A_142 = arith.index_cast %parallel_loop3A_140 : i32 to index
        %parallel_loop3A_143 = arith.index_cast %parallel_loop3A_141 : i32 to index
        %parallel_loop3A_144 = arith.index_cast %parallel_loop3A_131 : i32 to index
        %parallel_loop3A_145 = tpu.vector_load %arg8[%parallel_loop3A_142, %parallel_loop3A_143, %parallel_loop3A_144] {strides = array<i32>} : memref<8x4x1024xf32, #tpu.memory_space<vmem>>, vector<16xf32>,
        tpu.vector_store %arg8[%parallel_loop3A_142, %parallel_loop3A_143, %parallel_loop3A_144], %parallel_loop3A_139 {strides = array<i32>} : memref<8x4x1024xf32, #tpu.memory_space<vmem>>, vector<16xf32>,
        %parallel_loop3A_146 = arith.constant 3969 : i32
        %parallel_loop3A_147 = vector.broadcast %parallel_loop3A_146 : i32 to vector<16xi32>
        %parallel_loop3A_148 = arith.addi %parallel_loop3A_135, %parallel_loop3A_147 : vector<16xi32>
        %parallel_loop3A_149 = tpu.vector_load_idx %arg5[%parallel_loop3A_148] : memref<31752xf32, #tpu.memory_space<vmem>>[vector<16xi32>], vector<16xf32>,
        %parallel_loop3A_150 = arith.constant 1 : i32
        %parallel_loop3A_151 = arith.constant 3 : i32
        %parallel_loop3A_152 = arith.index_cast %parallel_loop3A_150 : i32 to index
        %parallel_loop3A_153 = arith.index_cast %parallel_loop3A_151 : i32 to index
        %parallel_loop3A_154 = arith.index_cast %parallel_loop3A_131 : i32 to index
        %parallel_loop3A_155 = tpu.vector_load %arg8[%parallel_loop3A_152, %parallel_loop3A_153, %parallel_loop3A_154] {strides = array<i32>} : memref<8x4x1024xf32, #tpu.memory_space<vmem>>, vector<16xf32>,
        tpu.vector_store %arg8[%parallel_loop3A_152, %parallel_loop3A_153, %parallel_loop3A_154], %parallel_loop3A_149 {strides = array<i32>} : memref<8x4x1024xf32, #tpu.memory_space<vmem>>, vector<16xf32>,
        %parallel_loop3A_156 = arith.constant 7938 : i32
        %parallel_loop3A_157 = vector.broadcast %parallel_loop3A_156 : i32 to vector<16xi32>
        %parallel_loop3A_158 = arith.addi %parallel_loop3A_135, %parallel_loop3A_157 : vector<16xi32>
        %parallel_loop3A_159 = tpu.vector_load_idx %arg5[%parallel_loop3A_158] : memref<31752xf32, #tpu.memory_space<vmem>>[vector<16xi32>], vector<16xf32>,
        %parallel_loop3A_160 = arith.constant 2 : i32
        %parallel_loop3A_161 = arith.constant 3 : i32
        %parallel_loop3A_162 = arith.index_cast %parallel_loop3A_160 : i32 to index
        %parallel_loop3A_163 = arith.index_cast %parallel_loop3A_161 : i32 to index
        %parallel_loop3A_164 = arith.index_cast %parallel_loop3A_131 : i32 to index
        %parallel_loop3A_165 = tpu.vector_load %arg8[%parallel_loop3A_162, %parallel_loop3A_163, %parallel_loop3A_164] {strides = array<i32>} : memref<8x4x1024xf32, #tpu.memory_space<vmem>>, vector<16xf32>,
        tpu.vector_store %arg8[%parallel_loop3A_162, %parallel_loop3A_163, %parallel_loop3A_164], %parallel_loop3A_159 {strides = array<i32>} : memref<8x4x1024xf32, #tpu.memory_space<vmem>>, vector<16xf32>,
        %parallel_loop3A_166 = arith.constant 11907 : i32
        %parallel_loop3A_167 = vector.broadcast %parallel_loop3A_166 : i32 to vector<16xi32>
        %parallel_loop3A_168 = arith.addi %parallel_loop3A_135, %parallel_loop3A_167 : vector<16xi32>
        %parallel_loop3A_169 = tpu.vector_load_idx %arg5[%parallel_loop3A_168] : memref<31752xf32, #tpu.memory_space<vmem>>[vector<16xi32>], vector<16xf32>,
        %parallel_loop3A_170 = arith.constant 3 : i32
        %parallel_loop3A_171 = arith.constant 3 : i32
        %parallel_loop3A_172 = arith.index_cast %parallel_loop3A_170 : i32 to index
        %parallel_loop3A_173 = arith.index_cast %parallel_loop3A_171 : i32 to index
        %parallel_loop3A_174 = arith.index_cast %parallel_loop3A_131 : i32 to index
        %parallel_loop3A_175 = tpu.vector_load %arg8[%parallel_loop3A_172, %parallel_loop3A_173, %parallel_loop3A_174] {strides = array<i32>} : memref<8x4x1024xf32, #tpu.memory_space<vmem>>, vector<16xf32>,
        tpu.vector_store %arg8[%parallel_loop3A_172, %parallel_loop3A_173, %parallel_loop3A_174], %parallel_loop3A_169 {strides = array<i32>} : memref<8x4x1024xf32, #tpu.memory_space<vmem>>, vector<16xf32>,
        %parallel_loop3A_176 = arith.constant 15876 : i32
        %parallel_loop3A_177 = vector.broadcast %parallel_loop3A_176 : i32 to vector<16xi32>
        %parallel_loop3A_178 = arith.addi %parallel_loop3A_135, %parallel_loop3A_177 : vector<16xi32>
        %parallel_loop3A_179 = tpu.vector_load_idx %arg5[%parallel_loop3A_178] : memref<31752xf32, #tpu.memory_space<vmem>>[vector<16xi32>], vector<16xf32>,
        %parallel_loop3A_180 = arith.constant 4 : i32
        %parallel_loop3A_181 = arith.constant 3 : i32
        %parallel_loop3A_182 = arith.index_cast %parallel_loop3A_180 : i32 to index
        %parallel_loop3A_183 = arith.index_cast %parallel_loop3A_181 : i32 to index
        %parallel_loop3A_184 = arith.index_cast %parallel_loop3A_131 : i32 to index
        %parallel_loop3A_185 = tpu.vector_load %arg8[%parallel_loop3A_182, %parallel_loop3A_183, %parallel_loop3A_184] {strides = array<i32>} : memref<8x4x1024xf32, #tpu.memory_space<vmem>>, vector<16xf32>,
        tpu.vector_store %arg8[%parallel_loop3A_182, %parallel_loop3A_183, %parallel_loop3A_184], %parallel_loop3A_179 {strides = array<i32>} : memref<8x4x1024xf32, #tpu.memory_space<vmem>>, vector<16xf32>,
        %parallel_loop3A_186 = arith.constant 19845 : i32
        %parallel_loop3A_187 = vector.broadcast %parallel_loop3A_186 : i32 to vector<16xi32>
        %parallel_loop3A_188 = arith.addi %parallel_loop3A_135, %parallel_loop3A_187 : vector<16xi32>
        %parallel_loop3A_189 = tpu.vector_load_idx %arg5[%parallel_loop3A_188] : memref<31752xf32, #tpu.memory_space<vmem>>[vector<16xi32>], vector<16xf32>,
        %parallel_loop3A_190 = arith.constant 5 : i32
        %parallel_loop3A_191 = arith.constant 3 : i32
        %parallel_loop3A_192 = arith.index_cast %parallel_loop3A_190 : i32 to index
        %parallel_loop3A_193 = arith.index_cast %parallel_loop3A_191 : i32 to index
        %parallel_loop3A_194 = arith.index_cast %parallel_loop3A_131 : i32 to index
        %parallel_loop3A_195 = tpu.vector_load %arg8[%parallel_loop3A_192, %parallel_loop3A_193, %parallel_loop3A_194] {strides = array<i32>} : memref<8x4x1024xf32, #tpu.memory_space<vmem>>, vector<16xf32>,
        tpu.vector_store %arg8[%parallel_loop3A_192, %parallel_loop3A_193, %parallel_loop3A_194], %parallel_loop3A_189 {strides = array<i32>} : memref<8x4x1024xf32, #tpu.memory_space<vmem>>, vector<16xf32>,
        %parallel_loop3A_196 = arith.constant 23814 : i32
        %parallel_loop3A_197 = vector.broadcast %parallel_loop3A_196 : i32 to vector<16xi32>
        %parallel_loop3A_198 = arith.addi %parallel_loop3A_135, %parallel_loop3A_197 : vector<16xi32>
        %parallel_loop3A_199 = tpu.vector_load_idx %arg5[%parallel_loop3A_198] : memref<31752xf32, #tpu.memory_space<vmem>>[vector<16xi32>], vector<16xf32>,
        %parallel_loop3A_200 = arith.constant 6 : i32
        %parallel_loop3A_201 = arith.constant 3 : i32
        %parallel_loop3A_202 = arith.index_cast %parallel_loop3A_200 : i32 to index
        %parallel_loop3A_203 = arith.index_cast %parallel_loop3A_201 : i32 to index
        %parallel_loop3A_204 = arith.index_cast %parallel_loop3A_131 : i32 to index
        %parallel_loop3A_205 = tpu.vector_load %arg8[%parallel_loop3A_202, %parallel_loop3A_203, %parallel_loop3A_204] {strides = array<i32>} : memref<8x4x1024xf32, #tpu.memory_space<vmem>>, vector<16xf32>,
        tpu.vector_store %arg8[%parallel_loop3A_202, %parallel_loop3A_203, %parallel_loop3A_204], %parallel_loop3A_199 {strides = array<i32>} : memref<8x4x1024xf32, #tpu.memory_space<vmem>>, vector<16xf32>,
        %parallel_loop3A_206 = arith.constant 27783 : i32
        %parallel_loop3A_207 = vector.broadcast %parallel_loop3A_206 : i32 to vector<16xi32>
        %parallel_loop3A_208 = arith.addi %parallel_loop3A_135, %parallel_loop3A_207 : vector<16xi32>
        %parallel_loop3A_209 = tpu.vector_load_idx %arg5[%parallel_loop3A_208] : memref<31752xf32, #tpu.memory_space<vmem>>[vector<16xi32>], vector<16xf32>,
        %parallel_loop3A_210 = arith.constant 7 : i32
        %parallel_loop3A_211 = arith.constant 3 : i32
        %parallel_loop3A_212 = arith.index_cast %parallel_loop3A_210 : i32 to index
        %parallel_loop3A_213 = arith.index_cast %parallel_loop3A_211 : i32 to index
        %parallel_loop3A_214 = arith.index_cast %parallel_loop3A_131 : i32 to index
        %parallel_loop3A_215 = tpu.vector_load %arg8[%parallel_loop3A_212, %parallel_loop3A_213, %parallel_loop3A_214] {strides = array<i32>} : memref<8x4x1024xf32, #tpu.memory_space<vmem>>, vector<16xf32>,
        tpu.vector_store %arg8[%parallel_loop3A_212, %parallel_loop3A_213, %parallel_loop3A_214], %parallel_loop3A_209 {strides = array<i32>} : memref<8x4x1024xf32, #tpu.memory_space<vmem>>, vector<16xf32>,
      } {sc.loop_unroll_factor = 4 : i64, sc.parallel_access}
      %dma_start3A_88 = arith.constant 0 : i32
      %dma_start3A_89 = tpu.memref_slice %arg4[%mul3A_34, %add3A_63, %dma_start3A_88] : memref<16x1024x1024xf32, #tpu.memory_space<hbm>> -> memref<8x4x1024xf32, #tpu.memory_space<hbm>>
      %dma_start3A_90 = arith.constant 0 : i32
      %dma_start3A_91 = tpu.memref_slice %arg4[%mul3A_34, %add3A_63, %dma_start3A_90] : memref<16x1024x1024xf32, #tpu.memory_space<hbm>> -> memref<8x4x1024xf32, #tpu.memory_space<hbm>>
      tpu.enqueue_dma source(%arg8 : memref<8x4x1024xf32, #tpu.memory_space<vmem>>) target(%dma_start3A_91 : memref<8x4x1024xf32, #tpu.memory_space<hbm>>) target_semaphore(%arg13 : memref<!tpu.dma_semaphore, #tpu.memory_space<semaphore_mem>>)
      %mul3A_92 = arith.constant 2 : i32
      %mul3A_93 = arith.muli %scan3A_56, %mul3A_92 : i32
      %add3A_94 = arith.constant 1 : i32
      %add3A_95 = arith.addi %mul3A_93, %add3A_94 : i32
      %mul3A_96 = arith.constant 4 : i32
      %mul3A_97 = arith.muli %add3A_95, %mul3A_96 : i32
      %add3A_98 = arith.addi %mul3A_32, %mul3A_97 : i32
      %add3A_99 = arith.constant 1 : i32
      %add3A_100 = arith.addi %add3A_95, %add3A_99 : i32
      %lt3A_101 = arith.constant 16 : i32
      %lt3A_102 = arith.cmpi slt, %add3A_100, %lt3A_101 : i32
      %convert_element_type3A_103 = arith.extui %lt3A_102 : i1 to i32
      %cond3A_104 = arith.constant 0 : i32
      %cond3A_105 = arith.cmpi ne, %convert_element_type3A_103, %cond3A_104 : i32
      scf.if %cond3A_105 {
        %add3A_131 = arith.constant 4 : i32
        %add3A_132 = arith.addi %add3A_98, %add3A_131 : i32
        %dma_start3A_133 = arith.constant 0 : i32
        %dma_start3A_134 = tpu.memref_slice %arg3[%add3A_132, %dma_start3A_133] : memref<1024x1024xi32, #tpu.memory_space<hbm>> -> memref<4x1024xi32, #tpu.memory_space<hbm>>
        %dma_start3A_135 = arith.constant 0 : i32
        %dma_start3A_136 = tpu.memref_slice %arg3[%add3A_132, %dma_start3A_135] : memref<1024x1024xi32, #tpu.memory_space<hbm>> -> memref<4x1024xi32, #tpu.memory_space<hbm>>
        tpu.enqueue_dma source(%dma_start3A_136 : memref<4x1024xi32, #tpu.memory_space<hbm>>) target(%arg6 : memref<4x1024xi32, #tpu.memory_space<vmem>>) target_semaphore(%arg11 : memref<!tpu.dma_semaphore, #tpu.memory_space<semaphore_mem>>)
      } else {
      }
      %dma_wait3A_106 = arith.constant 0 : i32
      %dma_wait3A_107 = tpu.memref_slice %arg3[%add3A_98, %dma_wait3A_106] : memref<1024x1024xi32, #tpu.memory_space<hbm>> -> memref<4x1024xi32, #tpu.memory_space<hbm>>
      %dma_wait3A_108 = arith.constant 0 : i32
      %dma_wait3A_109 = tpu.memref_slice %arg3[%add3A_98, %dma_wait3A_108] : memref<1024x1024xi32, #tpu.memory_space<hbm>> -> memref<4x1024xi32, #tpu.memory_space<hbm>>
      tpu.wait_dma2 semaphore(%arg12 : memref<!tpu.dma_semaphore, #tpu.memory_space<semaphore_mem>>) src(%dma_wait3A_109 : memref<4x1024xi32, #tpu.memory_space<hbm>>) dst(%arg7 : memref<4x1024xi32, #tpu.memory_space<vmem>>)
      %ge3A_110 = arith.constant 1 : i32
      %ge3A_111 = arith.cmpi sge, %scan3A_56, %ge3A_110 : i32
      %convert_element_type3A_112 = arith.extui %ge3A_111 : i1 to i32
      %cond3A_113 = arith.constant 0 : i32
      %cond3A_114 = arith.cmpi ne, %convert_element_type3A_112, %cond3A_113 : i32
      scf.if %cond3A_114 {
        %dma_wait3A_131 = arith.constant 0 : i32
        %dma_wait3A_132 = tpu.memref_slice %arg4[%mul3A_34, %add3A_98, %dma_wait3A_131] : memref<16x1024x1024xf32, #tpu.memory_space<hbm>> -> memref<8x4x1024xf32, #tpu.memory_space<hbm>>
        %dma_wait3A_133 = arith.constant 0 : i32
        %dma_wait3A_134 = tpu.memref_slice %arg4[%mul3A_34, %add3A_98, %dma_wait3A_133] : memref<16x1024x1024xf32, #tpu.memory_space<hbm>> -> memref<8x4x1024xf32, #tpu.memory_space<hbm>>
        tpu.wait_dma2 semaphore(%arg14 : memref<!tpu.dma_semaphore, #tpu.memory_space<semaphore_mem>>) src(%arg9 : memref<8x4x1024xf32, #tpu.memory_space<vmem>>) dst(%dma_wait3A_134 : memref<8x4x1024xf32, #tpu.memory_space<hbm>>)
      } else {
      }
      %parallel_loop3A_115 = arith.constant 0 : i32
      %parallel_loop3A_116 = arith.constant 1024 : i32
      %parallel_loop3A_117 = arith.constant 16 : i32
      scf.for %parallel_loop3A_131 = %parallel_loop3A_115 to %parallel_loop3A_116 step %parallel_loop3A_117  : i32 {
        %parallel_loop3A_132 = arith.constant 0 : i32
        %parallel_loop3A_133 = arith.index_cast %parallel_loop3A_132 : i32 to index
        %parallel_loop3A_134 = arith.index_cast %parallel_loop3A_131 : i32 to index
        %parallel_loop3A_135 = tpu.vector_load %arg7[%parallel_loop3A_133, %parallel_loop3A_134] {strides = array<i32>} : memref<4x1024xi32, #tpu.memory_space<vmem>>, vector<16xi32>,
        %parallel_loop3A_136 = arith.constant 0 : i32
        %parallel_loop3A_137 = vector.broadcast %parallel_loop3A_136 : i32 to vector<16xi32>
        %parallel_loop3A_138 = arith.addi %parallel_loop3A_135, %parallel_loop3A_137 : vector<16xi32>
        %parallel_loop3A_139 = tpu.vector_load_idx %arg5[%parallel_loop3A_138] : memref<31752xf32, #tpu.memory_space<vmem>>[vector<16xi32>], vector<16xf32>,
        %parallel_loop3A_140 = arith.constant 0 : i32
        %parallel_loop3A_141 = arith.constant 0 : i32
        %parallel_loop3A_142 = arith.index_cast %parallel_loop3A_140 : i32 to index
        %parallel_loop3A_143 = arith.index_cast %parallel_loop3A_141 : i32 to index
        %parallel_loop3A_144 = arith.index_cast %parallel_loop3A_131 : i32 to index
        %parallel_loop3A_145 = tpu.vector_load %arg9[%parallel_loop3A_142, %parallel_loop3A_143, %parallel_loop3A_144] {strides = array<i32>} : memref<8x4x1024xf32, #tpu.memory_space<vmem>>, vector<16xf32>,
        tpu.vector_store %arg9[%parallel_loop3A_142, %parallel_loop3A_143, %parallel_loop3A_144], %parallel_loop3A_139 {strides = array<i32>} : memref<8x4x1024xf32, #tpu.memory_space<vmem>>, vector<16xf32>,
        %parallel_loop3A_146 = arith.constant 3969 : i32
        %parallel_loop3A_147 = vector.broadcast %parallel_loop3A_146 : i32 to vector<16xi32>
        %parallel_loop3A_148 = arith.addi %parallel_loop3A_135, %parallel_loop3A_147 : vector<16xi32>
        %parallel_loop3A_149 = tpu.vector_load_idx %arg5[%parallel_loop3A_148] : memref<31752xf32, #tpu.memory_space<vmem>>[vector<16xi32>], vector<16xf32>,
        %parallel_loop3A_150 = arith.constant 1 : i32
        %parallel_loop3A_151 = arith.constant 0 : i32
        %parallel_loop3A_152 = arith.index_cast %parallel_loop3A_150 : i32 to index
        %parallel_loop3A_153 = arith.index_cast %parallel_loop3A_151 : i32 to index
        %parallel_loop3A_154 = arith.index_cast %parallel_loop3A_131 : i32 to index
        %parallel_loop3A_155 = tpu.vector_load %arg9[%parallel_loop3A_152, %parallel_loop3A_153, %parallel_loop3A_154] {strides = array<i32>} : memref<8x4x1024xf32, #tpu.memory_space<vmem>>, vector<16xf32>,
        tpu.vector_store %arg9[%parallel_loop3A_152, %parallel_loop3A_153, %parallel_loop3A_154], %parallel_loop3A_149 {strides = array<i32>} : memref<8x4x1024xf32, #tpu.memory_space<vmem>>, vector<16xf32>,
        %parallel_loop3A_156 = arith.constant 7938 : i32
        %parallel_loop3A_157 = vector.broadcast %parallel_loop3A_156 : i32 to vector<16xi32>
        %parallel_loop3A_158 = arith.addi %parallel_loop3A_135, %parallel_loop3A_157 : vector<16xi32>
        %parallel_loop3A_159 = tpu.vector_load_idx %arg5[%parallel_loop3A_158] : memref<31752xf32, #tpu.memory_space<vmem>>[vector<16xi32>], vector<16xf32>,
        %parallel_loop3A_160 = arith.constant 2 : i32
        %parallel_loop3A_161 = arith.constant 0 : i32
        %parallel_loop3A_162 = arith.index_cast %parallel_loop3A_160 : i32 to index
        %parallel_loop3A_163 = arith.index_cast %parallel_loop3A_161 : i32 to index
        %parallel_loop3A_164 = arith.index_cast %parallel_loop3A_131 : i32 to index
        %parallel_loop3A_165 = tpu.vector_load %arg9[%parallel_loop3A_162, %parallel_loop3A_163, %parallel_loop3A_164] {strides = array<i32>} : memref<8x4x1024xf32, #tpu.memory_space<vmem>>, vector<16xf32>,
        tpu.vector_store %arg9[%parallel_loop3A_162, %parallel_loop3A_163, %parallel_loop3A_164], %parallel_loop3A_159 {strides = array<i32>} : memref<8x4x1024xf32, #tpu.memory_space<vmem>>, vector<16xf32>,
        %parallel_loop3A_166 = arith.constant 11907 : i32
        %parallel_loop3A_167 = vector.broadcast %parallel_loop3A_166 : i32 to vector<16xi32>
        %parallel_loop3A_168 = arith.addi %parallel_loop3A_135, %parallel_loop3A_167 : vector<16xi32>
        %parallel_loop3A_169 = tpu.vector_load_idx %arg5[%parallel_loop3A_168] : memref<31752xf32, #tpu.memory_space<vmem>>[vector<16xi32>], vector<16xf32>,
        %parallel_loop3A_170 = arith.constant 3 : i32
        %parallel_loop3A_171 = arith.constant 0 : i32
        %parallel_loop3A_172 = arith.index_cast %parallel_loop3A_170 : i32 to index
        %parallel_loop3A_173 = arith.index_cast %parallel_loop3A_171 : i32 to index
        %parallel_loop3A_174 = arith.index_cast %parallel_loop3A_131 : i32 to index
        %parallel_loop3A_175 = tpu.vector_load %arg9[%parallel_loop3A_172, %parallel_loop3A_173, %parallel_loop3A_174] {strides = array<i32>} : memref<8x4x1024xf32, #tpu.memory_space<vmem>>, vector<16xf32>,
        tpu.vector_store %arg9[%parallel_loop3A_172, %parallel_loop3A_173, %parallel_loop3A_174], %parallel_loop3A_169 {strides = array<i32>} : memref<8x4x1024xf32, #tpu.memory_space<vmem>>, vector<16xf32>,
        %parallel_loop3A_176 = arith.constant 15876 : i32
        %parallel_loop3A_177 = vector.broadcast %parallel_loop3A_176 : i32 to vector<16xi32>
        %parallel_loop3A_178 = arith.addi %parallel_loop3A_135, %parallel_loop3A_177 : vector<16xi32>
        %parallel_loop3A_179 = tpu.vector_load_idx %arg5[%parallel_loop3A_178] : memref<31752xf32, #tpu.memory_space<vmem>>[vector<16xi32>], vector<16xf32>,
        %parallel_loop3A_180 = arith.constant 4 : i32
        %parallel_loop3A_181 = arith.constant 0 : i32
        %parallel_loop3A_182 = arith.index_cast %parallel_loop3A_180 : i32 to index
        %parallel_loop3A_183 = arith.index_cast %parallel_loop3A_181 : i32 to index
        %parallel_loop3A_184 = arith.index_cast %parallel_loop3A_131 : i32 to index
        %parallel_loop3A_185 = tpu.vector_load %arg9[%parallel_loop3A_182, %parallel_loop3A_183, %parallel_loop3A_184] {strides = array<i32>} : memref<8x4x1024xf32, #tpu.memory_space<vmem>>, vector<16xf32>,
        tpu.vector_store %arg9[%parallel_loop3A_182, %parallel_loop3A_183, %parallel_loop3A_184], %parallel_loop3A_179 {strides = array<i32>} : memref<8x4x1024xf32, #tpu.memory_space<vmem>>, vector<16xf32>,
        %parallel_loop3A_186 = arith.constant 19845 : i32
        %parallel_loop3A_187 = vector.broadcast %parallel_loop3A_186 : i32 to vector<16xi32>
        %parallel_loop3A_188 = arith.addi %parallel_loop3A_135, %parallel_loop3A_187 : vector<16xi32>
        %parallel_loop3A_189 = tpu.vector_load_idx %arg5[%parallel_loop3A_188] : memref<31752xf32, #tpu.memory_space<vmem>>[vector<16xi32>], vector<16xf32>,
        %parallel_loop3A_190 = arith.constant 5 : i32
        %parallel_loop3A_191 = arith.constant 0 : i32
        %parallel_loop3A_192 = arith.index_cast %parallel_loop3A_190 : i32 to index
        %parallel_loop3A_193 = arith.index_cast %parallel_loop3A_191 : i32 to index
        %parallel_loop3A_194 = arith.index_cast %parallel_loop3A_131 : i32 to index
        %parallel_loop3A_195 = tpu.vector_load %arg9[%parallel_loop3A_192, %parallel_loop3A_193, %parallel_loop3A_194] {strides = array<i32>} : memref<8x4x1024xf32, #tpu.memory_space<vmem>>, vector<16xf32>,
        tpu.vector_store %arg9[%parallel_loop3A_192, %parallel_loop3A_193, %parallel_loop3A_194], %parallel_loop3A_189 {strides = array<i32>} : memref<8x4x1024xf32, #tpu.memory_space<vmem>>, vector<16xf32>,
        %parallel_loop3A_196 = arith.constant 23814 : i32
        %parallel_loop3A_197 = vector.broadcast %parallel_loop3A_196 : i32 to vector<16xi32>
        %parallel_loop3A_198 = arith.addi %parallel_loop3A_135, %parallel_loop3A_197 : vector<16xi32>
        %parallel_loop3A_199 = tpu.vector_load_idx %arg5[%parallel_loop3A_198] : memref<31752xf32, #tpu.memory_space<vmem>>[vector<16xi32>], vector<16xf32>,
        %parallel_loop3A_200 = arith.constant 6 : i32
        %parallel_loop3A_201 = arith.constant 0 : i32
        %parallel_loop3A_202 = arith.index_cast %parallel_loop3A_200 : i32 to index
        %parallel_loop3A_203 = arith.index_cast %parallel_loop3A_201 : i32 to index
        %parallel_loop3A_204 = arith.index_cast %parallel_loop3A_131 : i32 to index
        %parallel_loop3A_205 = tpu.vector_load %arg9[%parallel_loop3A_202, %parallel_loop3A_203, %parallel_loop3A_204] {strides = array<i32>} : memref<8x4x1024xf32, #tpu.memory_space<vmem>>, vector<16xf32>,
        tpu.vector_store %arg9[%parallel_loop3A_202, %parallel_loop3A_203, %parallel_loop3A_204], %parallel_loop3A_199 {strides = array<i32>} : memref<8x4x1024xf32, #tpu.memory_space<vmem>>, vector<16xf32>,
        %parallel_loop3A_206 = arith.constant 27783 : i32
        %parallel_loop3A_207 = vector.broadcast %parallel_loop3A_206 : i32 to vector<16xi32>
        %parallel_loop3A_208 = arith.addi %parallel_loop3A_135, %parallel_loop3A_207 : vector<16xi32>
        %parallel_loop3A_209 = tpu.vector_load_idx %arg5[%parallel_loop3A_208] : memref<31752xf32, #tpu.memory_space<vmem>>[vector<16xi32>], vector<16xf32>,
        %parallel_loop3A_210 = arith.constant 7 : i32
        %parallel_loop3A_211 = arith.constant 0 : i32
        %parallel_loop3A_212 = arith.index_cast %parallel_loop3A_210 : i32 to index
        %parallel_loop3A_213 = arith.index_cast %parallel_loop3A_211 : i32 to index
        %parallel_loop3A_214 = arith.index_cast %parallel_loop3A_131 : i32 to index
        %parallel_loop3A_215 = tpu.vector_load %arg9[%parallel_loop3A_212, %parallel_loop3A_213, %parallel_loop3A_214] {strides = array<i32>} : memref<8x4x1024xf32, #tpu.memory_space<vmem>>, vector<16xf32>,
        tpu.vector_store %arg9[%parallel_loop3A_212, %parallel_loop3A_213, %parallel_loop3A_214], %parallel_loop3A_209 {strides = array<i32>} : memref<8x4x1024xf32, #tpu.memory_space<vmem>>, vector<16xf32>,
      } {sc.loop_unroll_factor = 4 : i64, sc.parallel_access}
      %parallel_loop3A_118 = arith.constant 0 : i32
      %parallel_loop3A_119 = arith.constant 1024 : i32
      %parallel_loop3A_120 = arith.constant 16 : i32
      scf.for %parallel_loop3A_131 = %parallel_loop3A_118 to %parallel_loop3A_119 step %parallel_loop3A_120  : i32 {
        %parallel_loop3A_132 = arith.constant 1 : i32
        %parallel_loop3A_133 = arith.index_cast %parallel_loop3A_132 : i32 to index
        %parallel_loop3A_134 = arith.index_cast %parallel_loop3A_131 : i32 to index
        %parallel_loop3A_135 = tpu.vector_load %arg7[%parallel_loop3A_133, %parallel_loop3A_134] {strides = array<i32>} : memref<4x1024xi32, #tpu.memory_space<vmem>>, vector<16xi32>,
        %parallel_loop3A_136 = arith.constant 0 : i32
        %parallel_loop3A_137 = vector.broadcast %parallel_loop3A_136 : i32 to vector<16xi32>
        %parallel_loop3A_138 = arith.addi %parallel_loop3A_135, %parallel_loop3A_137 : vector<16xi32>
        %parallel_loop3A_139 = tpu.vector_load_idx %arg5[%parallel_loop3A_138] : memref<31752xf32, #tpu.memory_space<vmem>>[vector<16xi32>], vector<16xf32>,
        %parallel_loop3A_140 = arith.constant 0 : i32
        %parallel_loop3A_141 = arith.constant 1 : i32
        %parallel_loop3A_142 = arith.index_cast %parallel_loop3A_140 : i32 to index
        %parallel_loop3A_143 = arith.index_cast %parallel_loop3A_141 : i32 to index
        %parallel_loop3A_144 = arith.index_cast %parallel_loop3A_131 : i32 to index
        %parallel_loop3A_145 = tpu.vector_load %arg9[%parallel_loop3A_142, %parallel_loop3A_143, %parallel_loop3A_144] {strides = array<i32>} : memref<8x4x1024xf32, #tpu.memory_space<vmem>>, vector<16xf32>,
        tpu.vector_store %arg9[%parallel_loop3A_142, %parallel_loop3A_143, %parallel_loop3A_144], %parallel_loop3A_139 {strides = array<i32>} : memref<8x4x1024xf32, #tpu.memory_space<vmem>>, vector<16xf32>,
        %parallel_loop3A_146 = arith.constant 3969 : i32
        %parallel_loop3A_147 = vector.broadcast %parallel_loop3A_146 : i32 to vector<16xi32>
        %parallel_loop3A_148 = arith.addi %parallel_loop3A_135, %parallel_loop3A_147 : vector<16xi32>
        %parallel_loop3A_149 = tpu.vector_load_idx %arg5[%parallel_loop3A_148] : memref<31752xf32, #tpu.memory_space<vmem>>[vector<16xi32>], vector<16xf32>,
        %parallel_loop3A_150 = arith.constant 1 : i32
        %parallel_loop3A_151 = arith.constant 1 : i32
        %parallel_loop3A_152 = arith.index_cast %parallel_loop3A_150 : i32 to index
        %parallel_loop3A_153 = arith.index_cast %parallel_loop3A_151 : i32 to index
        %parallel_loop3A_154 = arith.index_cast %parallel_loop3A_131 : i32 to index
        %parallel_loop3A_155 = tpu.vector_load %arg9[%parallel_loop3A_152, %parallel_loop3A_153, %parallel_loop3A_154] {strides = array<i32>} : memref<8x4x1024xf32, #tpu.memory_space<vmem>>, vector<16xf32>,
        tpu.vector_store %arg9[%parallel_loop3A_152, %parallel_loop3A_153, %parallel_loop3A_154], %parallel_loop3A_149 {strides = array<i32>} : memref<8x4x1024xf32, #tpu.memory_space<vmem>>, vector<16xf32>,
        %parallel_loop3A_156 = arith.constant 7938 : i32
        %parallel_loop3A_157 = vector.broadcast %parallel_loop3A_156 : i32 to vector<16xi32>
        %parallel_loop3A_158 = arith.addi %parallel_loop3A_135, %parallel_loop3A_157 : vector<16xi32>
        %parallel_loop3A_159 = tpu.vector_load_idx %arg5[%parallel_loop3A_158] : memref<31752xf32, #tpu.memory_space<vmem>>[vector<16xi32>], vector<16xf32>,
        %parallel_loop3A_160 = arith.constant 2 : i32
        %parallel_loop3A_161 = arith.constant 1 : i32
        %parallel_loop3A_162 = arith.index_cast %parallel_loop3A_160 : i32 to index
        %parallel_loop3A_163 = arith.index_cast %parallel_loop3A_161 : i32 to index
        %parallel_loop3A_164 = arith.index_cast %parallel_loop3A_131 : i32 to index
        %parallel_loop3A_165 = tpu.vector_load %arg9[%parallel_loop3A_162, %parallel_loop3A_163, %parallel_loop3A_164] {strides = array<i32>} : memref<8x4x1024xf32, #tpu.memory_space<vmem>>, vector<16xf32>,
        tpu.vector_store %arg9[%parallel_loop3A_162, %parallel_loop3A_163, %parallel_loop3A_164], %parallel_loop3A_159 {strides = array<i32>} : memref<8x4x1024xf32, #tpu.memory_space<vmem>>, vector<16xf32>,
        %parallel_loop3A_166 = arith.constant 11907 : i32
        %parallel_loop3A_167 = vector.broadcast %parallel_loop3A_166 : i32 to vector<16xi32>
        %parallel_loop3A_168 = arith.addi %parallel_loop3A_135, %parallel_loop3A_167 : vector<16xi32>
        %parallel_loop3A_169 = tpu.vector_load_idx %arg5[%parallel_loop3A_168] : memref<31752xf32, #tpu.memory_space<vmem>>[vector<16xi32>], vector<16xf32>,
        %parallel_loop3A_170 = arith.constant 3 : i32
        %parallel_loop3A_171 = arith.constant 1 : i32
        %parallel_loop3A_172 = arith.index_cast %parallel_loop3A_170 : i32 to index
        %parallel_loop3A_173 = arith.index_cast %parallel_loop3A_171 : i32 to index
        %parallel_loop3A_174 = arith.index_cast %parallel_loop3A_131 : i32 to index
        %parallel_loop3A_175 = tpu.vector_load %arg9[%parallel_loop3A_172, %parallel_loop3A_173, %parallel_loop3A_174] {strides = array<i32>} : memref<8x4x1024xf32, #tpu.memory_space<vmem>>, vector<16xf32>,
        tpu.vector_store %arg9[%parallel_loop3A_172, %parallel_loop3A_173, %parallel_loop3A_174], %parallel_loop3A_169 {strides = array<i32>} : memref<8x4x1024xf32, #tpu.memory_space<vmem>>, vector<16xf32>,
        %parallel_loop3A_176 = arith.constant 15876 : i32
        %parallel_loop3A_177 = vector.broadcast %parallel_loop3A_176 : i32 to vector<16xi32>
        %parallel_loop3A_178 = arith.addi %parallel_loop3A_135, %parallel_loop3A_177 : vector<16xi32>
        %parallel_loop3A_179 = tpu.vector_load_idx %arg5[%parallel_loop3A_178] : memref<31752xf32, #tpu.memory_space<vmem>>[vector<16xi32>], vector<16xf32>,
        %parallel_loop3A_180 = arith.constant 4 : i32
        %parallel_loop3A_181 = arith.constant 1 : i32
        %parallel_loop3A_182 = arith.index_cast %parallel_loop3A_180 : i32 to index
        %parallel_loop3A_183 = arith.index_cast %parallel_loop3A_181 : i32 to index
        %parallel_loop3A_184 = arith.index_cast %parallel_loop3A_131 : i32 to index
        %parallel_loop3A_185 = tpu.vector_load %arg9[%parallel_loop3A_182, %parallel_loop3A_183, %parallel_loop3A_184] {strides = array<i32>} : memref<8x4x1024xf32, #tpu.memory_space<vmem>>, vector<16xf32>,
        tpu.vector_store %arg9[%parallel_loop3A_182, %parallel_loop3A_183, %parallel_loop3A_184], %parallel_loop3A_179 {strides = array<i32>} : memref<8x4x1024xf32, #tpu.memory_space<vmem>>, vector<16xf32>,
        %parallel_loop3A_186 = arith.constant 19845 : i32
        %parallel_loop3A_187 = vector.broadcast %parallel_loop3A_186 : i32 to vector<16xi32>
        %parallel_loop3A_188 = arith.addi %parallel_loop3A_135, %parallel_loop3A_187 : vector<16xi32>
        %parallel_loop3A_189 = tpu.vector_load_idx %arg5[%parallel_loop3A_188] : memref<31752xf32, #tpu.memory_space<vmem>>[vector<16xi32>], vector<16xf32>,
        %parallel_loop3A_190 = arith.constant 5 : i32
        %parallel_loop3A_191 = arith.constant 1 : i32
        %parallel_loop3A_192 = arith.index_cast %parallel_loop3A_190 : i32 to index
        %parallel_loop3A_193 = arith.index_cast %parallel_loop3A_191 : i32 to index
        %parallel_loop3A_194 = arith.index_cast %parallel_loop3A_131 : i32 to index
        %parallel_loop3A_195 = tpu.vector_load %arg9[%parallel_loop3A_192, %parallel_loop3A_193, %parallel_loop3A_194] {strides = array<i32>} : memref<8x4x1024xf32, #tpu.memory_space<vmem>>, vector<16xf32>,
        tpu.vector_store %arg9[%parallel_loop3A_192, %parallel_loop3A_193, %parallel_loop3A_194], %parallel_loop3A_189 {strides = array<i32>} : memref<8x4x1024xf32, #tpu.memory_space<vmem>>, vector<16xf32>,
        %parallel_loop3A_196 = arith.constant 23814 : i32
        %parallel_loop3A_197 = vector.broadcast %parallel_loop3A_196 : i32 to vector<16xi32>
        %parallel_loop3A_198 = arith.addi %parallel_loop3A_135, %parallel_loop3A_197 : vector<16xi32>
        %parallel_loop3A_199 = tpu.vector_load_idx %arg5[%parallel_loop3A_198] : memref<31752xf32, #tpu.memory_space<vmem>>[vector<16xi32>], vector<16xf32>,
        %parallel_loop3A_200 = arith.constant 6 : i32
        %parallel_loop3A_201 = arith.constant 1 : i32
        %parallel_loop3A_202 = arith.index_cast %parallel_loop3A_200 : i32 to index
        %parallel_loop3A_203 = arith.index_cast %parallel_loop3A_201 : i32 to index
        %parallel_loop3A_204 = arith.index_cast %parallel_loop3A_131 : i32 to index
        %parallel_loop3A_205 = tpu.vector_load %arg9[%parallel_loop3A_202, %parallel_loop3A_203, %parallel_loop3A_204] {strides = array<i32>} : memref<8x4x1024xf32, #tpu.memory_space<vmem>>, vector<16xf32>,
        tpu.vector_store %arg9[%parallel_loop3A_202, %parallel_loop3A_203, %parallel_loop3A_204], %parallel_loop3A_199 {strides = array<i32>} : memref<8x4x1024xf32, #tpu.memory_space<vmem>>, vector<16xf32>,
        %parallel_loop3A_206 = arith.constant 27783 : i32
        %parallel_loop3A_207 = vector.broadcast %parallel_loop3A_206 : i32 to vector<16xi32>
        %parallel_loop3A_208 = arith.addi %parallel_loop3A_135, %parallel_loop3A_207 : vector<16xi32>
        %parallel_loop3A_209 = tpu.vector_load_idx %arg5[%parallel_loop3A_208] : memref<31752xf32, #tpu.memory_space<vmem>>[vector<16xi32>], vector<16xf32>,
        %parallel_loop3A_210 = arith.constant 7 : i32
        %parallel_loop3A_211 = arith.constant 1 : i32
        %parallel_loop3A_212 = arith.index_cast %parallel_loop3A_210 : i32 to index
        %parallel_loop3A_213 = arith.index_cast %parallel_loop3A_211 : i32 to index
        %parallel_loop3A_214 = arith.index_cast %parallel_loop3A_131 : i32 to index
        %parallel_loop3A_215 = tpu.vector_load %arg9[%parallel_loop3A_212, %parallel_loop3A_213, %parallel_loop3A_214] {strides = array<i32>} : memref<8x4x1024xf32, #tpu.memory_space<vmem>>, vector<16xf32>,
        tpu.vector_store %arg9[%parallel_loop3A_212, %parallel_loop3A_213, %parallel_loop3A_214], %parallel_loop3A_209 {strides = array<i32>} : memref<8x4x1024xf32, #tpu.memory_space<vmem>>, vector<16xf32>,
      } {sc.loop_unroll_factor = 4 : i64, sc.parallel_access}
      %parallel_loop3A_121 = arith.constant 0 : i32
      %parallel_loop3A_122 = arith.constant 1024 : i32
      %parallel_loop3A_123 = arith.constant 16 : i32
      scf.for %parallel_loop3A_131 = %parallel_loop3A_121 to %parallel_loop3A_122 step %parallel_loop3A_123  : i32 {
        %parallel_loop3A_132 = arith.constant 2 : i32
        %parallel_loop3A_133 = arith.index_cast %parallel_loop3A_132 : i32 to index
        %parallel_loop3A_134 = arith.index_cast %parallel_loop3A_131 : i32 to index
        %parallel_loop3A_135 = tpu.vector_load %arg7[%parallel_loop3A_133, %parallel_loop3A_134] {strides = array<i32>} : memref<4x1024xi32, #tpu.memory_space<vmem>>, vector<16xi32>,
        %parallel_loop3A_136 = arith.constant 0 : i32
        %parallel_loop3A_137 = vector.broadcast %parallel_loop3A_136 : i32 to vector<16xi32>
        %parallel_loop3A_138 = arith.addi %parallel_loop3A_135, %parallel_loop3A_137 : vector<16xi32>
        %parallel_loop3A_139 = tpu.vector_load_idx %arg5[%parallel_loop3A_138] : memref<31752xf32, #tpu.memory_space<vmem>>[vector<16xi32>], vector<16xf32>,
        %parallel_loop3A_140 = arith.constant 0 : i32
        %parallel_loop3A_141 = arith.constant 2 : i32
        %parallel_loop3A_142 = arith.index_cast %parallel_loop3A_140 : i32 to index
        %parallel_loop3A_143 = arith.index_cast %parallel_loop3A_141 : i32 to index
        %parallel_loop3A_144 = arith.index_cast %parallel_loop3A_131 : i32 to index
        %parallel_loop3A_145 = tpu.vector_load %arg9[%parallel_loop3A_142, %parallel_loop3A_143, %parallel_loop3A_144] {strides = array<i32>} : memref<8x4x1024xf32, #tpu.memory_space<vmem>>, vector<16xf32>,
        tpu.vector_store %arg9[%parallel_loop3A_142, %parallel_loop3A_143, %parallel_loop3A_144], %parallel_loop3A_139 {strides = array<i32>} : memref<8x4x1024xf32, #tpu.memory_space<vmem>>, vector<16xf32>,
        %parallel_loop3A_146 = arith.constant 3969 : i32
        %parallel_loop3A_147 = vector.broadcast %parallel_loop3A_146 : i32 to vector<16xi32>
        %parallel_loop3A_148 = arith.addi %parallel_loop3A_135, %parallel_loop3A_147 : vector<16xi32>
        %parallel_loop3A_149 = tpu.vector_load_idx %arg5[%parallel_loop3A_148] : memref<31752xf32, #tpu.memory_space<vmem>>[vector<16xi32>], vector<16xf32>,
        %parallel_loop3A_150 = arith.constant 1 : i32
        %parallel_loop3A_151 = arith.constant 2 : i32
        %parallel_loop3A_152 = arith.index_cast %parallel_loop3A_150 : i32 to index
        %parallel_loop3A_153 = arith.index_cast %parallel_loop3A_151 : i32 to index
        %parallel_loop3A_154 = arith.index_cast %parallel_loop3A_131 : i32 to index
        %parallel_loop3A_155 = tpu.vector_load %arg9[%parallel_loop3A_152, %parallel_loop3A_153, %parallel_loop3A_154] {strides = array<i32>} : memref<8x4x1024xf32, #tpu.memory_space<vmem>>, vector<16xf32>,
        tpu.vector_store %arg9[%parallel_loop3A_152, %parallel_loop3A_153, %parallel_loop3A_154], %parallel_loop3A_149 {strides = array<i32>} : memref<8x4x1024xf32, #tpu.memory_space<vmem>>, vector<16xf32>,
        %parallel_loop3A_156 = arith.constant 7938 : i32
        %parallel_loop3A_157 = vector.broadcast %parallel_loop3A_156 : i32 to vector<16xi32>
        %parallel_loop3A_158 = arith.addi %parallel_loop3A_135, %parallel_loop3A_157 : vector<16xi32>
        %parallel_loop3A_159 = tpu.vector_load_idx %arg5[%parallel_loop3A_158] : memref<31752xf32, #tpu.memory_space<vmem>>[vector<16xi32>], vector<16xf32>,
        %parallel_loop3A_160 = arith.constant 2 : i32
        %parallel_loop3A_161 = arith.constant 2 : i32
        %parallel_loop3A_162 = arith.index_cast %parallel_loop3A_160 : i32 to index
        %parallel_loop3A_163 = arith.index_cast %parallel_loop3A_161 : i32 to index
        %parallel_loop3A_164 = arith.index_cast %parallel_loop3A_131 : i32 to index
        %parallel_loop3A_165 = tpu.vector_load %arg9[%parallel_loop3A_162, %parallel_loop3A_163, %parallel_loop3A_164] {strides = array<i32>} : memref<8x4x1024xf32, #tpu.memory_space<vmem>>, vector<16xf32>,
        tpu.vector_store %arg9[%parallel_loop3A_162, %parallel_loop3A_163, %parallel_loop3A_164], %parallel_loop3A_159 {strides = array<i32>} : memref<8x4x1024xf32, #tpu.memory_space<vmem>>, vector<16xf32>,
        %parallel_loop3A_166 = arith.constant 11907 : i32
        %parallel_loop3A_167 = vector.broadcast %parallel_loop3A_166 : i32 to vector<16xi32>
        %parallel_loop3A_168 = arith.addi %parallel_loop3A_135, %parallel_loop3A_167 : vector<16xi32>
        %parallel_loop3A_169 = tpu.vector_load_idx %arg5[%parallel_loop3A_168] : memref<31752xf32, #tpu.memory_space<vmem>>[vector<16xi32>], vector<16xf32>,
        %parallel_loop3A_170 = arith.constant 3 : i32
        %parallel_loop3A_171 = arith.constant 2 : i32
        %parallel_loop3A_172 = arith.index_cast %parallel_loop3A_170 : i32 to index
        %parallel_loop3A_173 = arith.index_cast %parallel_loop3A_171 : i32 to index
        %parallel_loop3A_174 = arith.index_cast %parallel_loop3A_131 : i32 to index
        %parallel_loop3A_175 = tpu.vector_load %arg9[%parallel_loop3A_172, %parallel_loop3A_173, %parallel_loop3A_174] {strides = array<i32>} : memref<8x4x1024xf32, #tpu.memory_space<vmem>>, vector<16xf32>,
        tpu.vector_store %arg9[%parallel_loop3A_172, %parallel_loop3A_173, %parallel_loop3A_174], %parallel_loop3A_169 {strides = array<i32>} : memref<8x4x1024xf32, #tpu.memory_space<vmem>>, vector<16xf32>,
        %parallel_loop3A_176 = arith.constant 15876 : i32
        %parallel_loop3A_177 = vector.broadcast %parallel_loop3A_176 : i32 to vector<16xi32>
        %parallel_loop3A_178 = arith.addi %parallel_loop3A_135, %parallel_loop3A_177 : vector<16xi32>
        %parallel_loop3A_179 = tpu.vector_load_idx %arg5[%parallel_loop3A_178] : memref<31752xf32, #tpu.memory_space<vmem>>[vector<16xi32>], vector<16xf32>,
        %parallel_loop3A_180 = arith.constant 4 : i32
        %parallel_loop3A_181 = arith.constant 2 : i32
        %parallel_loop3A_182 = arith.index_cast %parallel_loop3A_180 : i32 to index
        %parallel_loop3A_183 = arith.index_cast %parallel_loop3A_181 : i32 to index
        %parallel_loop3A_184 = arith.index_cast %parallel_loop3A_131 : i32 to index
        %parallel_loop3A_185 = tpu.vector_load %arg9[%parallel_loop3A_182, %parallel_loop3A_183, %parallel_loop3A_184] {strides = array<i32>} : memref<8x4x1024xf32, #tpu.memory_space<vmem>>, vector<16xf32>,
        tpu.vector_store %arg9[%parallel_loop3A_182, %parallel_loop3A_183, %parallel_loop3A_184], %parallel_loop3A_179 {strides = array<i32>} : memref<8x4x1024xf32, #tpu.memory_space<vmem>>, vector<16xf32>,
        %parallel_loop3A_186 = arith.constant 19845 : i32
        %parallel_loop3A_187 = vector.broadcast %parallel_loop3A_186 : i32 to vector<16xi32>
        %parallel_loop3A_188 = arith.addi %parallel_loop3A_135, %parallel_loop3A_187 : vector<16xi32>
        %parallel_loop3A_189 = tpu.vector_load_idx %arg5[%parallel_loop3A_188] : memref<31752xf32, #tpu.memory_space<vmem>>[vector<16xi32>], vector<16xf32>,
        %parallel_loop3A_190 = arith.constant 5 : i32
        %parallel_loop3A_191 = arith.constant 2 : i32
        %parallel_loop3A_192 = arith.index_cast %parallel_loop3A_190 : i32 to index
        %parallel_loop3A_193 = arith.index_cast %parallel_loop3A_191 : i32 to index
        %parallel_loop3A_194 = arith.index_cast %parallel_loop3A_131 : i32 to index
        %parallel_loop3A_195 = tpu.vector_load %arg9[%parallel_loop3A_192, %parallel_loop3A_193, %parallel_loop3A_194] {strides = array<i32>} : memref<8x4x1024xf32, #tpu.memory_space<vmem>>, vector<16xf32>,
        tpu.vector_store %arg9[%parallel_loop3A_192, %parallel_loop3A_193, %parallel_loop3A_194], %parallel_loop3A_189 {strides = array<i32>} : memref<8x4x1024xf32, #tpu.memory_space<vmem>>, vector<16xf32>,
        %parallel_loop3A_196 = arith.constant 23814 : i32
        %parallel_loop3A_197 = vector.broadcast %parallel_loop3A_196 : i32 to vector<16xi32>
        %parallel_loop3A_198 = arith.addi %parallel_loop3A_135, %parallel_loop3A_197 : vector<16xi32>
        %parallel_loop3A_199 = tpu.vector_load_idx %arg5[%parallel_loop3A_198] : memref<31752xf32, #tpu.memory_space<vmem>>[vector<16xi32>], vector<16xf32>,
        %parallel_loop3A_200 = arith.constant 6 : i32
        %parallel_loop3A_201 = arith.constant 2 : i32
        %parallel_loop3A_202 = arith.index_cast %parallel_loop3A_200 : i32 to index
        %parallel_loop3A_203 = arith.index_cast %parallel_loop3A_201 : i32 to index
        %parallel_loop3A_204 = arith.index_cast %parallel_loop3A_131 : i32 to index
        %parallel_loop3A_205 = tpu.vector_load %arg9[%parallel_loop3A_202, %parallel_loop3A_203, %parallel_loop3A_204] {strides = array<i32>} : memref<8x4x1024xf32, #tpu.memory_space<vmem>>, vector<16xf32>,
        tpu.vector_store %arg9[%parallel_loop3A_202, %parallel_loop3A_203, %parallel_loop3A_204], %parallel_loop3A_199 {strides = array<i32>} : memref<8x4x1024xf32, #tpu.memory_space<vmem>>, vector<16xf32>,
        %parallel_loop3A_206 = arith.constant 27783 : i32
        %parallel_loop3A_207 = vector.broadcast %parallel_loop3A_206 : i32 to vector<16xi32>
        %parallel_loop3A_208 = arith.addi %parallel_loop3A_135, %parallel_loop3A_207 : vector<16xi32>
        %parallel_loop3A_209 = tpu.vector_load_idx %arg5[%parallel_loop3A_208] : memref<31752xf32, #tpu.memory_space<vmem>>[vector<16xi32>], vector<16xf32>,
        %parallel_loop3A_210 = arith.constant 7 : i32
        %parallel_loop3A_211 = arith.constant 2 : i32
        %parallel_loop3A_212 = arith.index_cast %parallel_loop3A_210 : i32 to index
        %parallel_loop3A_213 = arith.index_cast %parallel_loop3A_211 : i32 to index
        %parallel_loop3A_214 = arith.index_cast %parallel_loop3A_131 : i32 to index
        %parallel_loop3A_215 = tpu.vector_load %arg9[%parallel_loop3A_212, %parallel_loop3A_213, %parallel_loop3A_214] {strides = array<i32>} : memref<8x4x1024xf32, #tpu.memory_space<vmem>>, vector<16xf32>,
        tpu.vector_store %arg9[%parallel_loop3A_212, %parallel_loop3A_213, %parallel_loop3A_214], %parallel_loop3A_209 {strides = array<i32>} : memref<8x4x1024xf32, #tpu.memory_space<vmem>>, vector<16xf32>,
      } {sc.loop_unroll_factor = 4 : i64, sc.parallel_access}
      %parallel_loop3A_124 = arith.constant 0 : i32
      %parallel_loop3A_125 = arith.constant 1024 : i32
      %parallel_loop3A_126 = arith.constant 16 : i32
      scf.for %parallel_loop3A_131 = %parallel_loop3A_124 to %parallel_loop3A_125 step %parallel_loop3A_126  : i32 {
        %parallel_loop3A_132 = arith.constant 3 : i32
        %parallel_loop3A_133 = arith.index_cast %parallel_loop3A_132 : i32 to index
        %parallel_loop3A_134 = arith.index_cast %parallel_loop3A_131 : i32 to index
        %parallel_loop3A_135 = tpu.vector_load %arg7[%parallel_loop3A_133, %parallel_loop3A_134] {strides = array<i32>} : memref<4x1024xi32, #tpu.memory_space<vmem>>, vector<16xi32>,
        %parallel_loop3A_136 = arith.constant 0 : i32
        %parallel_loop3A_137 = vector.broadcast %parallel_loop3A_136 : i32 to vector<16xi32>
        %parallel_loop3A_138 = arith.addi %parallel_loop3A_135, %parallel_loop3A_137 : vector<16xi32>
        %parallel_loop3A_139 = tpu.vector_load_idx %arg5[%parallel_loop3A_138] : memref<31752xf32, #tpu.memory_space<vmem>>[vector<16xi32>], vector<16xf32>,
        %parallel_loop3A_140 = arith.constant 0 : i32
        %parallel_loop3A_141 = arith.constant 3 : i32
        %parallel_loop3A_142 = arith.index_cast %parallel_loop3A_140 : i32 to index
        %parallel_loop3A_143 = arith.index_cast %parallel_loop3A_141 : i32 to index
        %parallel_loop3A_144 = arith.index_cast %parallel_loop3A_131 : i32 to index
        %parallel_loop3A_145 = tpu.vector_load %arg9[%parallel_loop3A_142, %parallel_loop3A_143, %parallel_loop3A_144] {strides = array<i32>} : memref<8x4x1024xf32, #tpu.memory_space<vmem>>, vector<16xf32>,
        tpu.vector_store %arg9[%parallel_loop3A_142, %parallel_loop3A_143, %parallel_loop3A_144], %parallel_loop3A_139 {strides = array<i32>} : memref<8x4x1024xf32, #tpu.memory_space<vmem>>, vector<16xf32>,
        %parallel_loop3A_146 = arith.constant 3969 : i32
        %parallel_loop3A_147 = vector.broadcast %parallel_loop3A_146 : i32 to vector<16xi32>
        %parallel_loop3A_148 = arith.addi %parallel_loop3A_135, %parallel_loop3A_147 : vector<16xi32>
        %parallel_loop3A_149 = tpu.vector_load_idx %arg5[%parallel_loop3A_148] : memref<31752xf32, #tpu.memory_space<vmem>>[vector<16xi32>], vector<16xf32>,
        %parallel_loop3A_150 = arith.constant 1 : i32
        %parallel_loop3A_151 = arith.constant 3 : i32
        %parallel_loop3A_152 = arith.index_cast %parallel_loop3A_150 : i32 to index
        %parallel_loop3A_153 = arith.index_cast %parallel_loop3A_151 : i32 to index
        %parallel_loop3A_154 = arith.index_cast %parallel_loop3A_131 : i32 to index
        %parallel_loop3A_155 = tpu.vector_load %arg9[%parallel_loop3A_152, %parallel_loop3A_153, %parallel_loop3A_154] {strides = array<i32>} : memref<8x4x1024xf32, #tpu.memory_space<vmem>>, vector<16xf32>,
        tpu.vector_store %arg9[%parallel_loop3A_152, %parallel_loop3A_153, %parallel_loop3A_154], %parallel_loop3A_149 {strides = array<i32>} : memref<8x4x1024xf32, #tpu.memory_space<vmem>>, vector<16xf32>,
        %parallel_loop3A_156 = arith.constant 7938 : i32
        %parallel_loop3A_157 = vector.broadcast %parallel_loop3A_156 : i32 to vector<16xi32>
        %parallel_loop3A_158 = arith.addi %parallel_loop3A_135, %parallel_loop3A_157 : vector<16xi32>
        %parallel_loop3A_159 = tpu.vector_load_idx %arg5[%parallel_loop3A_158] : memref<31752xf32, #tpu.memory_space<vmem>>[vector<16xi32>], vector<16xf32>,
        %parallel_loop3A_160 = arith.constant 2 : i32
        %parallel_loop3A_161 = arith.constant 3 : i32
        %parallel_loop3A_162 = arith.index_cast %parallel_loop3A_160 : i32 to index
        %parallel_loop3A_163 = arith.index_cast %parallel_loop3A_161 : i32 to index
        %parallel_loop3A_164 = arith.index_cast %parallel_loop3A_131 : i32 to index
        %parallel_loop3A_165 = tpu.vector_load %arg9[%parallel_loop3A_162, %parallel_loop3A_163, %parallel_loop3A_164] {strides = array<i32>} : memref<8x4x1024xf32, #tpu.memory_space<vmem>>, vector<16xf32>,
        tpu.vector_store %arg9[%parallel_loop3A_162, %parallel_loop3A_163, %parallel_loop3A_164], %parallel_loop3A_159 {strides = array<i32>} : memref<8x4x1024xf32, #tpu.memory_space<vmem>>, vector<16xf32>,
        %parallel_loop3A_166 = arith.constant 11907 : i32
        %parallel_loop3A_167 = vector.broadcast %parallel_loop3A_166 : i32 to vector<16xi32>
        %parallel_loop3A_168 = arith.addi %parallel_loop3A_135, %parallel_loop3A_167 : vector<16xi32>
        %parallel_loop3A_169 = tpu.vector_load_idx %arg5[%parallel_loop3A_168] : memref<31752xf32, #tpu.memory_space<vmem>>[vector<16xi32>], vector<16xf32>,
        %parallel_loop3A_170 = arith.constant 3 : i32
        %parallel_loop3A_171 = arith.constant 3 : i32
        %parallel_loop3A_172 = arith.index_cast %parallel_loop3A_170 : i32 to index
        %parallel_loop3A_173 = arith.index_cast %parallel_loop3A_171 : i32 to index
        %parallel_loop3A_174 = arith.index_cast %parallel_loop3A_131 : i32 to index
        %parallel_loop3A_175 = tpu.vector_load %arg9[%parallel_loop3A_172, %parallel_loop3A_173, %parallel_loop3A_174] {strides = array<i32>} : memref<8x4x1024xf32, #tpu.memory_space<vmem>>, vector<16xf32>,
        tpu.vector_store %arg9[%parallel_loop3A_172, %parallel_loop3A_173, %parallel_loop3A_174], %parallel_loop3A_169 {strides = array<i32>} : memref<8x4x1024xf32, #tpu.memory_space<vmem>>, vector<16xf32>,
        %parallel_loop3A_176 = arith.constant 15876 : i32
        %parallel_loop3A_177 = vector.broadcast %parallel_loop3A_176 : i32 to vector<16xi32>
        %parallel_loop3A_178 = arith.addi %parallel_loop3A_135, %parallel_loop3A_177 : vector<16xi32>
        %parallel_loop3A_179 = tpu.vector_load_idx %arg5[%parallel_loop3A_178] : memref<31752xf32, #tpu.memory_space<vmem>>[vector<16xi32>], vector<16xf32>,
        %parallel_loop3A_180 = arith.constant 4 : i32
        %parallel_loop3A_181 = arith.constant 3 : i32
        %parallel_loop3A_182 = arith.index_cast %parallel_loop3A_180 : i32 to index
        %parallel_loop3A_183 = arith.index_cast %parallel_loop3A_181 : i32 to index
        %parallel_loop3A_184 = arith.index_cast %parallel_loop3A_131 : i32 to index
        %parallel_loop3A_185 = tpu.vector_load %arg9[%parallel_loop3A_182, %parallel_loop3A_183, %parallel_loop3A_184] {strides = array<i32>} : memref<8x4x1024xf32, #tpu.memory_space<vmem>>, vector<16xf32>,
        tpu.vector_store %arg9[%parallel_loop3A_182, %parallel_loop3A_183, %parallel_loop3A_184], %parallel_loop3A_179 {strides = array<i32>} : memref<8x4x1024xf32, #tpu.memory_space<vmem>>, vector<16xf32>,
        %parallel_loop3A_186 = arith.constant 19845 : i32
        %parallel_loop3A_187 = vector.broadcast %parallel_loop3A_186 : i32 to vector<16xi32>
        %parallel_loop3A_188 = arith.addi %parallel_loop3A_135, %parallel_loop3A_187 : vector<16xi32>
        %parallel_loop3A_189 = tpu.vector_load_idx %arg5[%parallel_loop3A_188] : memref<31752xf32, #tpu.memory_space<vmem>>[vector<16xi32>], vector<16xf32>,
        %parallel_loop3A_190 = arith.constant 5 : i32
        %parallel_loop3A_191 = arith.constant 3 : i32
        %parallel_loop3A_192 = arith.index_cast %parallel_loop3A_190 : i32 to index
        %parallel_loop3A_193 = arith.index_cast %parallel_loop3A_191 : i32 to index
        %parallel_loop3A_194 = arith.index_cast %parallel_loop3A_131 : i32 to index
        %parallel_loop3A_195 = tpu.vector_load %arg9[%parallel_loop3A_192, %parallel_loop3A_193, %parallel_loop3A_194] {strides = array<i32>} : memref<8x4x1024xf32, #tpu.memory_space<vmem>>, vector<16xf32>,
        tpu.vector_store %arg9[%parallel_loop3A_192, %parallel_loop3A_193, %parallel_loop3A_194], %parallel_loop3A_189 {strides = array<i32>} : memref<8x4x1024xf32, #tpu.memory_space<vmem>>, vector<16xf32>,
        %parallel_loop3A_196 = arith.constant 23814 : i32
        %parallel_loop3A_197 = vector.broadcast %parallel_loop3A_196 : i32 to vector<16xi32>
        %parallel_loop3A_198 = arith.addi %parallel_loop3A_135, %parallel_loop3A_197 : vector<16xi32>
        %parallel_loop3A_199 = tpu.vector_load_idx %arg5[%parallel_loop3A_198] : memref<31752xf32, #tpu.memory_space<vmem>>[vector<16xi32>], vector<16xf32>,
        %parallel_loop3A_200 = arith.constant 6 : i32
        %parallel_loop3A_201 = arith.constant 3 : i32
        %parallel_loop3A_202 = arith.index_cast %parallel_loop3A_200 : i32 to index
        %parallel_loop3A_203 = arith.index_cast %parallel_loop3A_201 : i32 to index
        %parallel_loop3A_204 = arith.index_cast %parallel_loop3A_131 : i32 to index
        %parallel_loop3A_205 = tpu.vector_load %arg9[%parallel_loop3A_202, %parallel_loop3A_203, %parallel_loop3A_204] {strides = array<i32>} : memref<8x4x1024xf32, #tpu.memory_space<vmem>>, vector<16xf32>,
        tpu.vector_store %arg9[%parallel_loop3A_202, %parallel_loop3A_203, %parallel_loop3A_204], %parallel_loop3A_199 {strides = array<i32>} : memref<8x4x1024xf32, #tpu.memory_space<vmem>>, vector<16xf32>,
        %parallel_loop3A_206 = arith.constant 27783 : i32
        %parallel_loop3A_207 = vector.broadcast %parallel_loop3A_206 : i32 to vector<16xi32>
        %parallel_loop3A_208 = arith.addi %parallel_loop3A_135, %parallel_loop3A_207 : vector<16xi32>
        %parallel_loop3A_209 = tpu.vector_load_idx %arg5[%parallel_loop3A_208] : memref<31752xf32, #tpu.memory_space<vmem>>[vector<16xi32>], vector<16xf32>,
        %parallel_loop3A_210 = arith.constant 7 : i32
        %parallel_loop3A_211 = arith.constant 3 : i32
        %parallel_loop3A_212 = arith.index_cast %parallel_loop3A_210 : i32 to index
        %parallel_loop3A_213 = arith.index_cast %parallel_loop3A_211 : i32 to index
        %parallel_loop3A_214 = arith.index_cast %parallel_loop3A_131 : i32 to index
        %parallel_loop3A_215 = tpu.vector_load %arg9[%parallel_loop3A_212, %parallel_loop3A_213, %parallel_loop3A_214] {strides = array<i32>} : memref<8x4x1024xf32, #tpu.memory_space<vmem>>, vector<16xf32>,
        tpu.vector_store %arg9[%parallel_loop3A_212, %parallel_loop3A_213, %parallel_loop3A_214], %parallel_loop3A_209 {strides = array<i32>} : memref<8x4x1024xf32, #tpu.memory_space<vmem>>, vector<16xf32>,
      } {sc.loop_unroll_factor = 4 : i64, sc.parallel_access}
      %dma_start3A_127 = arith.constant 0 : i32
      %dma_start3A_128 = tpu.memref_slice %arg4[%mul3A_34, %add3A_98, %dma_start3A_127] : memref<16x1024x1024xf32, #tpu.memory_space<hbm>> -> memref<8x4x1024xf32, #tpu.memory_space<hbm>>
      %dma_start3A_129 = arith.constant 0 : i32
      %dma_start3A_130 = tpu.memref_slice %arg4[%mul3A_34, %add3A_98, %dma_start3A_129] : memref<16x1024x1024xf32, #tpu.memory_space<hbm>> -> memref<8x4x1024xf32, #tpu.memory_space<hbm>>
      tpu.enqueue_dma source(%arg9 : memref<8x4x1024xf32, #tpu.memory_space<vmem>>) target(%dma_start3A_130 : memref<8x4x1024xf32, #tpu.memory_space<hbm>>) target_semaphore(%arg14 : memref<!tpu.dma_semaphore, #tpu.memory_space<semaphore_mem>>)
    }
    %scan3A_47 = arith.constant 8 : i32
    %dma_wait3A_48 = arith.constant 0 : i32
    %dma_wait3A_49 = tpu.memref_slice %arg4[%mul3A_34, %mul3A_32, %dma_wait3A_48] : memref<16x1024x1024xf32, #tpu.memory_space<hbm>> -> memref<8x4x1024xf32, #tpu.memory_space<hbm>>
    %dma_wait3A_50 = arith.constant 0 : i32
    %dma_wait3A_51 = tpu.memref_slice %arg4[%mul3A_34, %mul3A_32, %dma_wait3A_50] : memref<16x1024x1024xf32, #tpu.memory_space<hbm>> -> memref<8x4x1024xf32, #tpu.memory_space<hbm>>
    tpu.wait_dma2 semaphore(%arg13 : memref<!tpu.dma_semaphore, #tpu.memory_space<semaphore_mem>>) src(%arg8 : memref<8x4x1024xf32, #tpu.memory_space<vmem>>) dst(%dma_wait3A_51 : memref<8x4x1024xf32, #tpu.memory_space<hbm>>)
    %dma_wait3A_52 = arith.constant 0 : i32
    %dma_wait3A_53 = tpu.memref_slice %arg4[%mul3A_34, %mul3A_32, %dma_wait3A_52] : memref<16x1024x1024xf32, #tpu.memory_space<hbm>> -> memref<8x4x1024xf32, #tpu.memory_space<hbm>>
    %dma_wait3A_54 = arith.constant 0 : i32
    %dma_wait3A_55 = tpu.memref_slice %arg4[%mul3A_34, %mul3A_32, %dma_wait3A_54] : memref<16x1024x1024xf32, #tpu.memory_space<hbm>> -> memref<8x4x1024xf32, #tpu.memory_space<hbm>>
    tpu.wait_dma2 semaphore(%arg14 : memref<!tpu.dma_semaphore, #tpu.memory_space<semaphore_mem>>) src(%arg9 : memref<8x4x1024xf32, #tpu.memory_space<vmem>>) dst(%dma_wait3A_55 : memref<8x4x1024xf32, #tpu.memory_space<hbm>>)
    return
  }
}

</mosaic_0001>

<sc_bundles>
// kernel: _rpe_gather.3.cloned.1.call-start
scs
__scs_entry_jumppad:
0x0: {  	(pc) =	sbr.rel $0x88, $3  }
0x1: {  	(tag) =	ssettag $0x0;
	lr =	simm.s32 $0x1  }
0x2: {  	[smem:$0x3F9F] =	sst lr;
	_ =	strace $0xD0000000  }
0x3: {  	_ = 	snop  }
0x4: {  	_ = 	snop  }
0x5: {  	_ = 	snop  }
0x6: {  	_ = 	snop  }
0x7: {  	_ = 	snop  }
__scs_overlays_trampoline_lowered:
0x8: {  	[smem:$0x3FAE] =	sst s0  }
0x9: {  	[smem:$0x3FAF] =	sst s1  }
0xa: {  	[smem:$0x3FB0] =	sst s2  }
0xb: {  	[smem:$0x3FB1] =	sst s3  }
0xc: {  	[smem:$0x3FB2] =	sst s4  }
0xd: {  	[smem:$0x3FB3] =	sst s5  }
0xe: {  	[smem:$0x3FB4] =	sst s6  }
0xf: {  	[smem:$0x3FB5] =	sst s7  }
0x10: {  	[smem:$0x3FB6] =	sst s8  }
0x11: {  	[smem:$0x3FB7] =	sst s9;
	s0 =	simm.s32 @!p0 $0x0  }
0x12: {  	s1 =	sld [smem:$0x3F9D];
	s0 =	simm.s32 @p0 $0x1  }
0x13: {  	[smem:$0x3FB8] =	sst s0;
	s0 =	simm.s32 @!p1 $0x0  }
0x14: {  	s2 =	sld [smem:$0x3F9C];
	s0 =	simm.s32 @p1 $0x1  }
0x15: {  	[smem:$0x3FB9] =	sst s0;
	s0 =	simm.s32 @!p2 $0x0  }
0x16: {  	s3 =	sld [smem:$0x3FDB];
	s0 =	simm.s32 @p2 $0x1  }
0x17: {  	s4 =	simm.s32 $0x1BF5;
	[smem:$0x3FBB] =	sst s0  }
0x18: {  	s0 =	sld [smem:$0x3F9E];
	_ =	swait.ge [sflag:s4], $0x0  }
0x19: {  	s7 =	sld [smem:$0x3F9F]  }
0x1a: {  	s8 =	sadd.s32 $0xFFFFE003, lr  }
0x1b: {  	s9 =	sadd.s32 $0xFFFFFEF7, lr;
	s5 =	simm.s32 $0xFFFFFFFF;
	p2 =	slt.u32 s8, $0xFFFFF086  }
0x1c: {  	p1 =	slt.u32 s9, $0xF7A;
	s5 =	simm.s32 @!p2 $0x0  }
0x1d: {  	s5 =	simm.s32 @p1 $0x1;
	p0 =	seq.s32 s7, s2  }
0x1e: {  	s7 =	smul.u32 @!p0 $0xF7A, s2;
	p2 =	seq.s32 @!p0 s5, $0x0  }
0x1f: {  	s9 =	smul.u32 $0xF7A, s1;
	s8 =	simm.s32 @!p0 $0x1BF5;
	p2 =	por !p2, p0  }
0x20: {  	[sflag:s8] =	ssyncset.s32 @!p0 $0xFFFFF086;
	s6 =	sadd.s32 @!p0 s3, s7;
	s7 =	simm.s32 @!p0 $0x108  }
0x21: {  	s3 =	sadd.s32 s3, s9;
	s6 =	sadd.s32 @!p0 $0x88, s6;
	s7 =	simm.s32 @p2 $0x1082  }
0x22: {  	[simem:s7], [sflag:s8] =	dma.local @!p0 [hbm:s6], $0xF7A  }
0x23: {  	s9 =	sor.u32 $0xD0000000, s2;
	s6 =	simm.s32 $0x108;
	_ =	swait.ge @!p0 [sflag:s8], $0x0  }
0x24: {  	s3 =	sadd.s32 $0x88, s3;
	s6 =	simm.s32 @!p1 $0x1082;
	[sflag:s4] =	ssyncset.s32 $0xFFFFF086  }
0x25: {  	[simem:s6], [sflag:s4] =	dma.local [hbm:s3], $0xF7A  }
0x26: {  	[smem:$0x3F9F] =	sst s1;
	(tag) =	ssettag s2;
	_ =	strace s9  }
0x27: {  	s1 =	sld [smem:$0x3FAF]  }
0x28: {  	s2 =	sld [smem:$0x3FB0]  }
0x29: {  	s4 =	sld [smem:$0x3FB2]  }
0x2a: {  	p0 =	seq.s32 s5, $0x0;
	s5 =	sld [smem:$0x3FB3]  }
0x2b: {  	s6 =	sld [smem:$0x3FB4]  }
0x2c: {  	s7 =	sld [smem:$0x3FB5]  }
0x2d: {  	s3 =	simm.s32 $0x108;
	s8 =	sld [smem:$0x3FB6]  }
0x2e: {  	s3 =	simm.s32 @!p0 $0x1082;
	s9 =	sld [smem:$0x3FB7]  }
0x2f: {  	lr =	sadd.s32 s0, s3;
	s0 =	sld [smem:$0x3FAE]  }
0x30: {  	s3 =	sld [smem:$0x3FB1]  }
0x31: {  	[smem:$0x3FBA] =	sst s10  }
0x32: {  	s10 =	sld [smem:$0x3FB8];
	_ =	sdelay $0x3  }
0x33: {  	p0 =	seq.s32 s10, $0x1;
	s10 =	sld [smem:$0x3FBA];
	_ =	sdelay $0x3  }
0x34: {  	[smem:$0x3FBA] =	sst s10  }
0x35: {  	s10 =	sld [smem:$0x3FB9];
	_ =	sdelay $0x3  }
0x36: {  	p1 =	seq.s32 s10, $0x1;
	s10 =	sld [smem:$0x3FBA];
	_ =	sdelay $0x3  }
0x37: {  	[smem:$0x3FBA] =	sst s10  }
0x38: {  	s10 =	sld [smem:$0x3FBB]  }
0x39: {  	_ = 	snop;
	(pc) =	sbr.ind lr, $3  }
0x3a: {  	_ = 	snop  }
0x3b: {  	_ = 	snop  }
0x3c: {  	p2 =	seq.s32 s10, $0x1;
	s10 =	sld [smem:$0x3FBA]  }
0x3d: {  	_ =	shalt  }
0x3e: {  	_ =	shalt  }
0x3f: {  	_ =	shalt  }
0x40: {  	_ =	shalt  }
0x41: {  	_ =	shalt  }
0x42: {  	_ =	shalt  }
0x43: {  	_ =	shalt  }
0x44: {  	_ =	shalt  }
0x45: {  	_ =	shalt  }
0x46: {  	_ =	shalt  }
0x47: {  	_ =	shalt  }
0x48: {  	_ =	shalt  }
0x49: {  	_ =	shalt  }
0x4a: {  	_ =	shalt  }
0x4b: {  	_ =	shalt  }
0x4c: {  	_ =	shalt  }
0x4d: {  	_ =	shalt  }
0x4e: {  	_ =	shalt  }
0x4f: {  	_ =	shalt  }
0x50: {  	_ =	shalt  }
0x51: {  	_ =	shalt  }
0x52: {  	_ =	shalt  }
0x53: {  	_ =	shalt  }
0x54: {  	_ =	shalt  }
0x55: {  	_ =	shalt  }
0x56: {  	_ =	shalt  }
0x57: {  	_ =	shalt  }
0x58: {  	_ =	shalt  }
0x59: {  	_ =	shalt  }
0x5a: {  	_ =	shalt  }
0x5b: {  	_ =	shalt  }
0x5c: {  	_ =	shalt  }
0x5d: {  	_ =	shalt  }
0x5e: {  	_ =	shalt  }
0x5f: {  	_ =	shalt  }
0x60: {  	_ =	shalt  }
0x61: {  	_ =	shalt  }
0x62: {  	_ =	shalt  }
0x63: {  	_ =	shalt  }
0x64: {  	_ =	shalt  }
0x65: {  	_ =	shalt  }
0x66: {  	_ =	shalt  }
0x67: {  	_ =	shalt  }
0x68: {  	_ =	shalt  }
0x69: {  	_ =	shalt  }
0x6a: {  	_ =	shalt  }
0x6b: {  	_ =	shalt  }
0x6c: {  	_ =	shalt  }
0x6d: {  	_ =	shalt  }
0x6e: {  	_ =	shalt  }
0x6f: {  	_ =	shalt  }
0x70: {  	_ =	shalt  }
0x71: {  	_ =	shalt  }
0x72: {  	_ =	shalt  }
0x73: {  	_ =	shalt  }
0x74: {  	_ =	shalt  }
0x75: {  	_ =	shalt  }
0x76: {  	_ =	shalt  }
0x77: {  	_ =	shalt  }
0x78: {  	_ =	shalt  }
0x79: {  	_ =	shalt  }
0x7a: {  	_ =	shalt  }
0x7b: {  	_ =	shalt  }
0x7c: {  	_ =	shalt  }
0x7d: {  	_ =	shalt  }
0x7e: {  	_ =	shalt  }
0x7f: {  	_ =	shalt  }
0x80: {  	_ =	shalt  }
0x81: {  	_ =	shalt  }
0x82: {  	_ =	shalt  }
0x83: {  	_ =	shalt  }
0x84: {  	_ =	shalt  }
0x85: {  	_ =	shalt  }
0x86: {  	_ =	shalt  }
0x87: {  	_ =	shalt  }
.Lfunc_end0:
.L_simem_size_0:
called_computation_lowered:
.L_overlay_start_0:
0x88: {  	s2 =	sld [smem:$0x3FD9]  }
0x89: {  	s3 =	sld [smem:$0x3FFE];
	_ =	sdelay $0x1  }
0x8a: {  	s1 =	srdreg.scid  }
0x8b: {  	s0 =	sand.u32 $0x1, s1  }
0x8c: {  	s18 =	sshll.u32 s0, $0xA;
	s2 =	sadd.s32 s3, s2  }
0x8d: {  	s2 =	sadd.s32 s2, s18  }
0x8e: {  	[smem:$0x3FC6] =	sst s2  }
0x8f: {  	_ = 	snop  }
0x90: {  	s2 =	sld [smem:$0x3FC9]  }
0x91: {  	s19 =	sld [smem:$0x3FC8]  }
0x92: {  	s4 =	sld [smem:$0x3FD0];
	(tm) =	ssettm $0x1  }
0x93: {  	s5 =	sld [smem:$0x3FFB];
	_ =	sdelay $0x3  }
0x94: {  	_ =	strace s5  }
0x95: {  	s5 =	sld [smem:$0x3FFC];
	_ =	sdelay $0x3  }
0x96: {  	_ =	strace s5  }
0x97: {  	s5 =	sld [smem:$0x3FFD];
	_ =	sdelay $0x3  }
0x98: {  	_ =	strace s5  }
0x99: {  	_ =	strace $0x8FFFFFFF  }
0x9a: {  	s20 =	sld [smem:$0x3FDB];
	_ =	sdelay $0x1  }
0x9b: {  	s6 =	simm.s32 $_scs_section_size  }
0x9c: {  	s7 =	simm.s32 $_size__tile_overlayer_lowered;
	s8 =	simm.s32 $_tile_overlayer_lowered  }
0x9d: {  	s23 =	simm.s32 $0x1BFF;
	s22 =	sshll.u32 s8, $0x1;
	s5 =	sadd.s32 s6, s20  }
0x9e: {  	s9 =	simm.s32 $0x0;
	s21 =	sshll.u32 s7, $0x1;
	s7 =	sadd.s32 s22, s5  }
0x9f: {  	[timem:s9], [sflag:s23] =	dma.local [hbm:s7], s21  }
0xa0: {  	_ =	swait.ge [sflag:s23], s21  }
0xa1: {  	s6 =	ssub.s32 $0x0, s21;
	[sflag:s23] =	ssyncset.done $0x0  }
0xa2: {  	[sflag:s23] =	ssyncadd.s32 s6;
	_ =	sdelay $0x1  }
0xa3: {  	s24 =	simm.s32 $0x1B8B  }
0xa4: {  	_ =	swait.ge [sflag:s24], $0x1  }
0xa5: {  	[sflag:s24] =	ssyncset.done $0x0  }
0xa6: {  	s25 =	simm.s32 $0x1B8E;
	[sflag:s24] =	ssyncadd.s32 $0xFFFFFFFF  }
0xa7: {  	s26 =	simm.s32 $execute0_lowered;
	[smem:$0x3FD2] =	sst s25  }
0xa8: {  	s6 =	sshll.u32 s26, $0x1;
	_ =	strace $0x80000046;
	[dreg:$0x1] =	wrdreg $0xFFFFFFFF  }
0xa9: {  	s28 =	simm.s32 $_size_execute0_lowered;
	s5 =	sadd.s32 s5, s6;
	[dreg:$0x0] =	wrdreg $0x0  }
0xaa: {  	s6 =	sshll.u32 s28, $0x1;
	[dreg:$0x2] =	wrdreg s5  }
0xab: {  	[dreg:$0x3] =	wrdreg s6  }
0xac: {  	[dreg:$0x4] =	wrdreg $0xC0  }
0xad: {  	_ =	task [dreg:s9], $0x5FFFF  }
0xae: {  	[dreg:$0x1] =	wrdreg $0xFFFFFFFF  }
0xaf: {  	[dreg:$0x0] =	wrdreg $0x60  }
0xb0: {  	[dreg:$0x2] =	wrdreg s19  }
0xb1: {  	[dreg:$0x3] =	wrdreg s2  }
0xb2: {  	[dreg:$0x4] =	wrdreg s4  }
0xb3: {  	[dreg:$0x5] =	wrdreg $0x9  }
0xb4: {  	_ =	task.clear_ibuf [dreg:s9], $0x6FFFF;
	_ =	strace $0x90000046  }
0xb5: {  	s29 =	simm.s32 $0x9;
	_ =	strace $0x80000048  }
0xb6: {  	_ =	swait.ge [sflag:s29], $0x1  }
0xb7: {  	[sflag:s29] =	ssyncadd.s32 $0xFFFFFFFF  }
0xb8: {  	_ =	strace $0x90000048  }
0xb9: {  	_ =	sfence  }
0xba: {  	s30 =	sld [smem:$0x0];
	_ =	sdelay $0x2  }
0xbb: {  	s31 =	sshll.u32 s1, $0xD;
	s1 =	sshrl.u32 s1, $0x2  }
0xbc: {  	s3 =	sand.u32 $0x4000, s31;
	s1 =	sadd.s32 s1, s30  }
0xbd: {  	s0 =	sor.u32 s3, s0;
	s1 =	sshll.u32 s1, $0x11  }
0xbe: {  	s0 =	sor.u32 s1, s0  }
0xbf: {  	s0 =	sadd.s32 $0x8F2B, s0  }
0xc0: {  	[sflag:s0] =	ssyncadd.remote.s32 $0x1  }
0xc1: {  	_ =	sfence.sel $0xFFFF  }
0xc2: {  	[dreg:$0x0] =	wrdreg $0xFFFFFFFF;
	(pc) =	sbr.abs _section_cstart, $3  }
0xc3: {  	[dreg:$0x1] =	wrdreg $0xFFFFFFFF  }
0xc4: {  	_ =	task.clear_ibuf [dreg:s9], $0x2FFFF;
	_ =	strace $0x9FFFFFFF  }
0xc5: {  	(tm) =	ssettm $0x7FFFFFFF  }
tec
execute0_lowered:
.L_overlay_start_1:
0x0: {  	(tag) =	ssettag $0x1  }
0x1: {  	s1 =	rddreg [dreg:$0x0]  }
0x2: {  	s7 =	rddreg [dreg:$0x1]  }
0x3: {  	s0 =	srdreg.scid;
	s8 =	rddreg [dreg:$0x2];
	s4 =	simm.s32 $0x0  }
0x4: {  	s6 =	stileid.u32;
	s0 =	sand.u32 $0x1, s0;
	[smem:$0x7FF] =	sst s4  }
0x5: {  	s29 =	sadd.s32 $0x40, s7;
	s30 =	sadd.s32 $0x40, s8;
	s2 =	sor.u32 s0, s6  }
0x6: {  	p0 =	seq.s32 s0, $0x1;
	_ =	strace $0x80000047;
	s3 =	ssub.s32 $0x2, s0  }
0x7: {  	s25 =	smul.u32 $0xF81, s0;
	[dreg:$0x7] =	wrdreg s29;
	p1 =	seq.s32 s2, $0x0  }
0x8: {  	s0 =	sshll.u32 s0, $0x17;
	[dreg:$0x9] =	wrdreg s30;
	p0 =	por !p1, !p0  }
0x9: {  	s2 =	simm.s32 $0x1;
	s5 =	sshrl.u32 s3, $0x1;
	p0 =	por !p0, !p0  }
0xa: {  	[dreg:$0x8] =	wrdreg s0;
	s3 =	ssub.s32 s3, s5;
	s2 =	simm.s32 @!p0 $0x0  }
.Ltmp0:
0xb: {  	s1 =	sadd.s32 s1, s25;
	s2 =	ssub.s32 s6, s2;
	(pc) =	sbr.rel .LBB2_1-.Ltmp0, $4  }
0xc: {  	[dreg:$0x5] =	wrdreg s1;
	s31 =	smax.u32 s3, $0x1;
	s26 =	sshll.u32 s2, $0xD  }
0xd: {  	[dreg:$0xa] =	wrdreg s31;
	s2 =	sshll.u32 s2, $0x6;
	s28 =	sand.u32 $0x1FFFE000, s26  }
0xe: {  	s23 =	simm.s32 $0x200;
	[dreg:$0x4] =	wrdreg s2;
	s1 =	sadd.s32 s7, s28  }
0xf: {  	s24 =	simm.s32 $0x400;
	s2 =	simm.s32 $0x0;
	[dreg:$0x6] =	wrdreg s1  }
.LBB2_39:
0x10: {  	s0 =	simm.s32 $0x4  }
0x11: {  	_ =	swait.ge [sflag:s0], $0x8000  }
0x12: {  	[sflag:s0] =	ssyncset.done $0x0  }
0x13: {  	s1 =	simm.s32 $0x5;
	[sflag:s0] =	ssyncadd.s32 $0xFFFF8000  }
0x14: {  	_ =	swait.ge [sflag:s1], $0x8000  }
0x15: {  	s2 =	rddreg [dreg:$0xb]  }
0x16: {  	s31 =	rddreg [dreg:$0xa];
	s2 =	sadd.s32 $0x1, s2  }
0x17: {  	p0 =	sne.s32 s2, s31  }
.Ltmp1:
0x18: {  	_ = 	snop;
	(pc) =	sbr.rel @!p0 .LBB2_40-.Ltmp1, $3  }
0x19: {  	_ =	sdelay $0x1  }
0x1a: {  	[sflag:s1] =	ssyncset.done $0x0  }
0x1b: {  	[sflag:s1] =	ssyncadd.s32 $0xFFFF8000  }
.LBB2_1:
0x1c: {  	[dreg:$0xb] =	wrdreg s2  }
0x1d: {  	s0 =	rddreg [dreg:$0x5]  }
0x1e: {  	[tilespmem:s4], [sflag:$0x1] =	stream.linear.gather [hbm4b:s0+s4], $0x7C08, $0x38;
	[tilespmem:$0x19C80] =	vst v63  }
0x1f: {  	s30 =	rddreg [dreg:$0x6];
	s1 =	simm.s32 $0x7C80;
	s31 =	simm.s32 $0x1  }
0x20: {  	[tilespmem:s1], [sflag:$0x2] =	stream.strided.gather [hbm4b:s30+s23], $0x1000, s24, s23, $0x38;
	[tilespmem:$0x19C80] =	vst v63  }
0x21: {  	_ =	swait.ge [sflag:s31], $0x7C08  }
0x22: {  	[sflag:s31] =	ssyncset.done $0x0  }
0x23: {  	s25 =	simm.s32 $0x0;
	[sflag:s31] =	ssyncadd.s32 $0xFFFF83F8  }
.LBB2_2:
0x24: {  	s0 =	sshll.u32 s25, $0x3;
	s1 =	rddreg [dreg:$0x4]  }
0x25: {  	s15 =	sor.u32 s1, s0  }
0x26: {  	s0 =	sshll.u32 s15, $0x7  }
0x27: {  	s7 =	rddreg [dreg:$0x7];
	s0 =	sand.u32 $0x1FFFFC00, s0  }
0x28: {  	s8 =	simm.s32 $0x8C80;
	s9 =	simm.s32 $0x2;
	s0 =	sadd.s32 s0, s7  }
0x29: {  	[tilespmem:s8], [sflag:$0x3] =	stream.strided.gather [hbm4b:s0+s23], $0x1000, s24, s23, $0x38;
	[tilespmem:$0x19C80] =	vst v63  }
0x2a: {  	_ =	swait.ge [sflag:s9], $0x1000  }
0x2b: {  	p0 =	seq.s32 s25, $0x0;
	s10 =	simm.s32 $0x0;
	[sflag:s9] =	ssyncset.done $0x0  }
0x2c: {  	s0 =	simm.s32 @!p0 $0x4;
	[dreg:$0xc] =	wrdreg s25;
	[sflag:s9] =	ssyncadd.s32 $0xFFFFF000  }
0x2d: {  	s2 =	simm.s32 $0x0;
	s3 =	sand.u32 $0x40, s10;
	_ =	swait.ge @!p0 [sflag:s0], $0x8000  }
0x2e: {  	s20 =	sand.u32 $0xE00, s2;
	s19 =	sor.u32 $0x30, s3;
	[sflag:s0] =	ssyncset.done @!p0 $0x0  }
0x2f: {  	s18 =	sor.u32 $0x10, s3;
	s11 =	sor.u32 s19, s20;
	[sflag:s0] =	ssyncadd.s32 @!p0 $0xFFFF8000  }
0x30: {  	s16 =	sor.u32 $0x20, s3;
	s24 =	sor.u32 s18, s20;
	v4 =	vld [tilespmem:s11+$0x7C80]  }
0x31: {  	s23 =	sor.u32 s16, s20;
	v3 =	vld [tilespmem:s24+$0x7C80]  }
0x32: {  	s22 =	sor.u32 s3, s20;
	v2 =	vld [tilespmem:s23+$0x7C80]  }
0x33: {  	v1 =	vld [tilespmem:s22+$0x7C80];
	_ =	sdelay $0x4  }
0x34: {  	v0 =	vld.idx.msk [tilespmem:v4+s2+$0x0], $0xffff  }
0x35: {  	v5 =	vadd.s32 $0xF81, v4;
	v6 =	vld.idx.msk [tilespmem:v3+s2+$0x0], $0xffff  }
0x36: {  	v7 =	vadd.s32 $0xF81, v3;
	v8 =	vld.idx.msk [tilespmem:v2+s2+$0x0], $0xffff  }
0x37: {  	v9 =	vadd.s32 $0xF81, v2;
	v10 =	vld.idx.msk [tilespmem:v1+s2+$0x0], $0xffff  }
0x38: {  	v11 =	vadd.s32 $0xF81, v1;
	[dreg:$0xf] =	wrdreg s11  }
0x39: {  	[tilespmem:s11+$0x9C80] =	vst v0  }
0x3a: {  	[tilespmem:s24+$0x9C80] =	vst v6;
	v0 =	vld.idx.msk [tilespmem:v5+s2+$0x0], $0xffff  }
0x3b: {  	[tilespmem:s23+$0x9C80] =	vst v8;
	v5 =	vadd.s32 $0x1F02, v4;
	v6 =	vld.idx.msk [tilespmem:v7+s2+$0x0], $0xffff  }
0x3c: {  	[tilespmem:s22+$0x9C80] =	vst v10;
	v7 =	vadd.s32 $0x1F02, v3;
	v8 =	vld.idx.msk [tilespmem:v9+s2+$0x0], $0xffff  }
0x3d: {  	s12 =	sadd.s32 $0xAC80, s20;
	v9 =	vadd.s32 $0x1F02, v2;
	v10 =	vld.idx.msk [tilespmem:v11+s2+$0x0], $0xffff  }
0x3e: {  	s13 =	sor.u32 s19, s12;
	v11 =	vadd.s32 $0x1F02, v1  }
0x3f: {  	s14 =	sor.u32 s18, s12;
	[tilespmem:s13+$0x0] =	vst v0  }
0x40: {  	s6 =	sor.u32 s16, s12;
	[tilespmem:s14+$0x0] =	vst v6;
	v0 =	vld.idx.msk [tilespmem:v5+s2+$0x0], $0xffff  }
0x41: {  	s0 =	sor.u32 s3, s12;
	[tilespmem:s6+$0x0] =	vst v8;
	v5 =	vadd.s32 $0x2E83, v4;
	v6 =	vld.idx.msk [tilespmem:v7+s2+$0x0], $0xffff  }
0x42: {  	[tilespmem:s0+$0x0] =	vst v10;
	v7 =	vadd.s32 $0x2E83, v3;
	v8 =	vld.idx.msk [tilespmem:v9+s2+$0x0], $0xffff  }
0x43: {  	s17 =	sadd.s32 $0xBC80, s20;
	v9 =	vadd.s32 $0x2E83, v2;
	v10 =	vld.idx.msk [tilespmem:v11+s2+$0x0], $0xffff  }
0x44: {  	s21 =	sor.u32 s19, s17;
	v11 =	vadd.s32 $0x2E83, v1  }
0x45: {  	s25 =	sor.u32 s18, s17;
	[tilespmem:s21+$0x0] =	vst v0  }
0x46: {  	s26 =	sor.u32 s16, s17;
	[tilespmem:s25+$0x0] =	vst v6;
	v5 =	vld.idx.msk [tilespmem:v5+s2+$0x0], $0xffff  }
0x47: {  	s1 =	sor.u32 s3, s17;
	s7 =	simm.s32 $0x100;
	s0 =	simm.s32 $0x40;
	[tilespmem:s26+$0x0] =	vst v8;
	v7 =	vld.idx.msk [tilespmem:v7+s2+$0x0], $0xffff  }
0x48: {  	s29 =	sand.u32 $0xE00, s7;
	s25 =	sand.u32 $0x40, s0;
	[tilespmem:s1+$0x0] =	vst v10;
	v8 =	vld.idx.msk [tilespmem:v9+s2+$0x0], $0xffff  }
0x49: {  	v6 =	vadd.s32 $0x3E04, v4;
	v9 =	vld.idx.msk [tilespmem:v11+s2+$0x0], $0xffff;
	s11 =	sor.u32 s25, s29  }
0x4a: {  	s31 =	sor.u32 $0x30, s25;
	v17 =	vld [tilespmem:s11+$0x7C80]  }
0x4b: {  	s5 =	sadd.s32 $0xCC80, s20;
	s30 =	sor.u32 $0x20, s25;
	v11 =	vadd.s32 $0x3E04, v1;
	s8 =	sor.u32 s31, s29  }
0x4c: {  	s9 =	sor.u32 s19, s5;
	v10 =	vadd.s32 $0x3E04, v3;
	s10 =	sor.u32 s30, s29;
	v0 =	vld [tilespmem:s8+$0x7C80]  }
0x4d: {  	s12 =	sor.u32 s18, s5;
	s1 =	sor.u32 $0x10, s25;
	v14 =	vld [tilespmem:s10+$0x7C80];
	[tilespmem:s9+$0x0] =	vst v5  }
0x4e: {  	s6 =	sor.u32 s3, s5;
	v5 =	vadd.s32 $0x3E04, v2;
	s9 =	sor.u32 s1, s29;
	[tilespmem:s12+$0x0] =	vst v7;
	v6 =	vld.idx.msk [tilespmem:v6+s2+$0x0], $0xffff  }
0x4f: {  	s13 =	sor.u32 s16, s5;
	[tilespmem:s6+$0x0] =	vst v9;
	v13 =	vld [tilespmem:s9+$0x7C80]  }
0x50: {  	v12 =	vadd.s32 $0x4D85, v4;
	[tilespmem:s13+$0x0] =	vst v8;
	v8 =	vld.idx.msk [tilespmem:v11+s2+$0x0], $0xffff  }
0x51: {  	s14 =	sadd.s32 $0xDC80, s20;
	v7 =	vld.idx.msk [tilespmem:v10+s2+$0x0], $0xffff  }
0x52: {  	s17 =	sor.u32 s19, s14;
	v19 =	vld.idx.msk [tilespmem:v17+s2+$0x0], $0xffff  }
0x53: {  	v5 =	vld.idx.msk [tilespmem:v5+s2+$0x0], $0xffff;
	[tilespmem:s17+$0x0] =	vst v6;
	v6 =	vadd.s32 $0x4D85, v3  }
0x54: {  	s12 =	sor.u32 s3, s14;
	v10 =	vadd.s32 $0x4D85, v2;
	v11 =	vld.idx.msk [tilespmem:v0+s2+$0x0], $0xffff  }
0x55: {  	s21 =	sor.u32 s18, s14;
	[tilespmem:s12+$0x0] =	vst v8;
	v8 =	vadd.s32 $0xF81, v17;
	v9 =	vld.idx.msk [tilespmem:v12+s2+$0x0], $0xffff  }
0x56: {  	v15 =	vadd.s32 $0x5D06, v4;
	[tilespmem:s21+$0x0] =	vst v7;
	v7 =	vld.idx.msk [tilespmem:v14+s2+$0x0], $0xffff  }
0x57: {  	s26 =	sor.u32 s16, s14;
	v16 =	vadd.s32 $0xF81, v0;
	v12 =	vld.idx.msk [tilespmem:v13+s2+$0x0], $0xffff;
	[tilespmem:s11+$0x9C80] =	vst v19  }
0x58: {  	s6 =	sadd.s32 $0xEC80, s20;
	v18 =	vadd.s32 $0xF81, v13;
	[tilespmem:s26+$0x0] =	vst v5;
	v6 =	vld.idx.msk [tilespmem:v6+s2+$0x0], $0xffff  }
0x59: {  	s5 =	sor.u32 s19, s6;
	v5 =	vadd.s32 $0xF81, v14;
	[tilespmem:s8+$0x9C80] =	vst v11;
	v10 =	vld.idx.msk [tilespmem:v10+s2+$0x0], $0xffff  }
0x5a: {  	v8 =	vld.idx.msk [tilespmem:v8+s2+$0x0], $0xffff;
	[tilespmem:s5+$0x0] =	vst v9;
	v9 =	vadd.s32 $0x4D85, v1  }
0x5b: {  	[tilespmem:s10+$0x9C80] =	vst v7;
	v11 =	vld.idx.msk [tilespmem:v15+s2+$0x0], $0xffff;
	v15 =	vadd.s32 $0x5D06, v3  }
0x5c: {  	v4 =	vadd.s32 $0x6C87, v4;
	s12 =	sor.u32 s18, s6;
	[tilespmem:s9+$0x9C80] =	vst v12;
	v12 =	vld.idx.msk [tilespmem:v16+s2+$0x0], $0xffff  }
0x5d: {  	s14 =	sadd.s32 $0xAC80, s29;
	s13 =	sor.u32 s16, s6;
	v7 =	vadd.s32 $0x1F02, v0;
	v16 =	vld.idx.msk [tilespmem:v18+s2+$0x0], $0xffff;
	[tilespmem:s12+$0x0] =	vst v6  }
0x5e: {  	s8 =	sor.u32 s25, s14;
	s10 =	sadd.s32 $0xFC80, s20;
	v5 =	vld.idx.msk [tilespmem:v5+s2+$0x0], $0xffff;
	v18 =	vadd.s32 $0x1F02, v13;
	[tilespmem:s13+$0x0] =	vst v10  }
0x5f: {  	s17 =	sor.u32 s19, s10;
	v6 =	vadd.s32 $0x1F02, v14;
	[tilespmem:s8+$0x0] =	vst v8;
	v9 =	vld.idx.msk [tilespmem:v9+s2+$0x0], $0xffff  }
0x60: {  	s21 =	sor.u32 s31, s14;
	v10 =	vadd.s32 $0x1F02, v17;
	v19 =	vld.idx.msk [tilespmem:v15+s2+$0x0], $0xffff;
	[tilespmem:s17+$0x0] =	vst v11  }
0x61: {  	s26 =	sor.u32 s1, s14;
	v11 =	vadd.s32 $0x5D06, v2;
	[tilespmem:s21+$0x0] =	vst v12;
	v4 =	vld.idx.msk [tilespmem:v4+s2+$0x0], $0xffff  }
0x62: {  	v22 =	vadd.s32 $0x5D06, v1;
	s5 =	sor.u32 s30, s14;
	[tilespmem:s26+$0x0] =	vst v16;
	v23 =	vld.idx.msk [tilespmem:v7+s2+$0x0], $0xffff  }
0x63: {  	s6 =	sor.u32 s3, s6;
	v3 =	vadd.s32 $0x6C87, v3;
	[tilespmem:s5+$0x0] =	vst v5;
	v24 =	vld.idx.msk [tilespmem:v18+s2+$0x0], $0xffff  }
0x64: {  	v26 =	vadd.s32 $0x2E83, v0;
	s11 =	sor.u32 s18, s10;
	v25 =	vld.idx.msk [tilespmem:v6+s2+$0x0], $0xffff;
	[tilespmem:s6+$0x0] =	vst v9;
	s6 =	sadd.s32 $0x10C80, s20  }
0x65: {  	v27 =	vadd.s32 $0x2E83, v13;
	v1 =	vadd.s32 $0x6C87, v1;
	v21 =	vld.idx.msk [tilespmem:v10+s2+$0x0], $0xffff;
	[tilespmem:s11+$0x0] =	vst v19;
	s13 =	sor.u32 s19, s6  }
0x66: {  	s12 =	sadd.s32 $0xBC80, s29;
	v8 =	vadd.s32 $0x4D85, v14;
	v2 =	vadd.s32 $0x6C87, v2;
	v15 =	vadd.s32 $0x2E83, v14;
	s5 =	sshll.u32 s15, $0xA;
	v20 =	vld.idx.msk [tilespmem:v11+s2+$0x0], $0xffff;
	[tilespmem:s13+$0x0] =	vst v4  }
0x67: {  	s14 =	sor.u32 s31, s12;
	v12 =	vadd.s32 $0x3E04, v13;
	v16 =	vadd.s32 $0x2E83, v17;
	v7 =	vadd.s32 $0x4D85, v13;
	v18 =	vld.idx.msk [tilespmem:v22+s2+$0x0], $0xffff;
	[dreg:$0xe] =	wrdreg s5  }
0x68: {  	s28 =	sor.u32 s3, s10;
	s17 =	sor.u32 s1, s12;
	v5 =	vadd.s32 $0x5D06, v17;
	v10 =	vadd.s32 $0x3E04, v17;
	v6 =	vadd.s32 $0x4D85, v17;
	[tilespmem:s14+$0x0] =	vst v23;
	v19 =	vld.idx.msk [tilespmem:v3+s2+$0x0], $0xffff  }
0x69: {  	s21 =	sor.u32 s30, s12;
	s15 =	sor.u32 s16, s10;
	v9 =	vadd.s32 $0x5D06, v14;
	v11 =	vadd.s32 $0x3E04, v14;
	s26 =	sor.u32 s18, s6;
	v14 =	vadd.s32 $0x6C87, v14;
	[tilespmem:s17+$0x0] =	vst v24;
	v22 =	vld.idx.msk [tilespmem:v26+s2+$0x0], $0xffff  }
0x6a: {  	s11 =	sor.u32 s25, s12;
	s12 =	sor.u32 s3, s6;
	v4 =	vadd.s32 $0x5D06, v13;
	v3 =	vadd.s32 $0x6C87, v13;
	v13 =	vadd.s32 $0x6C87, v17;
	[tilespmem:s21+$0x0] =	vst v25;
	s17 =	sor.u32 s16, s6;
	v17 =	vld.idx.msk [tilespmem:v27+s2+$0x0], $0xffff  }
.LBB2_3:
0x6b: {  	s0 =	sadd.s32 $0x40, s0;
	[tilespmem:s11+$0x0] =	vst v21;
	v15 =	vld.idx.msk [tilespmem:v15+s2+$0x0], $0xffff;
	v21 =	vadd.s32 $0x3E04, v0  }
0x6c: {  	s7 =	sadd.s32 $0x100, s7;
	s6 =	sand.u32 $0x40, s0;
	p1 =	slt.u32 s0, $0x3C0;
	v16 =	vld.idx.msk [tilespmem:v16+s2+$0x0], $0xffff;
	[tilespmem:s15+$0x0] =	vst v20  }
0x6d: {  	s14 =	sadd.s32 $0xCC80, s29;
	s11 =	sand.u32 $0xE00, s7;
	s8 =	sor.u32 $0x30, s6;
	[tilespmem:s28+$0x0] =	vst v18;
	v18 =	vld.idx.msk [tilespmem:v2+s2+$0x0], $0xffff;
	v2 =	vmov v14  }
0x6e: {  	s13 =	sor.u32 s31, s14;
	s9 =	sor.u32 $0x10, s6;
	s28 =	sor.u32 s8, s11;
	v14 =	vld.idx.msk [tilespmem:v1+s2+$0x0], $0xffff;
	[tilespmem:s26+$0x0] =	vst v19;
	v1 =	vmov v13  }
0x6f: {  	s15 =	sor.u32 s6, s11;
	s10 =	sor.u32 $0x20, s6;
	s26 =	sor.u32 s9, s11;
	v19 =	vld [tilespmem:s28+$0x7C80];
	[tilespmem:s13+$0x0] =	vst v22  }
0x70: {  	s5 =	sor.u32 s1, s14;
	s21 =	sor.u32 s30, s14;
	s13 =	sor.u32 s10, s11;
	v13 =	vld.idx.msk [tilespmem:v21+s2+$0x0], $0xffff  }
0x71: {  	s14 =	sor.u32 s25, s14;
	v20 =	vld [tilespmem:s26+$0x7C80];
	[tilespmem:s5+$0x0] =	vst v17  }
0x72: {  	v22 =	vadd.s32 $0x4D85, v0;
	v21 =	vld [tilespmem:s13+$0x7C80];
	[tilespmem:s21+$0x0] =	vst v15  }
0x73: {  	v23 =	vld [tilespmem:s15+$0x7C80];
	[tilespmem:s14+$0x0] =	vst v16  }
0x74: {  	s5 =	sadd.s32 $0xDC80, s29;
	v24 =	vld.idx.msk [tilespmem:v12+s2+$0x0], $0xffff;
	[tilespmem:s17+$0x0] =	vst v18  }
0x75: {  	s21 =	sor.u32 s31, s5;
	s14 =	sor.u32 s1, s5;
	s17 =	sor.u32 s30, s5;
	v18 =	vld.idx.msk [tilespmem:v11+s2+$0x0], $0xffff;
	[tilespmem:s12+$0x0] =	vst v14  }
0x76: {  	s5 =	sor.u32 s25, s5;
	v25 =	vadd.s32 $0xF81, v20;
	v26 =	vadd.s32 $0x1F02, v20;
	v17 =	vadd.s32 $0x2E83, v20;
	v14 =	vld.idx.msk [tilespmem:v10+s2+$0x0], $0xffff;
	[tilespmem:s21+$0x0] =	vst v13  }
0x77: {  	v27 =	vadd.s32 $0xF81, v21;
	v28 =	vadd.s32 $0x1F02, v21;
	v15 =	vadd.s32 $0x2E83, v21;
	v22 =	vld.idx.msk [tilespmem:v22+s2+$0x0], $0xffff  }
0x78: {  	v29 =	vadd.s32 $0xF81, v23;
	v30 =	vadd.s32 $0x1F02, v23;
	v16 =	vadd.s32 $0x2E83, v23;
	v31 =	vld.idx.msk [tilespmem:v19+s2+$0x0], $0xffff  }
0x79: {  	v33 =	vadd.s32 $0x5D06, v0;
	v12 =	vadd.s32 $0x3E04, v20;
	v11 =	vadd.s32 $0x3E04, v21;
	v32 =	vld.idx.msk [tilespmem:v20+s2+$0x0], $0xffff  }
0x7a: {  	v35 =	vadd.s32 $0xF81, v19;
	v13 =	vadd.s32 $0x4D85, v20;
	v10 =	vadd.s32 $0x3E04, v23;
	v34 =	vld.idx.msk [tilespmem:v21+s2+$0x0], $0xffff;
	[tilespmem:s14+$0x0] =	vst v24  }
0x7b: {  	s12 =	sadd.s32 $0xEC80, s29;
	v37 =	vadd.s32 $0x5D06, v20;
	v38 =	vadd.s32 $0x4D85, v21;
	v36 =	vadd.s32 $0x4D85, v23;
	v24 =	vld.idx.msk [tilespmem:v23+s2+$0x0], $0xffff;
	[tilespmem:s17+$0x0] =	vst v18  }
0x7c: {  	v40 =	vadd.s32 $0x6C87, v20;
	v41 =	vadd.s32 $0x5D06, v21;
	v39 =	vadd.s32 $0x5D06, v23;
	s14 =	sor.u32 s30, s12;
	s17 =	sor.u32 s31, s12;
	[tilespmem:s5+$0x0] =	vst v14;
	v18 =	vld.idx.msk [tilespmem:v7+s2+$0x0], $0xffff;
	s5 =	sor.u32 s1, s12;
	v7 =	vmovc v13  }
0x7d: {  	v13 =	vadd.s32 $0x6C87, v23;
	v14 =	vadd.s32 $0x6C87, v21;
	s12 =	sor.u32 s25, s12;
	v20 =	vld.idx.msk [tilespmem:v8+s2+$0x0], $0xffff;
	[tilespmem:s17+$0x0] =	vst v22;
	v8 =	vmov v38  }
0x7e: {  	[tilespmem:s28+$0x9C80] =	vst v31;
	v21 =	vld.idx.msk [tilespmem:v33+s2+$0x0], $0xffff  }
0x7f: {  	[tilespmem:s26+$0x9C80] =	vst v32;
	v22 =	vld.idx.msk [tilespmem:v35+s2+$0x0], $0xffff  }
0x80: {  	v23 =	vld.idx.msk [tilespmem:v25+s2+$0x0], $0xffff;
	[tilespmem:s13+$0x9C80] =	vst v34;
	v25 =	vadd.s32 $0x6C87, v0;
	v0 =	vmov v19  }
0x81: {  	[tilespmem:s15+$0x9C80] =	vst v24;
	v19 =	vld.idx.msk [tilespmem:v27+s2+$0x0], $0xffff;
	v24 =	vadd.s32 $0x1F02, v0  }
0x82: {  	s13 =	sadd.s32 $0xFC80, s29;
	v27 =	vld.idx.msk [tilespmem:v29+s2+$0x0], $0xffff;
	[tilespmem:s5+$0x0] =	vst v18  }
0x83: {  	s17 =	sor.u32 s1, s13;
	s5 =	sadd.s32 $0xAC80, s11;
	v18 =	vld.idx.msk [tilespmem:v6+s2+$0x0], $0xffff;
	[tilespmem:s14+$0x0] =	vst v20;
	s14 =	sor.u32 s31, s13;
	v6 =	vmov v36  }
0x84: {  	s21 =	sor.u32 s9, s5;
	s26 =	sor.u32 s10, s5;
	s15 =	sor.u32 s8, s5;
	v20 =	vld.idx.msk [tilespmem:v4+s2+$0x0], $0xffff;
	[tilespmem:s14+$0x0] =	vst v21;
	v4 =	vmov v37  }
0x85: {  	s28 =	sor.u32 s25, s13;
	s5 =	sor.u32 s6, s5;
	[tilespmem:s15+$0x0] =	vst v22;
	s15 =	sor.u32 s30, s13;
	v22 =	vld.idx.msk [tilespmem:v25+s2+$0x0], $0xffff  }
0x86: {  	[tilespmem:s21+$0x0] =	vst v23;
	v23 =	vld.idx.msk [tilespmem:v24+s2+$0x0], $0xffff  }
0x87: {  	v24 =	vld.idx.msk [tilespmem:v26+s2+$0x0], $0xffff;
	[tilespmem:s26+$0x0] =	vst v19  }
0x88: {  	v26 =	vadd.s32 $0x2E83, v0;
	[tilespmem:s5+$0x0] =	vst v27;
	v25 =	vld.idx.msk [tilespmem:v28+s2+$0x0], $0xffff;
	s5 =	sadd.s32 $0x10C80, s29;
	s29 =	smov.u32 s11  }
0x89: {  	v21 =	vld.idx.msk [tilespmem:v30+s2+$0x0], $0xffff;
	[tilespmem:s12+$0x0] =	vst v18;
	s11 =	sadd.s32 $0xBC80, s29  }
.Ltmp2:
0x8a: {  	s26 =	sor.u32 s1, s5;
	s1 =	sor.u32 s31, s5;
	[tilespmem:s17+$0x0] =	vst v20;
	v20 =	vld.idx.msk [tilespmem:v9+s2+$0x0], $0xffff;
	(pc) =	sbr.rel @p1 .LBB2_3-.Ltmp2, $4  }
0x8b: {  	s13 =	sor.u32 s9, s11;
	s14 =	sor.u32 s10, s11;
	s12 =	sor.u32 s8, s11;
	v9 =	vmov v41;
	v18 =	vld.idx.msk [tilespmem:v5+s2+$0x0], $0xffff;
	[tilespmem:s1+$0x0] =	vst v22;
	v5 =	vmov v39  }
0x8c: {  	s11 =	sor.u32 s6, s11;
	s17 =	sor.u32 s30, s5;
	[tilespmem:s12+$0x0] =	vst v23;
	s12 =	sor.u32 s25, s5;
	v19 =	vld.idx.msk [tilespmem:v3+s2+$0x0], $0xffff;
	v3 =	vmov v40  }
0x8d: {  	s31 =	smov.u32 s8;
	s1 =	smov.u32 s9;
	s25 =	smov.u32 s6;
	[tilespmem:s13+$0x0] =	vst v24;
	v22 =	vld.idx.msk [tilespmem:v26+s2+$0x0], $0xffff  }
0x8e: {  	s30 =	smov.u32 s10;
	v17 =	vld.idx.msk [tilespmem:v17+s2+$0x0], $0xffff;
	[tilespmem:s14+$0x0] =	vst v25  }
0x8f: {  	_ =	sdelay $0x2  }
0x90: {  	v23 =	vadd.s32 $0x3E04, v0  }
0x91: {  	[tilespmem:s11+$0x0] =	vst v21;
	v15 =	vld.idx.msk [tilespmem:v15+s2+$0x0], $0xffff  }
0x92: {  	s0 =	sadd.s32 $0xCC80, s29;
	v16 =	vld.idx.msk [tilespmem:v16+s2+$0x0], $0xffff  }
0x93: {  	s5 =	sor.u32 s31, s0  }
0x94: {  	s6 =	sor.u32 s1, s0;
	[tilespmem:s5+$0x0] =	vst v22  }
0x95: {  	s7 =	sor.u32 s30, s0;
	[tilespmem:s6+$0x0] =	vst v17;
	v17 =	vld.idx.msk [tilespmem:v23+s2+$0x0], $0xffff  }
0x96: {  	s0 =	sor.u32 s25, s0;
	[tilespmem:s7+$0x0] =	vst v15;
	v15 =	vadd.s32 $0x4D85, v0;
	v12 =	vld.idx.msk [tilespmem:v12+s2+$0x0], $0xffff  }
0x97: {  	[tilespmem:s0+$0x0] =	vst v16;
	v11 =	vld.idx.msk [tilespmem:v11+s2+$0x0], $0xffff  }
0x98: {  	s8 =	sadd.s32 $0xDC80, s29;
	v10 =	vld.idx.msk [tilespmem:v10+s2+$0x0], $0xffff  }
0x99: {  	s9 =	sor.u32 s31, s8  }
0x9a: {  	s10 =	sor.u32 s1, s8;
	[tilespmem:s9+$0x0] =	vst v17  }
0x9b: {  	s11 =	sor.u32 s30, s8;
	[tilespmem:s10+$0x0] =	vst v12;
	v12 =	vld.idx.msk [tilespmem:v15+s2+$0x0], $0xffff  }
0x9c: {  	s0 =	sor.u32 s25, s8;
	[tilespmem:s11+$0x0] =	vst v11;
	v11 =	vadd.s32 $0x5D06, v0;
	v7 =	vld.idx.msk [tilespmem:v7+s2+$0x0], $0xffff  }
0x9d: {  	[tilespmem:s0+$0x0] =	vst v10;
	v8 =	vld.idx.msk [tilespmem:v8+s2+$0x0], $0xffff  }
0x9e: {  	s13 =	sadd.s32 $0xEC80, s29;
	v6 =	vld.idx.msk [tilespmem:v6+s2+$0x0], $0xffff  }
0x9f: {  	[tilespmem:s15+$0x0] =	vst v20;
	s14 =	sor.u32 s31, s13  }
0xa0: {  	s15 =	sor.u32 s1, s13;
	[tilespmem:s14+$0x0] =	vst v12  }
0xa1: {  	s21 =	sor.u32 s30, s13;
	[tilespmem:s15+$0x0] =	vst v7;
	v7 =	vld.idx.msk [tilespmem:v11+s2+$0x0], $0xffff  }
0xa2: {  	v0 =	vadd.s32 $0x6C87, v0;
	s0 =	sor.u32 s25, s13;
	[tilespmem:s21+$0x0] =	vst v8;
	v4 =	vld.idx.msk [tilespmem:v4+s2+$0x0], $0xffff  }
0xa3: {  	[tilespmem:s0+$0x0] =	vst v6;
	v6 =	vld.idx.msk [tilespmem:v9+s2+$0x0], $0xffff  }
0xa4: {  	[tilespmem:s28+$0x0] =	vst v18;
	s28 =	sadd.s32 $0xFC80, s29;
	v5 =	vld.idx.msk [tilespmem:v5+s2+$0x0], $0xffff  }
0xa5: {  	v2 =	vld.idx.msk [tilespmem:v2+s2+$0x0], $0xffff;
	[tilespmem:s26+$0x0] =	vst v19;
	s7 =	sor.u32 s31, s28  }
0xa6: {  	v1 =	vld.idx.msk [tilespmem:v1+s2+$0x0], $0xffff;
	s6 =	sor.u32 s1, s28;
	[tilespmem:s7+$0x0] =	vst v7  }
0xa7: {  	s8 =	sor.u32 s30, s28;
	[tilespmem:s6+$0x0] =	vst v4;
	v0 =	vld.idx.msk [tilespmem:v0+s2+$0x0], $0xffff  }
0xa8: {  	s0 =	sor.u32 s25, s28;
	v3 =	vld.idx.msk [tilespmem:v3+s2+$0x0], $0xffff;
	[tilespmem:s8+$0x0] =	vst v6  }
0xa9: {  	[tilespmem:s0+$0x0] =	vst v5;
	v4 =	vld.idx.msk [tilespmem:v14+s2+$0x0], $0xffff  }
0xaa: {  	[tilespmem:s17+$0x0] =	vst v2;
	s9 =	sadd.s32 $0x10C80, s29;
	v2 =	vld.idx.msk [tilespmem:v13+s2+$0x0], $0xffff  }
0xab: {  	[tilespmem:s12+$0x0] =	vst v1;
	s10 =	sor.u32 s31, s9  }
0xac: {  	s11 =	sor.u32 s1, s9;
	[tilespmem:s10+$0x0] =	vst v0  }
0xad: {  	s12 =	sor.u32 s30, s9;
	[tilespmem:s11+$0x0] =	vst v3  }
0xae: {  	s0 =	sor.u32 s25, s9;
	[tilespmem:s12+$0x0] =	vst v4  }
0xaf: {  	[tilespmem:s0+$0x0] =	vst v2  }
0xb0: {  	s0 =	rddreg [dreg:$0xf];
	v3 =	vld [tilespmem:s24+$0x7D00]  }
0xb1: {  	v4 =	vld [tilespmem:s0+$0x7D00]  }
0xb2: {  	v2 =	vld [tilespmem:s23+$0x7D00]  }
0xb3: {  	v1 =	vld [tilespmem:s22+$0x7D00];
	_ =	sdelay $0x3  }
0xb4: {  	s2 =	simm.s32 $0x0  }
0xb5: {  	v6 =	vld.idx.msk [tilespmem:v3+s2+$0x0], $0xffff  }
0xb6: {  	v7 =	vadd.s32 $0xF81, v3;
	v0 =	vld.idx.msk [tilespmem:v4+s2+$0x0], $0xffff  }
0xb7: {  	v5 =	vadd.s32 $0xF81, v4;
	v8 =	vld.idx.msk [tilespmem:v2+s2+$0x0], $0xffff  }
0xb8: {  	v9 =	vadd.s32 $0xF81, v2;
	v10 =	vld.idx.msk [tilespmem:v1+s2+$0x0], $0xffff  }
0xb9: {  	v11 =	vadd.s32 $0xF81, v1  }
0xba: {  	[tilespmem:s24+$0x9D00] =	vst v6  }
0xbb: {  	[tilespmem:s0+$0x9D00] =	vst v0;
	v6 =	vld.idx.msk [tilespmem:v7+s2+$0x0], $0xffff  }
0xbc: {  	[tilespmem:s23+$0x9D00] =	vst v8;
	v7 =	vadd.s32 $0x1F02, v3;
	v0 =	vld.idx.msk [tilespmem:v5+s2+$0x0], $0xffff  }
0xbd: {  	[tilespmem:s22+$0x9D00] =	vst v10;
	v8 =	vld.idx.msk [tilespmem:v9+s2+$0x0], $0xffff;
	v5 =	vadd.s32 $0x1F02, v4  }
0xbe: {  	s13 =	sadd.s32 $0xAD00, s20;
	v9 =	vadd.s32 $0x1F02, v2;
	v10 =	vld.idx.msk [tilespmem:v11+s2+$0x0], $0xffff  }
0xbf: {  	s15 =	sor.u32 s18, s13;
	v11 =	vadd.s32 $0x1F02, v1  }
0xc0: {  	s14 =	sor.u32 s19, s13;
	[tilespmem:s15+$0x0] =	vst v6  }
0xc1: {  	s17 =	sor.u32 s16, s13;
	[tilespmem:s14+$0x0] =	vst v0;
	v6 =	vld.idx.msk [tilespmem:v7+s2+$0x0], $0xffff  }
0xc2: {  	s0 =	sor.u32 s3, s13;
	[tilespmem:s17+$0x0] =	vst v8;
	v7 =	vadd.s32 $0x2E83, v3;
	v0 =	vld.idx.msk [tilespmem:v5+s2+$0x0], $0xffff  }
0xc3: {  	[tilespmem:s0+$0x0] =	vst v10;
	v8 =	vld.idx.msk [tilespmem:v9+s2+$0x0], $0xffff;
	v5 =	vadd.s32 $0x2E83, v4  }
0xc4: {  	s21 =	sadd.s32 $0xBD00, s20;
	v9 =	vadd.s32 $0x2E83, v2;
	v10 =	vld.idx.msk [tilespmem:v11+s2+$0x0], $0xffff  }
0xc5: {  	s23 =	sor.u32 s18, s21;
	v11 =	vadd.s32 $0x2E83, v1  }
0xc6: {  	s22 =	sor.u32 s19, s21;
	[tilespmem:s23+$0x0] =	vst v6  }
0xc7: {  	s25 =	simm.s32 $0x40;
	s24 =	sor.u32 s16, s21;
	[tilespmem:s22+$0x0] =	vst v0;
	v7 =	vld.idx.msk [tilespmem:v7+s2+$0x0], $0xffff  }
0xc8: {  	s26 =	sor.u32 s3, s21;
	s0 =	simm.s32 $0x100;
	[tilespmem:s24+$0x0] =	vst v8;
	s22 =	sand.u32 $0x40, s25;
	v5 =	vld.idx.msk [tilespmem:v5+s2+$0x0], $0xffff  }
0xc9: {  	v6 =	vadd.s32 $0x3E04, v4;
	[tilespmem:s26+$0x0] =	vst v10;
	s24 =	sand.u32 $0xE00, s0;
	v8 =	vld.idx.msk [tilespmem:v9+s2+$0x0], $0xffff;
	s23 =	sor.u32 $0x30, s22  }
0xca: {  	v9 =	vld.idx.msk [tilespmem:v11+s2+$0x0], $0xffff;
	s29 =	sor.u32 s23, s24  }
0xcb: {  	s28 =	sadd.s32 $0xCD00, s20;
	v10 =	vadd.s32 $0x3E04, v3;
	s1 =	sor.u32 $0x10, s22;
	s9 =	sor.u32 s22, s24;
	v0 =	vld [tilespmem:s29+$0x7D00]  }
0xcc: {  	s7 =	sor.u32 s19, s28;
	v11 =	vadd.s32 $0x3E04, v1;
	s30 =	sor.u32 s1, s24;
	v17 =	vld [tilespmem:s9+$0x7D00]  }
0xcd: {  	s21 =	sor.u32 $0x20, s22;
	v13 =	vld [tilespmem:s30+$0x7D00];
	[tilespmem:s7+$0x0] =	vst v5;
	v5 =	vadd.s32 $0x3E04, v2  }
0xce: {  	s10 =	sor.u32 s18, s28;
	s8 =	sor.u32 s21, s24;
	v6 =	vld.idx.msk [tilespmem:v6+s2+$0x0], $0xffff  }
0xcf: {  	s5 =	sor.u32 s3, s28;
	v12 =	vadd.s32 $0x4D85, v4;
	v14 =	vld [tilespmem:s8+$0x7D00];
	[tilespmem:s10+$0x0] =	vst v7  }
0xd0: {  	s31 =	sor.u32 s16, s28;
	[tilespmem:s5+$0x0] =	vst v9;
	v7 =	vld.idx.msk [tilespmem:v10+s2+$0x0], $0xffff  }
0xd1: {  	s12 =	sadd.s32 $0xDD00, s20;
	[tilespmem:s31+$0x0] =	vst v8;
	v8 =	vld.idx.msk [tilespmem:v11+s2+$0x0], $0xffff  }
0xd2: {  	s13 =	sor.u32 s19, s12;
	v5 =	vld.idx.msk [tilespmem:v5+s2+$0x0], $0xffff  }
0xd3: {  	v11 =	vld.idx.msk [tilespmem:v0+s2+$0x0], $0xffff;
	[tilespmem:s13+$0x0] =	vst v6;
	v6 =	vadd.s32 $0x4D85, v3  }
0xd4: {  	s14 =	sor.u32 s18, s12;
	v10 =	vadd.s32 $0x4D85, v2;
	v9 =	vld.idx.msk [tilespmem:v12+s2+$0x0], $0xffff  }
0xd5: {  	s17 =	sor.u32 s3, s12;
	v18 =	vadd.s32 $0xF81, v0;
	[tilespmem:s14+$0x0] =	vst v7;
	v12 =	vld.idx.msk [tilespmem:v13+s2+$0x0], $0xffff  }
0xd6: {  	v15 =	vadd.s32 $0x5D06, v4;
	s15 =	sor.u32 s16, s12;
	v19 =	vld.idx.msk [tilespmem:v17+s2+$0x0], $0xffff;
	[tilespmem:s17+$0x0] =	vst v8  }
0xd7: {  	s26 =	sadd.s32 $0xED00, s20;
	v16 =	vld.idx.msk [tilespmem:v14+s2+$0x0], $0xffff;
	v8 =	vadd.s32 $0xF81, v17;
	[tilespmem:s15+$0x0] =	vst v5  }
0xd8: {  	s28 =	sor.u32 s19, s26;
	v7 =	vadd.s32 $0xF81, v13;
	[tilespmem:s29+$0x9D00] =	vst v11;
	v6 =	vld.idx.msk [tilespmem:v6+s2+$0x0], $0xffff  }
0xd9: {  	v5 =	vadd.s32 $0xF81, v14;
	v10 =	vld.idx.msk [tilespmem:v10+s2+$0x0], $0xffff;
	[tilespmem:s28+$0x0] =	vst v9  }
0xda: {  	v9 =	vadd.s32 $0x4D85, v1;
	[tilespmem:s30+$0x9D00] =	vst v12;
	v12 =	vld.idx.msk [tilespmem:v18+s2+$0x0], $0xffff  }
0xdb: {  	[tilespmem:s9+$0x9D00] =	vst v19;
	v11 =	vld.idx.msk [tilespmem:v15+s2+$0x0], $0xffff;
	v15 =	vadd.s32 $0x5D06, v3  }
0xdc: {  	[tilespmem:s8+$0x9D00] =	vst v16;
	v16 =	vadd.s32 $0x1F02, v0;
	v8 =	vld.idx.msk [tilespmem:v8+s2+$0x0], $0xffff  }
0xdd: {  	v4 =	vadd.s32 $0x6C87, v4;
	s29 =	sor.u32 s18, s26;
	v7 =	vld.idx.msk [tilespmem:v7+s2+$0x0], $0xffff  }
0xde: {  	s9 =	sadd.s32 $0xAD00, s24;
	v18 =	vadd.s32 $0x1F02, v13;
	s30 =	sor.u32 s16, s26;
	v5 =	vld.idx.msk [tilespmem:v5+s2+$0x0], $0xffff;
	[tilespmem:s29+$0x0] =	vst v6  }
0xdf: {  	s31 =	sadd.s32 $0xFD00, s20;
	s12 =	sor.u32 s23, s9;
	v6 =	vadd.s32 $0x1F02, v14;
	[tilespmem:s30+$0x0] =	vst v10;
	v9 =	vld.idx.msk [tilespmem:v9+s2+$0x0], $0xffff  }
0xe0: {  	s11 =	sor.u32 s19, s31;
	v10 =	vadd.s32 $0x1F02, v17;
	[tilespmem:s12+$0x0] =	vst v12;
	v19 =	vld.idx.msk [tilespmem:v15+s2+$0x0], $0xffff  }
0xe1: {  	s13 =	sor.u32 s1, s9;
	[tilespmem:s11+$0x0] =	vst v11;
	v11 =	vadd.s32 $0x5D06, v2;
	v23 =	vld.idx.msk [tilespmem:v16+s2+$0x0], $0xffff  }
0xe2: {  	v22 =	vadd.s32 $0x5D06, v1;
	s14 =	sor.u32 s21, s9;
	[tilespmem:s13+$0x0] =	vst v7;
	v4 =	vld.idx.msk [tilespmem:v4+s2+$0x0], $0xffff  }
0xe3: {  	s5 =	sor.u32 s22, s9;
	v3 =	vadd.s32 $0x6C87, v3;
	v24 =	vld.idx.msk [tilespmem:v18+s2+$0x0], $0xffff;
	[tilespmem:s14+$0x0] =	vst v5  }
0xe4: {  	v26 =	vadd.s32 $0x2E83, v0;
	s15 =	sor.u32 s3, s26;
	[tilespmem:s5+$0x0] =	vst v8;
	v25 =	vld.idx.msk [tilespmem:v6+s2+$0x0], $0xffff  }
0xe5: {  	v27 =	vadd.s32 $0x2E83, v13;
	s17 =	sor.u32 s18, s31;
	v1 =	vadd.s32 $0x6C87, v1;
	s26 =	sadd.s32 $0xBD00, s24;
	v21 =	vld.idx.msk [tilespmem:v10+s2+$0x0], $0xffff;
	[tilespmem:s15+$0x0] =	vst v9  }
0xe6: {  	s20 =	sadd.s32 $0x10D00, s20;
	v8 =	vadd.s32 $0x4D85, v14;
	s29 =	sor.u32 s23, s26;
	v12 =	vadd.s32 $0x3E04, v13;
	v15 =	vadd.s32 $0x2E83, v14;
	[tilespmem:s17+$0x0] =	vst v19;
	v20 =	vld.idx.msk [tilespmem:v11+s2+$0x0], $0xffff  }
0xe7: {  	s28 =	sor.u32 s19, s20;
	v2 =	vadd.s32 $0x6C87, v2;
	v16 =	vadd.s32 $0x2E83, v17;
	v7 =	vadd.s32 $0x4D85, v13;
	v18 =	vld.idx.msk [tilespmem:v22+s2+$0x0], $0xffff;
	[tilespmem:s29+$0x0] =	vst v23  }
0xe8: {  	s10 =	sor.u32 s3, s20;
	s19 =	sor.u32 s16, s31;
	s30 =	sor.u32 s1, s26;
	v5 =	vadd.s32 $0x5D06, v17;
	v10 =	vadd.s32 $0x3E04, v17;
	v6 =	vadd.s32 $0x4D85, v17;
	[tilespmem:s28+$0x0] =	vst v4;
	v19 =	vld.idx.msk [tilespmem:v3+s2+$0x0], $0xffff  }
0xe9: {  	s16 =	sor.u32 s16, s20;
	s11 =	sor.u32 s3, s31;
	s31 =	sor.u32 s21, s26;
	v9 =	vadd.s32 $0x5D06, v14;
	v11 =	vadd.s32 $0x3E04, v14;
	v14 =	vadd.s32 $0x6C87, v14;
	[tilespmem:s30+$0x0] =	vst v24;
	v22 =	vld.idx.msk [tilespmem:v26+s2+$0x0], $0xffff  }
0xea: {  	s13 =	sor.u32 s22, s26;
	s3 =	simm.s32 $0x0;
	s17 =	sor.u32 s18, s20;
	v4 =	vadd.s32 $0x5D06, v13;
	v3 =	vadd.s32 $0x6C87, v13;
	v13 =	vadd.s32 $0x6C87, v17;
	v17 =	vld.idx.msk [tilespmem:v27+s2+$0x0], $0xffff;
	[tilespmem:s31+$0x0] =	vst v25  }
.LBB2_5:
0xeb: {  	s25 =	sadd.s32 $0x40, s25;
	[tilespmem:s13+$0x0] =	vst v21;
	v15 =	vld.idx.msk [tilespmem:v15+s2+$0x0], $0xffff;
	v21 =	vadd.s32 $0x3E04, v0  }
0xec: {  	s0 =	sadd.s32 $0x100, s0;
	s6 =	sand.u32 $0x40, s25;
	p1 =	slt.u32 s25, $0x3C0;
	v16 =	vld.idx.msk [tilespmem:v16+s2+$0x0], $0xffff;
	[tilespmem:s19+$0x0] =	vst v20  }
0xed: {  	s5 =	sadd.s32 $0xCD00, s24;
	s7 =	sand.u32 $0xE00, s0;
	s8 =	sor.u32 $0x30, s6;
	[tilespmem:s11+$0x0] =	vst v18;
	v18 =	vld.idx.msk [tilespmem:v2+s3+$0x0], $0xffff;
	v2 =	vmov v14  }
0xee: {  	s13 =	sor.u32 s23, s5;
	s12 =	sor.u32 $0x10, s6;
	s15 =	sor.u32 s8, s7;
	v14 =	vld.idx.msk [tilespmem:v1+s3+$0x0], $0xffff;
	[tilespmem:s17+$0x0] =	vst v19;
	v1 =	vmov v13  }
0xef: {  	s11 =	sor.u32 s6, s7;
	s9 =	sor.u32 $0x20, s6;
	s17 =	sor.u32 s12, s7;
	v19 =	vld [tilespmem:s15+$0x7D00];
	[tilespmem:s13+$0x0] =	vst v22  }
0xf0: {  	s18 =	sor.u32 s9, s7;
	s3 =	sor.u32 s1, s5;
	s13 =	sor.u32 s21, s5;
	v13 =	vld.idx.msk [tilespmem:v21+s2+$0x0], $0xffff  }
0xf1: {  	s5 =	sor.u32 s22, s5;
	v20 =	vld [tilespmem:s17+$0x7D00];
	[tilespmem:s3+$0x0] =	vst v17;
	s3 =	smov.u32 s2  }
0xf2: {  	v22 =	vadd.s32 $0x4D85, v0;
	v21 =	vld [tilespmem:s18+$0x7D00];
	[tilespmem:s13+$0x0] =	vst v15  }
0xf3: {  	v23 =	vld [tilespmem:s11+$0x7D00];
	[tilespmem:s5+$0x0] =	vst v16  }
0xf4: {  	s5 =	sadd.s32 $0xDD00, s24;
	v24 =	vld.idx.msk [tilespmem:v12+s3+$0x0], $0xffff;
	[tilespmem:s16+$0x0] =	vst v18  }
0xf5: {  	s13 =	sor.u32 s1, s5;
	s14 =	sor.u32 s21, s5;
	s16 =	sor.u32 s23, s5;
	v18 =	vld.idx.msk [tilespmem:v11+s3+$0x0], $0xffff;
	[tilespmem:s10+$0x0] =	vst v14  }
0xf6: {  	s5 =	sor.u32 s22, s5;
	v25 =	vadd.s32 $0xF81, v20;
	v26 =	vadd.s32 $0x1F02, v20;
	v17 =	vadd.s32 $0x2E83, v20;
	v14 =	vld.idx.msk [tilespmem:v10+s3+$0x0], $0xffff;
	[tilespmem:s16+$0x0] =	vst v13  }
0xf7: {  	v27 =	vadd.s32 $0xF81, v21;
	v28 =	vadd.s32 $0x1F02, v21;
	v15 =	vadd.s32 $0x2E83, v21;
	v22 =	vld.idx.msk [tilespmem:v22+s3+$0x0], $0xffff  }
0xf8: {  	v29 =	vadd.s32 $0xF81, v23;
	v30 =	vadd.s32 $0x1F02, v23;
	v16 =	vadd.s32 $0x2E83, v23;
	v31 =	vld.idx.msk [tilespmem:v19+s2+$0x0], $0xffff  }
0xf9: {  	v33 =	vadd.s32 $0x5D06, v0;
	v12 =	vadd.s32 $0x3E04, v20;
	v11 =	vadd.s32 $0x3E04, v21;
	v32 =	vld.idx.msk [tilespmem:v20+s2+$0x0], $0xffff  }
0xfa: {  	v35 =	vadd.s32 $0xF81, v19;
	v13 =	vadd.s32 $0x4D85, v20;
	v10 =	vadd.s32 $0x3E04, v23;
	v34 =	vld.idx.msk [tilespmem:v21+s2+$0x0], $0xffff;
	[tilespmem:s13+$0x0] =	vst v24  }
0xfb: {  	s10 =	sadd.s32 $0xED00, s24;
	v37 =	vadd.s32 $0x5D06, v20;
	v38 =	vadd.s32 $0x4D85, v21;
	v36 =	vadd.s32 $0x4D85, v23;
	v24 =	vld.idx.msk [tilespmem:v23+s2+$0x0], $0xffff;
	[tilespmem:s14+$0x0] =	vst v18  }
0xfc: {  	v40 =	vadd.s32 $0x6C87, v20;
	v41 =	vadd.s32 $0x5D06, v21;
	v39 =	vadd.s32 $0x5D06, v23;
	s13 =	sor.u32 s21, s10;
	s14 =	sor.u32 s23, s10;
	[tilespmem:s5+$0x0] =	vst v14;
	v18 =	vld.idx.msk [tilespmem:v7+s3+$0x0], $0xffff;
	s5 =	sor.u32 s1, s10;
	v7 =	vmovc v13  }
0xfd: {  	v13 =	vadd.s32 $0x6C87, v23;
	v14 =	vadd.s32 $0x6C87, v21;
	s10 =	sor.u32 s22, s10;
	v20 =	vld.idx.msk [tilespmem:v8+s3+$0x0], $0xffff;
	[tilespmem:s14+$0x0] =	vst v22;
	v8 =	vmov v38  }
0xfe: {  	[tilespmem:s15+$0x9D00] =	vst v31;
	v21 =	vld.idx.msk [tilespmem:v33+s3+$0x0], $0xffff  }
0xff: {  	[tilespmem:s17+$0x9D00] =	vst v32;
	v22 =	vld.idx.msk [tilespmem:v35+s2+$0x0], $0xffff  }
0x100: {  	v23 =	vld.idx.msk [tilespmem:v25+s2+$0x0], $0xffff;
	[tilespmem:s18+$0x9D00] =	vst v34;
	v25 =	vadd.s32 $0x6C87, v0;
	v0 =	vmov v19  }
0x101: {  	[tilespmem:s11+$0x9D00] =	vst v24;
	v19 =	vld.idx.msk [tilespmem:v27+s2+$0x0], $0xffff;
	v24 =	vadd.s32 $0x1F02, v0  }
0x102: {  	s14 =	sadd.s32 $0xFD00, s24;
	v27 =	vld.idx.msk [tilespmem:v29+s2+$0x0], $0xffff;
	[tilespmem:s5+$0x0] =	vst v18  }
0x103: {  	s15 =	sor.u32 s1, s14;
	s11 =	sor.u32 s23, s14;
	s5 =	sadd.s32 $0xAD00, s7;
	v18 =	vld.idx.msk [tilespmem:v6+s3+$0x0], $0xffff;
	[tilespmem:s13+$0x0] =	vst v20;
	v6 =	vmov v36  }
0x104: {  	s13 =	sor.u32 s12, s5;
	s16 =	sor.u32 s9, s5;
	s17 =	sor.u32 s8, s5;
	v20 =	vld.idx.msk [tilespmem:v4+s3+$0x0], $0xffff;
	[tilespmem:s11+$0x0] =	vst v21;
	v4 =	vmov v37  }
0x105: {  	s19 =	sor.u32 s21, s14;
	s5 =	sor.u32 s6, s5;
	s11 =	sor.u32 s22, s14;
	[tilespmem:s17+$0x0] =	vst v22;
	v22 =	vld.idx.msk [tilespmem:v25+s3+$0x0], $0xffff  }
0x106: {  	[tilespmem:s13+$0x0] =	vst v23;
	v23 =	vld.idx.msk [tilespmem:v24+s2+$0x0], $0xffff  }
0x107: {  	v24 =	vld.idx.msk [tilespmem:v26+s2+$0x0], $0xffff;
	[tilespmem:s16+$0x0] =	vst v19  }
0x108: {  	v26 =	vadd.s32 $0x2E83, v0;
	[tilespmem:s5+$0x0] =	vst v27;
	v25 =	vld.idx.msk [tilespmem:v28+s2+$0x0], $0xffff  }
0x109: {  	s5 =	sadd.s32 $0x10D00, s24;
	v21 =	vld.idx.msk [tilespmem:v30+s2+$0x0], $0xffff;
	[tilespmem:s10+$0x0] =	vst v18;
	s10 =	sadd.s32 $0xBD00, s7  }
.Ltmp3:
0x10a: {  	s17 =	sor.u32 s1, s5;
	s1 =	sor.u32 s23, s5;
	[tilespmem:s15+$0x0] =	vst v20;
	v20 =	vld.idx.msk [tilespmem:v9+s3+$0x0], $0xffff;
	(pc) =	sbr.rel @p1 .LBB2_5-.Ltmp3, $4  }
0x10b: {  	s14 =	sor.u32 s12, s10;
	s15 =	sor.u32 s9, s10;
	s16 =	sor.u32 s8, s10;
	v9 =	vmov v41;
	v18 =	vld.idx.msk [tilespmem:v5+s3+$0x0], $0xffff;
	[tilespmem:s1+$0x0] =	vst v22;
	v5 =	vmov v39  }
0x10c: {  	s13 =	sor.u32 s6, s10;
	s10 =	sor.u32 s22, s5;
	[tilespmem:s16+$0x0] =	vst v23;
	v19 =	vld.idx.msk [tilespmem:v3+s3+$0x0], $0xffff;
	s16 =	sor.u32 s21, s5;
	v3 =	vmov v40  }
0x10d: {  	s24 =	smov.u32 s7;
	s23 =	smov.u32 s8;
	s22 =	smov.u32 s6;
	[tilespmem:s14+$0x0] =	vst v24;
	v22 =	vld.idx.msk [tilespmem:v26+s2+$0x0], $0xffff  }
0x10e: {  	s1 =	smov.u32 s12;
	s21 =	smov.u32 s9;
	v17 =	vld.idx.msk [tilespmem:v17+s2+$0x0], $0xffff;
	[tilespmem:s15+$0x0] =	vst v25  }
0x10f: {  	_ =	sdelay $0x2  }
0x110: {  	v23 =	vadd.s32 $0x3E04, v0  }
0x111: {  	[tilespmem:s13+$0x0] =	vst v21;
	v15 =	vld.idx.msk [tilespmem:v15+s2+$0x0], $0xffff  }
0x112: {  	s0 =	sadd.s32 $0xCD00, s24;
	v16 =	vld.idx.msk [tilespmem:v16+s2+$0x0], $0xffff  }
0x113: {  	s5 =	sor.u32 s23, s0  }
0x114: {  	s13 =	sor.u32 s1, s0;
	[tilespmem:s5+$0x0] =	vst v22  }
0x115: {  	s14 =	sor.u32 s21, s0;
	[tilespmem:s13+$0x0] =	vst v17;
	v17 =	vld.idx.msk [tilespmem:v23+s2+$0x0], $0xffff  }
0x116: {  	s0 =	sor.u32 s22, s0;
	[tilespmem:s14+$0x0] =	vst v15;
	v15 =	vadd.s32 $0x4D85, v0;
	v12 =	vld.idx.msk [tilespmem:v12+s2+$0x0], $0xffff  }
0x117: {  	[tilespmem:s0+$0x0] =	vst v16;
	v11 =	vld.idx.msk [tilespmem:v11+s2+$0x0], $0xffff  }
0x118: {  	s15 =	sadd.s32 $0xDD00, s24;
	v10 =	vld.idx.msk [tilespmem:v10+s2+$0x0], $0xffff  }
0x119: {  	s18 =	sor.u32 s23, s15  }
0x11a: {  	s20 =	sor.u32 s1, s15;
	[tilespmem:s18+$0x0] =	vst v17  }
0x11b: {  	s25 =	sor.u32 s21, s15;
	[tilespmem:s20+$0x0] =	vst v12;
	v12 =	vld.idx.msk [tilespmem:v15+s2+$0x0], $0xffff  }
0x11c: {  	s0 =	sor.u32 s22, s15;
	v15 =	vadd.s32 $0x5D06, v0;
	[tilespmem:s25+$0x0] =	vst v11;
	v7 =	vld.idx.msk [tilespmem:v7+s2+$0x0], $0xffff  }
0x11d: {  	[tilespmem:s0+$0x0] =	vst v10;
	v8 =	vld.idx.msk [tilespmem:v8+s2+$0x0], $0xffff  }
0x11e: {  	s26 =	sadd.s32 $0xED00, s24;
	v6 =	vld.idx.msk [tilespmem:v6+s2+$0x0], $0xffff  }
0x11f: {  	[tilespmem:s19+$0x0] =	vst v20;
	s28 =	sor.u32 s23, s26  }
0x120: {  	s6 =	sor.u32 s1, s26;
	[tilespmem:s28+$0x0] =	vst v12  }
0x121: {  	s29 =	sor.u32 s21, s26;
	[tilespmem:s6+$0x0] =	vst v7;
	v10 =	vld.idx.msk [tilespmem:v15+s2+$0x0], $0xffff  }
0x122: {  	v0 =	vadd.s32 $0x6C87, v0;
	s0 =	sor.u32 s22, s26;
	[tilespmem:s29+$0x0] =	vst v8;
	v4 =	vld.idx.msk [tilespmem:v4+s2+$0x0], $0xffff  }
0x123: {  	[tilespmem:s0+$0x0] =	vst v6;
	v6 =	vld.idx.msk [tilespmem:v9+s2+$0x0], $0xffff  }
0x124: {  	s30 =	sadd.s32 $0xFD00, s24;
	[tilespmem:s11+$0x0] =	vst v18;
	v5 =	vld.idx.msk [tilespmem:v5+s2+$0x0], $0xffff  }
0x125: {  	v2 =	vld.idx.msk [tilespmem:v2+s3+$0x0], $0xffff;
	s31 =	sor.u32 s23, s30;
	[tilespmem:s17+$0x0] =	vst v19  }
0x126: {  	v1 =	vld.idx.msk [tilespmem:v1+s3+$0x0], $0xffff;
	s6 =	sor.u32 s1, s30;
	[tilespmem:s31+$0x0] =	vst v10  }
0x127: {  	s7 =	sor.u32 s21, s30;
	[tilespmem:s6+$0x0] =	vst v4;
	v0 =	vld.idx.msk [tilespmem:v0+s2+$0x0], $0xffff  }
0x128: {  	s0 =	sor.u32 s22, s30;
	v3 =	vld.idx.msk [tilespmem:v3+s2+$0x0], $0xffff;
	[tilespmem:s7+$0x0] =	vst v6  }
0x129: {  	[tilespmem:s0+$0x0] =	vst v5;
	v4 =	vld.idx.msk [tilespmem:v14+s2+$0x0], $0xffff  }
0x12a: {  	s8 =	sadd.s32 $0x10D00, s24;
	p1 =	por $0x0, $0x0;
	s3 =	simm.s32 $0x1;
	[tilespmem:s16+$0x0] =	vst v2;
	v2 =	vld.idx.msk [tilespmem:v13+s2+$0x0], $0xffff  }
0x12b: {  	s9 =	sor.u32 s23, s8;
	s3 =	simm.s32 @!p1 $0x0;
	[tilespmem:s10+$0x0] =	vst v1  }
0x12c: {  	s3 =	sshll.u32 s3, $0x6;
	s10 =	sor.u32 s1, s8;
	[tilespmem:s9+$0x0] =	vst v0  }
0x12d: {  	s11 =	sor.u32 s21, s8;
	s21 =	sadd.s32 $0x0, s3;
	[tilespmem:s10+$0x0] =	vst v3  }
0x12e: {  	s0 =	sor.u32 s22, s8;
	s22 =	sadd.s32 $0x30, s21;
	[tilespmem:s11+$0x0] =	vst v4  }
0x12f: {  	s23 =	sadd.s32 $0x10, s21;
	s12 =	sor.u32 $0x100, s22;
	[tilespmem:s0+$0x0] =	vst v2  }
0x130: {  	s13 =	sor.u32 $0x100, s23;
	v16 =	vld [tilespmem:s12+$0x7C80]  }
0x131: {  	v0 =	vld [tilespmem:s13+$0x7C80]  }
0x132: {  	s24 =	sadd.s32 $0x20, s21  }
0x133: {  	s14 =	sor.u32 $0x100, s24  }
0x134: {  	s15 =	sor.u32 $0x100, s21;
	v1 =	vld [tilespmem:s14+$0x7C80]  }
0x135: {  	v3 =	vld [tilespmem:s15+$0x7C80];
	_ =	sdelay $0x2  }
0x136: {  	v2 =	vld.idx.msk [tilespmem:v16+s2+$0x0], $0xffff  }
0x137: {  	v5 =	vadd.s32 $0xF81, v16;
	v4 =	vld.idx.msk [tilespmem:v0+s2+$0x0], $0xffff  }
0x138: {  	v6 =	vadd.s32 $0xF81, v0;
	_ =	sdelay $0x1  }
0x139: {  	v7 =	vld.idx.msk [tilespmem:v1+s2+$0x0], $0xffff  }
0x13a: {  	v8 =	vadd.s32 $0xF81, v1;
	v9 =	vld.idx.msk [tilespmem:v3+s2+$0x0], $0xffff;
	[tilespmem:s12+$0x9C80] =	vst v2  }
0x13b: {  	v2 =	vadd.s32 $0xF81, v3;
	[tilespmem:s13+$0x9C80] =	vst v4;
	v4 =	vld.idx.msk [tilespmem:v5+s2+$0x0], $0xffff  }
0x13c: {  	s16 =	simm.s32 $0x0;
	v5 =	vld.idx.msk [tilespmem:v6+s2+$0x0], $0xffff;
	v6 =	vadd.s32 $0x1F02, v16  }
0x13d: {  	s3 =	sand.u32 $0x40, s16;
	s20 =	sand.u32 $0xE00, s2;
	v10 =	vadd.s32 $0x1F02, v0  }
0x13e: {  	s19 =	sor.u32 $0x30, s3;
	s17 =	sadd.s32 $0xAD80, s20;
	[tilespmem:s14+$0x9C80] =	vst v7  }
0x13f: {  	s18 =	sor.u32 $0x10, s3;
	s25 =	sor.u32 s19, s17;
	[tilespmem:s15+$0x9C80] =	vst v9;
	v9 =	vld.idx.msk [tilespmem:v8+s2+$0x0], $0xffff  }
0x140: {  	s26 =	sor.u32 s18, s17;
	v11 =	vadd.s32 $0x1F02, v1;
	v12 =	vld.idx.msk [tilespmem:v2+s2+$0x0], $0xffff;
	[tilespmem:s25+$0x0] =	vst v4  }
0x141: {  	v18 =	vadd.s32 $0x1F02, v3;
	[tilespmem:s26+$0x0] =	vst v5;
	v19 =	vld.idx.msk [tilespmem:v6+s2+$0x0], $0xffff  }
0x142: {  	p3 =	por $0x1, $0x1;
	s16 =	sor.u32 $0x20, s3;
	v22 =	vadd.s32 $0x2E83, v16;
	v20 =	vld.idx.msk [tilespmem:v10+s2+$0x0], $0xffff  }
.Ltmp4:
0x143: {  	s28 =	sor.u32 s16, s17;
	v21 =	vadd.s32 $0x4D85, v0;
	v13 =	vadd.s32 $0x4D85, v3;
	v15 =	vadd.s32 $0x4D85, v1;
	(pc) =	sbr.rel @!p3 .LBB2_7-.Ltmp4, $4  }
0x144: {  	s29 =	sadd.s32 $0xBD80, s20;
	s0 =	sor.u32 s3, s17;
	v14 =	vadd.s32 $0x6C87, v0;
	v7 =	vadd.s32 $0x2E83, v1;
	v8 =	vadd.s32 $0x2E83, v0;
	[tilespmem:s28+$0x0] =	vst v9  }
0x145: {  	s30 =	sor.u32 s19, s29;
	v2 =	vadd.s32 $0x3E04, v3;
	v5 =	vadd.s32 $0x3E04, v0;
	v4 =	vadd.s32 $0x3E04, v1;
	v17 =	vld.idx.msk [tilespmem:v11+s2+$0x0], $0xffff;
	[tilespmem:s0+$0x0] =	vst v12  }
0x146: {  	s31 =	sor.u32 s18, s29;
	v9 =	vadd.s32 $0x5D06, v1;
	v1 =	vadd.s32 $0x6C87, v1;
	v6 =	vadd.s32 $0x2E83, v3;
	v18 =	vld.idx.msk [tilespmem:v18+s2+$0x0], $0xffff;
	[tilespmem:s30+$0x0] =	vst v19  }
0x147: {  	p2 =	por !p1, !p1;
	s9 =	sor.u32 s16, s29;
	s15 =	sor.u32 s3, s29;
	v10 =	vadd.s32 $0x5D06, v0;
	v0 =	vadd.s32 $0x6C87, v3;
	v12 =	vadd.s32 $0x5D06, v3;
	[tilespmem:s31+$0x0] =	vst v20;
	v24 =	vld.idx.msk [tilespmem:v22+s2+$0x0], $0xffff  }
0x148: {  	_ =	sdelay $0x1  }
0x149: {  	v11 =	vadd.s32 $0x3E04, v16  }
0x14a: {  	s0 =	simm.s32 $0x1  }
0x14b: {  	v8 =	vld.idx.msk [tilespmem:v8+s2+$0x0], $0xffff;
	s5 =	sadd.s32 $0xCD80, s20;
	s0 =	simm.s32 @!p2 $0x0;
	[tilespmem:s9+$0x0] =	vst v17  }
0x14c: {  	s6 =	sor.u32 s19, s5;
	s0 =	sshll.u32 s0, $0x6;
	[tilespmem:s15+$0x0] =	vst v18;
	v7 =	vld.idx.msk [tilespmem:v7+s2+$0x0], $0xffff  }
0x14d: {  	s0 =	sadd.s32 $0x100, s0;
	v6 =	vld.idx.msk [tilespmem:v6+s2+$0x0], $0xffff;
	[tilespmem:s6+$0x0] =	vst v24  }
0x14e: {  	s1 =	sadd.s32 $0x30, s0;
	s8 =	sor.u32 $0x100, s0;
	v11 =	vld.idx.msk [tilespmem:v11+s2+$0x0], $0xffff  }
0x14f: {  	s7 =	sadd.s32 $0x10, s0;
	s1 =	sor.u32 $0x100, s1;
	v24 =	vld [tilespmem:s8+$0x7C80]  }
0x150: {  	s17 =	sadd.s32 $0x20, s0;
	s7 =	sor.u32 $0x100, s7;
	v3 =	vld [tilespmem:s1+$0x7C80]  }
0x151: {  	s25 =	sor.u32 s18, s5;
	v17 =	vadd.s32 $0x4D85, v16;
	s6 =	sor.u32 $0x100, s17;
	v22 =	vld [tilespmem:s7+$0x7C80]  }
0x152: {  	s26 =	sor.u32 s16, s5;
	[tilespmem:s25+$0x0] =	vst v8;
	v23 =	vld [tilespmem:s6+$0x7C80]  }
0x153: {  	s5 =	sor.u32 s3, s5;
	s9 =	sadd.s32 $0xDD80, s20;
	v5 =	vld.idx.msk [tilespmem:v5+s2+$0x0], $0xffff;
	[tilespmem:s26+$0x0] =	vst v7  }
0x154: {  	s10 =	sor.u32 s19, s9;
	[tilespmem:s5+$0x0] =	vst v6;
	v4 =	vld.idx.msk [tilespmem:v4+s2+$0x0], $0xffff  }
0x155: {  	v2 =	vld.idx.msk [tilespmem:v2+s2+$0x0], $0xffff;
	[tilespmem:s10+$0x0] =	vst v11  }
0x156: {  	v6 =	vld.idx.msk [tilespmem:v17+s2+$0x0], $0xffff  }
0x157: {  	v19 =	vld.idx.msk [tilespmem:v24+s2+$0x0], $0xffff  }
0x158: {  	s11 =	sor.u32 s18, s9;
	v7 =	vld.idx.msk [tilespmem:v3+s2+$0x0], $0xffff  }
0x159: {  	s12 =	sor.u32 s16, s9;
	v11 =	vadd.s32 $0x5D06, v16;
	[tilespmem:s11+$0x0] =	vst v5;
	v8 =	vld.idx.msk [tilespmem:v22+s2+$0x0], $0xffff  }
0x15a: {  	s13 =	sor.u32 s3, s9;
	s5 =	sadd.s32 $0xED80, s20;
	v20 =	vadd.s32 $0xF81, v24;
	v17 =	vld.idx.msk [tilespmem:v23+s2+$0x0], $0xffff;
	[tilespmem:s12+$0x0] =	vst v4  }
0x15b: {  	s14 =	sor.u32 s19, s5;
	v18 =	vadd.s32 $0xF81, v3;
	[tilespmem:s13+$0x0] =	vst v2;
	v2 =	vld.idx.msk [tilespmem:v21+s2+$0x0], $0xffff  }
0x15c: {  	v5 =	vadd.s32 $0xF81, v22;
	v15 =	vld.idx.msk [tilespmem:v15+s2+$0x0], $0xffff;
	[tilespmem:s14+$0x0] =	vst v6  }
0x15d: {  	v4 =	vadd.s32 $0xF81, v23;
	v13 =	vld.idx.msk [tilespmem:v13+s2+$0x0], $0xffff;
	[tilespmem:s8+$0x9C80] =	vst v19  }
0x15e: {  	v6 =	vld.idx.msk [tilespmem:v11+s2+$0x0], $0xffff;
	[tilespmem:s1+$0x9C80] =	vst v7  }
0x15f: {  	[tilespmem:s6+$0x9C80] =	vst v17;
	v17 =	vld.idx.msk [tilespmem:v20+s2+$0x0], $0xffff  }
0x160: {  	s0 =	simm.s32 $0x100;
	s15 =	sor.u32 s18, s5;
	[tilespmem:s7+$0x9C80] =	vst v8;
	v8 =	vadd.s32 $0x6C87, v16;
	v7 =	vld.idx.msk [tilespmem:v18+s2+$0x0], $0xffff  }
0x161: {  	s25 =	sand.u32 $0xE00, s0;
	s17 =	sor.u32 s16, s5;
	v11 =	vadd.s32 $0x1F02, v3;
	s7 =	simm.s32 $0x40;
	v5 =	vld.idx.msk [tilespmem:v5+s2+$0x0], $0xffff;
	[tilespmem:s15+$0x0] =	vst v2  }
0x162: {  	s10 =	sadd.s32 $0xFD80, s20;
	s5 =	sor.u32 s3, s5;
	v16 =	vadd.s32 $0x1F02, v22;
	v4 =	vld.idx.msk [tilespmem:v4+s2+$0x0], $0xffff;
	s1 =	sand.u32 $0x40, s7;
	[tilespmem:s17+$0x0] =	vst v15  }
0x163: {  	s26 =	sadd.s32 $0xAD80, s25;
	s11 =	sor.u32 s19, s10;
	s29 =	sor.u32 $0x30, s1;
	v10 =	vld.idx.msk [tilespmem:v10+s2+$0x0], $0xffff;
	[tilespmem:s5+$0x0] =	vst v13  }
0x164: {  	v2 =	vadd.s32 $0x1F02, v23;
	s30 =	sor.u32 $0x10, s1;
	v19 =	vld.idx.msk [tilespmem:v9+s2+$0x0], $0xffff;
	s12 =	sor.u32 s29, s26;
	[tilespmem:s11+$0x0] =	vst v6  }
0x165: {  	v15 =	vadd.s32 $0x1F02, v24;
	s13 =	sor.u32 s30, s26;
	v21 =	vld.idx.msk [tilespmem:v8+s2+$0x0], $0xffff;
	[tilespmem:s12+$0x0] =	vst v7  }
0x166: {  	s31 =	sor.u32 $0x20, s1;
	s6 =	sor.u32 s1, s26;
	[tilespmem:s13+$0x0] =	vst v5;
	v25 =	vld.idx.msk [tilespmem:v11+s2+$0x0], $0xffff  }
0x167: {  	p6 =	por $0x1, $0x1;
	p5 =	por !p2, !p2;
	v26 =	vadd.s32 $0x2E83, v3;
	s14 =	sor.u32 s31, s26;
	[tilespmem:s6+$0x0] =	vst v17;
	v16 =	vld.idx.msk [tilespmem:v16+s2+$0x0], $0xffff  }
.Ltmp5:
0x168: {  	s15 =	sor.u32 s18, s10;
	s17 =	sadd.s32 $0x10D80, s20;
	v13 =	vadd.s32 $0x4D85, v22;
	v9 =	vadd.s32 $0x5D06, v22;
	v6 =	vadd.s32 $0x2E83, v24;
	v20 =	vld.idx.msk [tilespmem:v12+s2+$0x0], $0xffff;
	[tilespmem:s14+$0x0] =	vst v4;
	(pc) =	sbr.rel @!p6 .LBB2_9-.Ltmp5, $4  }
0x169: {  	p4 =	por $0x1, $0x1;
	s11 =	sadd.s32 $0xBD80, s25;
	s26 =	sor.u32 s19, s17;
	v12 =	vadd.s32 $0x5D06, v24;
	v8 =	vadd.s32 $0x2E83, v22;
	v7 =	vadd.s32 $0x2E83, v23;
	v17 =	vld.idx.msk [tilespmem:v2+s2+$0x0], $0xffff;
	[tilespmem:s15+$0x0] =	vst v10  }
0x16a: {  	s8 =	sor.u32 s3, s10;
	s10 =	sor.u32 s16, s10;
	v18 =	vld.idx.msk [tilespmem:v15+s2+$0x0], $0xffff;
	v5 =	vadd.s32 $0x3E04, v22;
	v4 =	vadd.s32 $0x3E04, v23;
	s13 =	sor.u32 s29, s11;
	v15 =	vadd.s32 $0x4D85, v23;
	[tilespmem:s26+$0x0] =	vst v21  }
0x16b: {  	s28 =	sor.u32 s18, s17;
	s9 =	sor.u32 s31, s11;
	s12 =	sor.u32 s30, s11;
	v2 =	vadd.s32 $0x3E04, v24;
	v10 =	vadd.s32 $0x4D85, v24;
	v11 =	vadd.s32 $0x6C87, v22;
	v22 =	vld.idx.msk [tilespmem:v14+s2+$0x0], $0xffff;
	[tilespmem:s13+$0x0] =	vst v25  }
0x16c: {  	s6 =	sor.u32 s3, s17;
	s15 =	sor.u32 s1, s11;
	s11 =	sor.u32 s16, s17;
	v14 =	vadd.s32 $0x5D06, v23;
	v23 =	vadd.s32 $0x6C87, v23;
	v21 =	vadd.s32 $0x6C87, v24;
	[tilespmem:s12+$0x0] =	vst v16;
	v24 =	vld.idx.msk [tilespmem:v26+s2+$0x0], $0xffff  }
.LBB2_10:
0x16d: {  	s5 =	simm.s32 $0x1  }
0x16e: {  	v8 =	vld.idx.msk [tilespmem:v8+s2+$0x0], $0xffff;
	[tilespmem:s9+$0x0] =	vst v17;
	s9 =	smov.u32 s30;
	s12 =	smov.u32 s31;
	s5 =	simm.s32 @!p5 $0x0  }
0x16f: {  	v16 =	vadd.s32 $0x3E04, v3;
	s0 =	sadd.s32 $0x100, s0;
	s5 =	sshll.u32 s5, $0x6;
	[tilespmem:s15+$0x0] =	vst v18;
	v7 =	vld.idx.msk [tilespmem:v7+s2+$0x0], $0xffff  }
0x170: {  	s5 =	sadd.s32 s5, s0;
	v6 =	vld.idx.msk [tilespmem:v6+s2+$0x0], $0xffff;
	[tilespmem:s10+$0x0] =	vst v19  }
0x171: {  	s14 =	sadd.s32 $0xCD80, s25;
	s13 =	sadd.s32 $0x10, s5;
	s10 =	sadd.s32 $0x30, s5;
	[tilespmem:s8+$0x0] =	vst v20;
	v17 =	vld.idx.msk [tilespmem:v1+s2+$0x0], $0xffff;
	v1 =	vmov v23  }
0x172: {  	s17 =	sor.u32 s29, s14;
	s15 =	sadd.s32 $0x20, s5;
	s10 =	sor.u32 $0x100, s10;
	v18 =	vld.idx.msk [tilespmem:v0+s2+$0x0], $0xffff;
	[tilespmem:s28+$0x0] =	vst v22;
	v0 =	vmov v21  }
0x173: {  	s8 =	sor.u32 $0x100, s5;
	s13 =	sor.u32 $0x100, s13;
	s15 =	sor.u32 $0x100, s15;
	v19 =	vld [tilespmem:s10+$0x7C80];
	[tilespmem:s17+$0x0] =	vst v24  }
0x174: {  	s5 =	sor.u32 s1, s14;
	s17 =	sor.u32 s9, s14;
	s14 =	sor.u32 s12, s14;
	v16 =	vld.idx.msk [tilespmem:v16+s2+$0x0], $0xffff  }
0x175: {  	v20 =	vld [tilespmem:s13+$0x7C80];
	[tilespmem:s17+$0x0] =	vst v8  }
0x176: {  	v21 =	vadd.s32 $0x4D85, v3;
	v22 =	vld [tilespmem:s15+$0x7C80];
	[tilespmem:s14+$0x0] =	vst v7  }
0x177: {  	v23 =	vld [tilespmem:s8+$0x7C80];
	[tilespmem:s5+$0x0] =	vst v6  }
0x178: {  	s5 =	sadd.s32 $0xDD80, s25;
	v24 =	vld.idx.msk [tilespmem:v5+s2+$0x0], $0xffff;
	[tilespmem:s11+$0x0] =	vst v17  }
0x179: {  	s11 =	sor.u32 s9, s5;
	s14 =	sor.u32 s12, s5;
	s17 =	sor.u32 s29, s5;
	v17 =	vld.idx.msk [tilespmem:v4+s2+$0x0], $0xffff;
	[tilespmem:s6+$0x0] =	vst v18  }
0x17a: {  	s5 =	sor.u32 s1, s5;
	v18 =	vadd.s32 $0xF81, v20;
	v25 =	vadd.s32 $0x1F02, v20;
	v8 =	vadd.s32 $0x2E83, v20;
	v26 =	vld.idx.msk [tilespmem:v2+s2+$0x0], $0xffff;
	[tilespmem:s17+$0x0] =	vst v16  }
0x17b: {  	v16 =	vadd.s32 $0xF81, v22;
	v27 =	vadd.s32 $0x1F02, v22;
	v7 =	vadd.s32 $0x2E83, v22;
	v28 =	vld.idx.msk [tilespmem:v21+s2+$0x0], $0xffff  }
0x17c: {  	v29 =	vadd.s32 $0xF81, v23;
	v30 =	vadd.s32 $0x1F02, v23;
	v6 =	vadd.s32 $0x2E83, v23;
	v31 =	vld.idx.msk [tilespmem:v19+s2+$0x0], $0xffff  }
0x17d: {  	v33 =	vadd.s32 $0x5D06, v3;
	v5 =	vadd.s32 $0x3E04, v20;
	v4 =	vadd.s32 $0x3E04, v22;
	v32 =	vld.idx.msk [tilespmem:v20+s2+$0x0], $0xffff  }
0x17e: {  	v35 =	vadd.s32 $0xF81, v19;
	v21 =	vadd.s32 $0x4D85, v20;
	v2 =	vadd.s32 $0x3E04, v23;
	v34 =	vld.idx.msk [tilespmem:v22+s2+$0x0], $0xffff;
	[tilespmem:s11+$0x0] =	vst v24  }
0x17f: {  	s6 =	sadd.s32 $0xED80, s25;
	v37 =	vadd.s32 $0x5D06, v20;
	v38 =	vadd.s32 $0x4D85, v22;
	v36 =	vadd.s32 $0x4D85, v23;
	v24 =	vld.idx.msk [tilespmem:v23+s2+$0x0], $0xffff;
	[tilespmem:s14+$0x0] =	vst v17  }
0x180: {  	v40 =	vadd.s32 $0x6C87, v20;
	v39 =	vadd.s32 $0x5D06, v23;
	v20 =	vadd.s32 $0x5D06, v22;
	s11 =	sor.u32 s12, s6;
	s14 =	sor.u32 s29, s6;
	[tilespmem:s5+$0x0] =	vst v26;
	v17 =	vld.idx.msk [tilespmem:v13+s2+$0x0], $0xffff;
	s5 =	sor.u32 s9, s6;
	v13 =	vmovc v21  }
0x181: {  	v21 =	vadd.s32 $0x6C87, v23;
	v23 =	vadd.s32 $0x6C87, v22;
	s6 =	sor.u32 s1, s6;
	v22 =	vld.idx.msk [tilespmem:v15+s2+$0x0], $0xffff;
	[tilespmem:s14+$0x0] =	vst v28;
	v15 =	vmov v38  }
0x182: {  	[tilespmem:s10+$0x9C80] =	vst v31;
	v26 =	vld.idx.msk [tilespmem:v33+s2+$0x0], $0xffff  }
0x183: {  	[tilespmem:s13+$0x9C80] =	vst v32;
	v28 =	vld.idx.msk [tilespmem:v35+s2+$0x0], $0xffff  }
0x184: {  	v31 =	vadd.s32 $0x6C87, v3;
	v3 =	vmov v19;
	v18 =	vld.idx.msk [tilespmem:v18+s2+$0x0], $0xffff;
	[tilespmem:s15+$0x9C80] =	vst v34  }
0x185: {  	s7 =	sadd.s32 $0x40, s7;
	v19 =	vadd.s32 $0x1F02, v3;
	[tilespmem:s8+$0x9C80] =	vst v24;
	v16 =	vld.idx.msk [tilespmem:v16+s2+$0x0], $0xffff  }
0x186: {  	s14 =	sand.u32 $0xE00, s0;
	s10 =	sadd.s32 $0xFD80, s25;
	s13 =	sand.u32 $0x40, s7;
	v24 =	vld.idx.msk [tilespmem:v29+s2+$0x0], $0xffff;
	[tilespmem:s5+$0x0] =	vst v17  }
0x187: {  	s17 =	sor.u32 $0x30, s13;
	s8 =	sor.u32 s29, s10;
	s5 =	sadd.s32 $0xAD80, s14;
	v29 =	vld.idx.msk [tilespmem:v10+s2+$0x0], $0xffff;
	[tilespmem:s11+$0x0] =	vst v22;
	v10 =	vmov v36  }
0x188: {  	s30 =	sor.u32 $0x10, s13;
	s31 =	sor.u32 $0x20, s13;
	s11 =	sor.u32 s17, s5;
	v22 =	vld.idx.msk [tilespmem:v9+s2+$0x0], $0xffff;
	[tilespmem:s8+$0x0] =	vst v26;
	v9 =	vmov v37  }
0x189: {  	s15 =	sor.u32 s13, s5;
	s8 =	sor.u32 s30, s5;
	s5 =	sor.u32 s31, s5;
	[tilespmem:s11+$0x0] =	vst v28;
	v26 =	vld.idx.msk [tilespmem:v31+s2+$0x0], $0xffff  }
0x18a: {  	s11 =	sor.u32 s9, s10;
	[tilespmem:s8+$0x0] =	vst v18;
	v28 =	vld.idx.msk [tilespmem:v19+s2+$0x0], $0xffff;
	s8 =	sor.u32 s1, s10;
	s10 =	sor.u32 s12, s10  }
0x18b: {  	p6 =	slt.u32 s7, $0x3C0;
	v25 =	vld.idx.msk [tilespmem:v25+s2+$0x0], $0xffff;
	[tilespmem:s5+$0x0] =	vst v16  }
0x18c: {  	v16 =	vadd.s32 $0x2E83, v3;
	[tilespmem:s15+$0x0] =	vst v24;
	v17 =	vld.idx.msk [tilespmem:v27+s2+$0x0], $0xffff  }
.Ltmp6:
0x18d: {  	s5 =	sadd.s32 $0x10D80, s25;
	s25 =	smov.u32 s14;
	v18 =	vld.idx.msk [tilespmem:v30+s2+$0x0], $0xffff;
	[tilespmem:s6+$0x0] =	vst v29;
	(pc) =	sbr.rel @p6 .LBB2_10-.Ltmp6, $4  }
0x18e: {  	s28 =	sor.u32 s9, s5;
	s6 =	sadd.s32 $0xBD80, s25;
	[tilespmem:s11+$0x0] =	vst v22;
	v19 =	vld.idx.msk [tilespmem:v14+s2+$0x0], $0xffff;
	s11 =	sor.u32 s29, s5;
	v14 =	vmov v20  }
0x18f: {  	s14 =	sor.u32 s30, s6;
	s9 =	sor.u32 s31, s6;
	s26 =	sor.u32 s17, s6;
	v20 =	vld.idx.msk [tilespmem:v12+s2+$0x0], $0xffff;
	[tilespmem:s11+$0x0] =	vst v26;
	v12 =	vmov v39  }
0x190: {  	s15 =	sor.u32 s13, s6;
	s6 =	sor.u32 s1, s5;
	s11 =	sor.u32 s12, s5;
	[tilespmem:s26+$0x0] =	vst v28;
	v22 =	vld.idx.msk [tilespmem:v11+s2+$0x0], $0xffff;
	v11 =	vmov v40  }
0x191: {  	p5 =	por !p5, !p5;
	s1 =	smov.u32 s13;
	s29 =	smov.u32 s17;
	[tilespmem:s14+$0x0] =	vst v25;
	v24 =	vld.idx.msk [tilespmem:v16+s2+$0x0], $0xffff  }
0x192: {  	v25 =	vmovc v1;
	v26 =	vmovc v0;
	v16 =	vmov v3;
	v1 =	vmov v23;
	v0 =	vmov v21  }
0x193: {  	v21 =	vmovc v13;
	v13 =	vmovc v10;
	v10 =	vmov v9;
	v9 =	vmov v14;
	v14 =	vmov v11  }
.LBB2_12:
0x194: {  	_ =	sdelay $0x3  }
0x195: {  	v3 =	vld.idx.msk [tilespmem:v8+s2+$0x0], $0xffff;
	[tilespmem:s9+$0x0] =	vst v17;
	v8 =	vadd.s32 $0x3E04, v16  }
0x196: {  	[tilespmem:s15+$0x0] =	vst v18;
	v7 =	vld.idx.msk [tilespmem:v7+s2+$0x0], $0xffff  }
0x197: {  	s0 =	sadd.s32 $0xCD80, s25;
	v6 =	vld.idx.msk [tilespmem:v6+s2+$0x0], $0xffff  }
0x198: {  	s5 =	sor.u32 s29, s0  }
0x199: {  	s26 =	sor.u32 s30, s0;
	[tilespmem:s5+$0x0] =	vst v24  }
0x19a: {  	s7 =	sor.u32 s31, s0;
	[tilespmem:s26+$0x0] =	vst v3;
	v3 =	vld.idx.msk [tilespmem:v8+s2+$0x0], $0xffff  }
0x19b: {  	s0 =	sor.u32 s1, s0;
	[tilespmem:s7+$0x0] =	vst v7;
	v7 =	vadd.s32 $0x4D85, v16;
	v5 =	vld.idx.msk [tilespmem:v5+s2+$0x0], $0xffff  }
0x19c: {  	[tilespmem:s0+$0x0] =	vst v6;
	v4 =	vld.idx.msk [tilespmem:v4+s2+$0x0], $0xffff  }
0x19d: {  	s9 =	sadd.s32 $0xDD80, s25;
	v2 =	vld.idx.msk [tilespmem:v2+s2+$0x0], $0xffff  }
0x19e: {  	s12 =	sor.u32 s29, s9  }
0x19f: {  	s13 =	sor.u32 s30, s9;
	[tilespmem:s12+$0x0] =	vst v3  }
0x1a0: {  	s14 =	sor.u32 s31, s9;
	[tilespmem:s13+$0x0] =	vst v5;
	v3 =	vld.idx.msk [tilespmem:v7+s2+$0x0], $0xffff  }
0x1a1: {  	s0 =	sor.u32 s1, s9;
	v5 =	vadd.s32 $0x5D06, v16;
	[tilespmem:s14+$0x0] =	vst v4;
	v4 =	vld.idx.msk [tilespmem:v21+s2+$0x0], $0xffff  }
0x1a2: {  	[tilespmem:s0+$0x0] =	vst v2;
	v2 =	vld.idx.msk [tilespmem:v15+s2+$0x0], $0xffff  }
0x1a3: {  	s15 =	sadd.s32 $0xED80, s25;
	v6 =	vld.idx.msk [tilespmem:v13+s2+$0x0], $0xffff  }
0x1a4: {  	[tilespmem:s10+$0x0] =	vst @p4 v19;
	s17 =	sor.u32 s29, s15  }
0x1a5: {  	s7 =	sor.u32 s30, s15;
	[tilespmem:s17+$0x0] =	vst v3  }
0x1a6: {  	s26 =	sor.u32 s31, s15;
	v3 =	vld.idx.msk [tilespmem:v5+s2+$0x0], $0xffff;
	[tilespmem:s7+$0x0] =	vst v4  }
0x1a7: {  	s0 =	sor.u32 s1, s15;
	v4 =	vadd.s32 $0x6C87, v16;
	[tilespmem:s26+$0x0] =	vst v2;
	v2 =	vld.idx.msk [tilespmem:v10+s2+$0x0], $0xffff  }
0x1a8: {  	[tilespmem:s0+$0x0] =	vst v6;
	v5 =	vld.idx.msk [tilespmem:v9+s2+$0x0], $0xffff  }
0x1a9: {  	[tilespmem:s8+$0x0] =	vst @p4 v20;
	s7 =	sadd.s32 $0xFD80, s25;
	v6 =	vld.idx.msk [tilespmem:v12+s2+$0x0], $0xffff  }
0x1aa: {  	[tilespmem:s28+$0x0] =	vst @p4 v22;
	v7 =	vld.idx.msk @p4 [tilespmem:v25+s2+$0x0], $0xffff;
	s8 =	sor.u32 s29, s7  }
0x1ab: {  	v8 =	vld.idx.msk @p4 [tilespmem:v26+s2+$0x0], $0xffff;
	s9 =	sor.u32 s30, s7;
	[tilespmem:s8+$0x0] =	vst v3  }
0x1ac: {  	s10 =	sor.u32 s31, s7;
	v3 =	vld.idx.msk [tilespmem:v4+s2+$0x0], $0xffff;
	[tilespmem:s9+$0x0] =	vst v2  }
0x1ad: {  	s0 =	sor.u32 s1, s7;
	v2 =	vld.idx.msk [tilespmem:v14+s2+$0x0], $0xffff;
	[tilespmem:s10+$0x0] =	vst v5  }
0x1ae: {  	[tilespmem:s0+$0x0] =	vst v6;
	v1 =	vld.idx.msk [tilespmem:v1+s2+$0x0], $0xffff  }
0x1af: {  	[tilespmem:s11+$0x0] =	vst @p4 v7;
	s11 =	sadd.s32 $0x10D80, s25;
	v0 =	vld.idx.msk [tilespmem:v0+s2+$0x0], $0xffff  }
0x1b0: {  	[tilespmem:s6+$0x0] =	vst @p4 v8;
	s12 =	sor.u32 s29, s11  }
0x1b1: {  	s13 =	sor.u32 s30, s11;
	[tilespmem:s12+$0x0] =	vst v3  }
0x1b2: {  	s14 =	sor.u32 s31, s11;
	[tilespmem:s13+$0x0] =	vst v2  }
0x1b3: {  	s0 =	sor.u32 s1, s11;
	[tilespmem:s14+$0x0] =	vst v1  }
0x1b4: {  	s15 =	sor.u32 $0x180, s22;
	[tilespmem:s0+$0x0] =	vst v0  }
0x1b5: {  	s17 =	sor.u32 $0x180, s23;
	v16 =	vld [tilespmem:s15+$0x7C80]  }
0x1b6: {  	v0 =	vld [tilespmem:s17+$0x7C80];
	_ =	sdelay $0x1  }
0x1b7: {  	s22 =	sor.u32 $0x180, s24  }
0x1b8: {  	s23 =	sor.u32 $0x180, s21;
	v1 =	vld [tilespmem:s22+$0x7C80]  }
0x1b9: {  	v3 =	vld [tilespmem:s23+$0x7C80];
	_ =	sdelay $0x2  }
0x1ba: {  	v2 =	vld.idx.msk [tilespmem:v16+s4+$0x0], $0xffff  }
0x1bb: {  	v5 =	vadd.s32 $0xF81, v16;
	v4 =	vld.idx.msk [tilespmem:v0+s4+$0x0], $0xffff  }
0x1bc: {  	v6 =	vadd.s32 $0xF81, v0;
	_ =	sdelay $0x1  }
0x1bd: {  	v7 =	vld.idx.msk [tilespmem:v1+s4+$0x0], $0xffff  }
0x1be: {  	v8 =	vadd.s32 $0xF81, v1;
	v9 =	vld.idx.msk [tilespmem:v3+s4+$0x0], $0xffff;
	[tilespmem:s15+$0x9C80] =	vst v2  }
0x1bf: {  	v2 =	vadd.s32 $0xF81, v3;
	[tilespmem:s17+$0x9C80] =	vst v4;
	v4 =	vld.idx.msk [tilespmem:v5+s4+$0x0], $0xffff  }
0x1c0: {  	v5 =	vld.idx.msk [tilespmem:v6+s4+$0x0], $0xffff;
	v6 =	vadd.s32 $0x1F02, v16  }
0x1c1: {  	v10 =	vadd.s32 $0x1F02, v0  }
0x1c2: {  	s24 =	sadd.s32 $0xAE00, s20;
	[tilespmem:s22+$0x9C80] =	vst v7  }
0x1c3: {  	s25 =	sor.u32 s19, s24;
	[tilespmem:s23+$0x9C80] =	vst v9;
	v9 =	vld.idx.msk [tilespmem:v8+s4+$0x0], $0xffff  }
0x1c4: {  	s26 =	sor.u32 s18, s24;
	v11 =	vadd.s32 $0x1F02, v1;
	v12 =	vld.idx.msk [tilespmem:v2+s4+$0x0], $0xffff;
	[tilespmem:s25+$0x0] =	vst v4  }
0x1c5: {  	v18 =	vadd.s32 $0x1F02, v3;
	[tilespmem:s26+$0x0] =	vst v5;
	v20 =	vld.idx.msk [tilespmem:v6+s4+$0x0], $0xffff  }
0x1c6: {  	v23 =	vadd.s32 $0x2E83, v16;
	v22 =	vld.idx.msk [tilespmem:v10+s4+$0x0], $0xffff  }
.Ltmp7:
0x1c7: {  	s28 =	sor.u32 s16, s24;
	v19 =	vadd.s32 $0x4D85, v0;
	v13 =	vadd.s32 $0x4D85, v3;
	v14 =	vadd.s32 $0x4D85, v1;
	(pc) =	sbr.rel @!p3 .LBB2_13-.Ltmp7, $4  }
0x1c8: {  	s29 =	sadd.s32 $0xBE00, s20;
	s0 =	sor.u32 s3, s24;
	v15 =	vadd.s32 $0x6C87, v0;
	v7 =	vadd.s32 $0x2E83, v1;
	v8 =	vadd.s32 $0x2E83, v0;
	[tilespmem:s28+$0x0] =	vst v9  }
0x1c9: {  	s30 =	sor.u32 s19, s29;
	v2 =	vadd.s32 $0x3E04, v3;
	v5 =	vadd.s32 $0x3E04, v0;
	v4 =	vadd.s32 $0x3E04, v1;
	v17 =	vld.idx.msk [tilespmem:v11+s4+$0x0], $0xffff;
	[tilespmem:s0+$0x0] =	vst v12  }
0x1ca: {  	s31 =	sor.u32 s18, s29;
	v9 =	vadd.s32 $0x5D06, v1;
	v1 =	vadd.s32 $0x6C87, v1;
	v6 =	vadd.s32 $0x2E83, v3;
	v21 =	vld.idx.msk [tilespmem:v18+s4+$0x0], $0xffff;
	[tilespmem:s30+$0x0] =	vst v20  }
0x1cb: {  	s9 =	sor.u32 s16, s29;
	s15 =	sor.u32 s3, s29;
	v10 =	vadd.s32 $0x5D06, v0;
	v0 =	vadd.s32 $0x6C87, v3;
	v12 =	vadd.s32 $0x5D06, v3;
	[tilespmem:s31+$0x0] =	vst v22;
	v24 =	vld.idx.msk [tilespmem:v23+s4+$0x0], $0xffff  }
0x1cc: {  	_ =	sdelay $0x1  }
0x1cd: {  	s0 =	simm.s32 $0x1;
	v11 =	vadd.s32 $0x3E04, v16  }
0x1ce: {  	s0 =	simm.s32 @!p2 $0x0  }
0x1cf: {  	v8 =	vld.idx.msk [tilespmem:v8+s4+$0x0], $0xffff;
	s2 =	sadd.s32 $0xCE00, s20;
	s0 =	sshll.u32 s0, $0x6;
	[tilespmem:s9+$0x0] =	vst v17  }
0x1d0: {  	s5 =	sor.u32 s19, s2;
	s0 =	sadd.s32 $0x100, s0;
	[tilespmem:s15+$0x0] =	vst v21;
	v7 =	vld.idx.msk [tilespmem:v7+s4+$0x0], $0xffff  }
0x1d1: {  	s1 =	sadd.s32 $0x30, s0;
	v6 =	vld.idx.msk [tilespmem:v6+s4+$0x0], $0xffff;
	[tilespmem:s5+$0x0] =	vst v24  }
0x1d2: {  	s6 =	sadd.s32 $0x10, s0;
	s9 =	sadd.s32 $0x20, s0;
	s0 =	sor.u32 $0x180, s0;
	v11 =	vld.idx.msk [tilespmem:v11+s4+$0x0], $0xffff  }
0x1d3: {  	s1 =	sor.u32 $0x180, s1;
	v24 =	vld [tilespmem:s0+$0x7C80]  }
0x1d4: {  	s6 =	sor.u32 $0x180, s6;
	v3 =	vld [tilespmem:s1+$0x7C80]  }
0x1d5: {  	s7 =	sor.u32 s18, s2;
	v17 =	vadd.s32 $0x4D85, v16;
	s5 =	sor.u32 $0x180, s9;
	v22 =	vld [tilespmem:s6+$0x7C80]  }
0x1d6: {  	s8 =	sor.u32 s16, s2;
	[tilespmem:s7+$0x0] =	vst v8;
	v23 =	vld [tilespmem:s5+$0x7C80]  }
0x1d7: {  	s10 =	sadd.s32 $0xDE00, s20;
	s2 =	sor.u32 s3, s2;
	v5 =	vld.idx.msk [tilespmem:v5+s4+$0x0], $0xffff;
	[tilespmem:s8+$0x0] =	vst v7  }
0x1d8: {  	s11 =	sor.u32 s19, s10;
	[tilespmem:s2+$0x0] =	vst v6;
	v4 =	vld.idx.msk [tilespmem:v4+s4+$0x0], $0xffff  }
0x1d9: {  	v2 =	vld.idx.msk [tilespmem:v2+s4+$0x0], $0xffff;
	[tilespmem:s11+$0x0] =	vst v11  }
0x1da: {  	v6 =	vld.idx.msk [tilespmem:v17+s4+$0x0], $0xffff  }
0x1db: {  	s12 =	sor.u32 s18, s10;
	v20 =	vld.idx.msk [tilespmem:v24+s4+$0x0], $0xffff  }
0x1dc: {  	s13 =	sor.u32 s16, s10;
	[tilespmem:s12+$0x0] =	vst v5;
	v7 =	vld.idx.msk [tilespmem:v3+s4+$0x0], $0xffff  }
0x1dd: {  	s14 =	sor.u32 s3, s10;
	s15 =	sadd.s32 $0xEE00, s20;
	v11 =	vadd.s32 $0x5D06, v16;
	v8 =	vld.idx.msk [tilespmem:v22+s4+$0x0], $0xffff;
	[tilespmem:s13+$0x0] =	vst v4  }
0x1de: {  	s17 =	sor.u32 s19, s15;
	v18 =	vadd.s32 $0xF81, v3;
	v17 =	vld.idx.msk [tilespmem:v23+s4+$0x0], $0xffff;
	[tilespmem:s14+$0x0] =	vst v2  }
0x1df: {  	v5 =	vadd.s32 $0xF81, v22;
	v2 =	vld.idx.msk [tilespmem:v19+s4+$0x0], $0xffff;
	[tilespmem:s17+$0x0] =	vst v6  }
0x1e0: {  	v4 =	vadd.s32 $0xF81, v23;
	v14 =	vld.idx.msk [tilespmem:v14+s4+$0x0], $0xffff;
	[tilespmem:s0+$0x9C80] =	vst v20  }
0x1e1: {  	v19 =	vadd.s32 $0xF81, v24;
	v13 =	vld.idx.msk [tilespmem:v13+s4+$0x0], $0xffff;
	[tilespmem:s1+$0x9C80] =	vst v7  }
0x1e2: {  	v6 =	vld.idx.msk [tilespmem:v11+s4+$0x0], $0xffff;
	[tilespmem:s6+$0x9C80] =	vst v8  }
0x1e3: {  	s23 =	sadd.s32 $0xFE00, s20;
	s21 =	sor.u32 s18, s15;
	[tilespmem:s5+$0x9C80] =	vst v17;
	v8 =	vadd.s32 $0x6C87, v16;
	v7 =	vld.idx.msk [tilespmem:v18+s4+$0x0], $0xffff  }
0x1e4: {  	s22 =	sor.u32 s16, s15;
	s7 =	simm.s32 $0x40;
	v11 =	vadd.s32 $0x1F02, v3;
	s1 =	simm.s32 $0x100;
	v5 =	vld.idx.msk [tilespmem:v5+s4+$0x0], $0xffff;
	[tilespmem:s21+$0x0] =	vst v2  }
0x1e5: {  	s9 =	sor.u32 s3, s15;
	s0 =	sand.u32 $0x40, s7;
	v16 =	vadd.s32 $0x1F02, v22;
	v4 =	vld.idx.msk [tilespmem:v4+s4+$0x0], $0xffff;
	s2 =	sand.u32 $0xE00, s1;
	[tilespmem:s22+$0x0] =	vst v14  }
0x1e6: {  	s25 =	sor.u32 s19, s23;
	v17 =	vld.idx.msk [tilespmem:v19+s4+$0x0], $0xffff;
	s21 =	sor.u32 $0x30, s0;
	s24 =	sadd.s32 $0xAE00, s2;
	[tilespmem:s9+$0x0] =	vst v13  }
0x1e7: {  	s11 =	sor.u32 $0x10, s0;
	v10 =	vld.idx.msk [tilespmem:v10+s4+$0x0], $0xffff;
	s10 =	sor.u32 s21, s24;
	[tilespmem:s25+$0x0] =	vst v6  }
0x1e8: {  	s17 =	sor.u32 $0x20, s0;
	s26 =	sor.u32 s11, s24;
	v19 =	vld.idx.msk [tilespmem:v8+s4+$0x0], $0xffff;
	[tilespmem:s10+$0x0] =	vst v7  }
0x1e9: {  	v2 =	vadd.s32 $0x1F02, v23;
	s28 =	sor.u32 s17, s24;
	[tilespmem:s26+$0x0] =	vst v5;
	v25 =	vld.idx.msk [tilespmem:v11+s4+$0x0], $0xffff  }
0x1ea: {  	v14 =	vadd.s32 $0x1F02, v24;
	s5 =	sor.u32 s0, s24;
	[tilespmem:s28+$0x0] =	vst v4;
	v16 =	vld.idx.msk [tilespmem:v16+s4+$0x0], $0xffff  }
0x1eb: {  	p3 =	por $0x1, $0x1;
	s29 =	sor.u32 s18, s23;
	s12 =	sadd.s32 $0x10E00, s20;
	[tilespmem:s5+$0x0] =	vst v17  }
0x1ec: {  	p1 =	por $0x1, $0x1;
	v26 =	vadd.s32 $0x2E83, v3;
	s31 =	sor.u32 s19, s12;
	s30 =	sadd.s32 $0xBE00, s2;
	v20 =	vld.idx.msk [tilespmem:v9+s4+$0x0], $0xffff;
	[tilespmem:s29+$0x0] =	vst v10  }
.Ltmp8:
0x1ed: {  	p2 =	por !p2, !p2;
	v13 =	vadd.s32 $0x4D85, v22;
	v9 =	vadd.s32 $0x5D06, v22;
	v6 =	vadd.s32 $0x2E83, v24;
	s14 =	sor.u32 s21, s30;
	v18 =	vld.idx.msk [tilespmem:v12+s4+$0x0], $0xffff;
	[tilespmem:s31+$0x0] =	vst v19;
	(pc) =	sbr.rel @!p3 .LBB2_15-.Ltmp8, $4  }
0x1ee: {  	s8 =	sor.u32 s3, s12;
	s6 =	sor.u32 s16, s23;
	s13 =	sor.u32 s11, s30;
	v12 =	vadd.s32 $0x5D06, v24;
	v8 =	vadd.s32 $0x2E83, v22;
	v7 =	vadd.s32 $0x2E83, v23;
	v17 =	vld.idx.msk [tilespmem:v2+s4+$0x0], $0xffff;
	[tilespmem:s14+$0x0] =	vst v25  }
0x1ef: {  	s22 =	sor.u32 s3, s23;
	s23 =	simm.s32 $0x200;
	s9 =	sor.u32 s17, s30;
	v5 =	vadd.s32 $0x3E04, v22;
	v4 =	vadd.s32 $0x3E04, v23;
	v21 =	vld.idx.msk [tilespmem:v14+s4+$0x0], $0xffff;
	v2 =	vadd.s32 $0x3E04, v24;
	[tilespmem:s13+$0x0] =	vst v16  }
0x1f0: {  	s15 =	sor.u32 s0, s30;
	s24 =	simm.s32 $0x400;
	v10 =	vadd.s32 $0x4D85, v24;
	v14 =	vadd.s32 $0x4D85, v23;
	v11 =	vadd.s32 $0x6C87, v22;
	v22 =	vld.idx.msk [tilespmem:v15+s4+$0x0], $0xffff;
	s25 =	rddreg [dreg:$0xc]  }
0x1f1: {  	s10 =	sor.u32 s18, s12;
	s12 =	sor.u32 s16, s12;
	v15 =	vadd.s32 $0x5D06, v23;
	v23 =	vadd.s32 $0x6C87, v23;
	v19 =	vadd.s32 $0x6C87, v24;
	v24 =	vld.idx.msk [tilespmem:v26+s4+$0x0], $0xffff;
	s26 =	rddreg [dreg:$0xe]  }
.LBB2_16:
0x1f2: {  	s5 =	simm.s32 $0x1  }
0x1f3: {  	v8 =	vld.idx.msk [tilespmem:v8+s4+$0x0], $0xffff;
	[tilespmem:s9+$0x0] =	vst v17;
	s9 =	smov.u32 s11;
	s3 =	smov.u32 s17;
	s5 =	simm.s32 @!p2 $0x0  }
0x1f4: {  	v16 =	vadd.s32 $0x3E04, v3;
	s1 =	sadd.s32 $0x100, s1;
	s5 =	sshll.u32 s5, $0x6;
	[tilespmem:s15+$0x0] =	vst v21;
	v7 =	vld.idx.msk [tilespmem:v7+s4+$0x0], $0xffff  }
0x1f5: {  	s5 =	sadd.s32 s5, s1;
	v6 =	vld.idx.msk [tilespmem:v6+s4+$0x0], $0xffff;
	[tilespmem:s6+$0x0] =	vst v20  }
0x1f6: {  	s14 =	sadd.s32 $0xCE00, s2;
	s13 =	sadd.s32 $0x10, s5;
	s6 =	sadd.s32 $0x30, s5;
	[tilespmem:s22+$0x0] =	vst v18;
	v17 =	vld.idx.msk [tilespmem:v1+s4+$0x0], $0xffff;
	v1 =	vmov v23  }
0x1f7: {  	s16 =	sor.u32 s21, s14;
	s15 =	sadd.s32 $0x20, s5;
	s11 =	sor.u32 $0x180, s6;
	v18 =	vld.idx.msk [tilespmem:v0+s4+$0x0], $0xffff;
	[tilespmem:s10+$0x0] =	vst v22;
	v0 =	vmov v19  }
0x1f8: {  	s6 =	sor.u32 $0x180, s5;
	s13 =	sor.u32 $0x180, s13;
	s10 =	sor.u32 $0x180, s15;
	v20 =	vld [tilespmem:s11+$0x7C80];
	[tilespmem:s16+$0x0] =	vst v24  }
0x1f9: {  	s5 =	sor.u32 s0, s14;
	s15 =	sor.u32 s9, s14;
	s14 =	sor.u32 s3, s14;
	v16 =	vld.idx.msk [tilespmem:v16+s4+$0x0], $0xffff  }
0x1fa: {  	v19 =	vld [tilespmem:s13+$0x7C80];
	[tilespmem:s15+$0x0] =	vst v8  }
0x1fb: {  	v22 =	vadd.s32 $0x4D85, v3;
	v21 =	vld [tilespmem:s10+$0x7C80];
	[tilespmem:s14+$0x0] =	vst v7  }
0x1fc: {  	v23 =	vld [tilespmem:s6+$0x7C80];
	[tilespmem:s5+$0x0] =	vst v6  }
0x1fd: {  	s5 =	sadd.s32 $0xDE00, s2;
	v24 =	vld.idx.msk [tilespmem:v5+s4+$0x0], $0xffff;
	[tilespmem:s12+$0x0] =	vst v17  }
0x1fe: {  	s12 =	sor.u32 s9, s5;
	s14 =	sor.u32 s3, s5;
	s15 =	sor.u32 s21, s5;
	v17 =	vld.idx.msk [tilespmem:v4+s4+$0x0], $0xffff;
	[tilespmem:s8+$0x0] =	vst v18  }
0x1ff: {  	s5 =	sor.u32 s0, s5;
	v18 =	vadd.s32 $0xF81, v19;
	v25 =	vadd.s32 $0x1F02, v19;
	v8 =	vadd.s32 $0x2E83, v19;
	v26 =	vld.idx.msk [tilespmem:v2+s4+$0x0], $0xffff;
	[tilespmem:s15+$0x0] =	vst v16  }
0x200: {  	v16 =	vadd.s32 $0xF81, v21;
	v27 =	vadd.s32 $0x1F02, v21;
	v7 =	vadd.s32 $0x2E83, v21;
	v22 =	vld.idx.msk [tilespmem:v22+s4+$0x0], $0xffff  }
0x201: {  	v28 =	vadd.s32 $0xF81, v23;
	v29 =	vadd.s32 $0x1F02, v23;
	v6 =	vadd.s32 $0x2E83, v23;
	v30 =	vld.idx.msk [tilespmem:v20+s4+$0x0], $0xffff  }
0x202: {  	v32 =	vadd.s32 $0x5D06, v3;
	v5 =	vadd.s32 $0x3E04, v19;
	v4 =	vadd.s32 $0x3E04, v21;
	v31 =	vld.idx.msk [tilespmem:v19+s4+$0x0], $0xffff  }
0x203: {  	v35 =	vadd.s32 $0xF81, v20;
	v33 =	vadd.s32 $0x4D85, v19;
	v2 =	vadd.s32 $0x3E04, v23;
	v34 =	vld.idx.msk [tilespmem:v21+s4+$0x0], $0xffff;
	[tilespmem:s12+$0x0] =	vst v24  }
0x204: {  	s8 =	sadd.s32 $0xEE00, s2;
	v37 =	vadd.s32 $0x5D06, v19;
	v38 =	vadd.s32 $0x4D85, v21;
	v36 =	vadd.s32 $0x4D85, v23;
	v24 =	vld.idx.msk [tilespmem:v23+s4+$0x0], $0xffff;
	[tilespmem:s14+$0x0] =	vst v17  }
0x205: {  	v40 =	vadd.s32 $0x6C87, v19;
	v41 =	vadd.s32 $0x5D06, v21;
	v39 =	vadd.s32 $0x5D06, v23;
	s12 =	sor.u32 s3, s8;
	s14 =	sor.u32 s21, s8;
	[tilespmem:s5+$0x0] =	vst v26;
	v17 =	vld.idx.msk [tilespmem:v13+s4+$0x0], $0xffff;
	s5 =	sor.u32 s9, s8;
	v13 =	vmovc v33  }
0x206: {  	v19 =	vadd.s32 $0x6C87, v23;
	v23 =	vadd.s32 $0x6C87, v21;
	s8 =	sor.u32 s0, s8;
	v21 =	vld.idx.msk [tilespmem:v14+s4+$0x0], $0xffff;
	[tilespmem:s14+$0x0] =	vst v22;
	v14 =	vmov v38  }
0x207: {  	[tilespmem:s11+$0x9C80] =	vst v30;
	v22 =	vld.idx.msk [tilespmem:v32+s4+$0x0], $0xffff  }
0x208: {  	[tilespmem:s13+$0x9C80] =	vst v31;
	v26 =	vld.idx.msk [tilespmem:v35+s4+$0x0], $0xffff  }
0x209: {  	v30 =	vadd.s32 $0x6C87, v3;
	v3 =	vmov v20;
	v18 =	vld.idx.msk [tilespmem:v18+s4+$0x0], $0xffff;
	[tilespmem:s10+$0x9C80] =	vst v34  }
0x20a: {  	s7 =	sadd.s32 $0x40, s7;
	v20 =	vadd.s32 $0x1F02, v3;
	[tilespmem:s6+$0x9C80] =	vst v24;
	v16 =	vld.idx.msk [tilespmem:v16+s4+$0x0], $0xffff  }
0x20b: {  	s13 =	sand.u32 $0x40, s7;
	s10 =	sand.u32 $0xE00, s1;
	s6 =	sadd.s32 $0xFE00, s2;
	v24 =	vld.idx.msk [tilespmem:v28+s4+$0x0], $0xffff;
	[tilespmem:s5+$0x0] =	vst v17  }
0x20c: {  	s16 =	sor.u32 $0x30, s13;
	s5 =	sadd.s32 $0xAE00, s10;
	v28 =	vld.idx.msk [tilespmem:v10+s4+$0x0], $0xffff;
	[tilespmem:s12+$0x0] =	vst v21;
	s12 =	sor.u32 s21, s6;
	v10 =	vmov v36  }
0x20d: {  	s11 =	sor.u32 $0x10, s13;
	s17 =	sor.u32 $0x20, s13;
	s14 =	sor.u32 s16, s5;
	v31 =	vld.idx.msk [tilespmem:v9+s4+$0x0], $0xffff;
	[tilespmem:s12+$0x0] =	vst v22;
	v9 =	vmov v37  }
0x20e: {  	s15 =	sor.u32 s11, s5;
	s12 =	sor.u32 s13, s5;
	s5 =	sor.u32 s17, s5;
	[tilespmem:s14+$0x0] =	vst v26;
	v22 =	vld.idx.msk [tilespmem:v30+s4+$0x0], $0xffff  }
0x20f: {  	s22 =	sor.u32 s0, s6;
	s14 =	sor.u32 s9, s6;
	s6 =	sor.u32 s3, s6;
	[tilespmem:s15+$0x0] =	vst v18;
	v26 =	vld.idx.msk [tilespmem:v20+s4+$0x0], $0xffff  }
0x210: {  	p3 =	slt.u32 s7, $0x3C0;
	v25 =	vld.idx.msk [tilespmem:v25+s4+$0x0], $0xffff;
	[tilespmem:s5+$0x0] =	vst v16  }
0x211: {  	v16 =	vadd.s32 $0x2E83, v3;
	[tilespmem:s12+$0x0] =	vst v24;
	v17 =	vld.idx.msk [tilespmem:v27+s4+$0x0], $0xffff  }
.Ltmp9:
0x212: {  	s5 =	sadd.s32 $0x10E00, s2;
	s2 =	smov.u32 s10;
	v21 =	vld.idx.msk [tilespmem:v29+s4+$0x0], $0xffff;
	[tilespmem:s8+$0x0] =	vst v28;
	(pc) =	sbr.rel @p3 .LBB2_16-.Ltmp9, $4  }
0x213: {  	s10 =	sor.u32 s9, s5;
	s12 =	sor.u32 s21, s5;
	s8 =	sadd.s32 $0xBE00, s2;
	[tilespmem:s14+$0x0] =	vst v31;
	v20 =	vld.idx.msk [tilespmem:v15+s4+$0x0], $0xffff;
	v15 =	vmov v41  }
0x214: {  	s14 =	sor.u32 s11, s8;
	s9 =	sor.u32 s17, s8;
	s18 =	sor.u32 s16, s8;
	v18 =	vld.idx.msk [tilespmem:v12+s4+$0x0], $0xffff;
	[tilespmem:s12+$0x0] =	vst v22;
	v12 =	vmov v39  }
0x215: {  	s15 =	sor.u32 s13, s8;
	s8 =	sor.u32 s0, s5;
	s12 =	sor.u32 s3, s5;
	[tilespmem:s18+$0x0] =	vst v26;
	v22 =	vld.idx.msk [tilespmem:v11+s4+$0x0], $0xffff;
	v11 =	vmov v40  }
0x216: {  	p2 =	por !p2, !p2;
	s21 =	smov.u32 s16;
	s0 =	smov.u32 s13;
	[tilespmem:s14+$0x0] =	vst v25;
	v24 =	vld.idx.msk [tilespmem:v16+s4+$0x0], $0xffff  }
0x217: {  	v25 =	vmovc v1;
	v26 =	vmovc v0;
	s18 =	smov.u32 s11;
	s16 =	smov.u32 s17;
	v16 =	vmov v3;
	v1 =	vmov v23;
	v0 =	vmov v19  }
0x218: {  	s20 =	smov.u32 s2;
	s19 =	smov.u32 s21;
	s3 =	smov.u32 s0;
	v19 =	vmovc v13;
	v13 =	vmovc v10;
	v10 =	vmov v9;
	v9 =	vmov v15;
	v15 =	vmov v11  }
.LBB2_18:
0x219: {  	_ =	sdelay $0x3  }
0x21a: {  	v3 =	vld.idx.msk [tilespmem:v8+s4+$0x0], $0xffff;
	v55 =	vadd.s32 $0x3E04, v16;
	_ =	sdelay $0x1  }
0x21b: {  	[tilespmem:s9+$0x0] =	vst v17;
	s0 =	sadd.s32 $0xCE00, s20  }
0x21c: {  	[tilespmem:s15+$0x0] =	vst v21;
	v7 =	vld.idx.msk [tilespmem:v7+s4+$0x0], $0xffff;
	s1 =	sor.u32 s19, s0  }
0x21d: {  	v6 =	vld.idx.msk [tilespmem:v6+s4+$0x0], $0xffff;
	s9 =	sor.u32 s18, s0;
	[tilespmem:s1+$0x0] =	vst v24  }
0x21e: {  	[tilespmem:s9+$0x0] =	vst v3;
	v56 =	vld.idx.msk [tilespmem:v55+s4+$0x0], $0xffff  }
0x21f: {  	v57 =	vadd.s32 $0x4D85, v16;
	v5 =	vld.idx.msk [tilespmem:v5+s4+$0x0], $0xffff  }
0x220: {  	s11 =	sor.u32 s16, s0  }
0x221: {  	s13 =	sadd.s32 $0xDE00, s20;
	s0 =	sor.u32 s3, s0;
	[tilespmem:s11+$0x0] =	vst v7  }
0x222: {  	s14 =	sor.u32 s19, s13;
	[tilespmem:s0+$0x0] =	vst v6;
	v4 =	vld.idx.msk [tilespmem:v4+s4+$0x0], $0xffff  }
0x223: {  	s15 =	sor.u32 s18, s13;
	v2 =	vld.idx.msk [tilespmem:v2+s4+$0x0], $0xffff;
	[tilespmem:s14+$0x0] =	vst v56  }
0x224: {  	[tilespmem:s15+$0x0] =	vst v5;
	v3 =	vld.idx.msk [tilespmem:v57+s4+$0x0], $0xffff  }
0x225: {  	v58 =	vadd.s32 $0x5D06, v16;
	v5 =	vld.idx.msk [tilespmem:v19+s4+$0x0], $0xffff  }
0x226: {  	[tilespmem:s6+$0x0] =	vst @p1 v20;
	s17 =	sor.u32 s16, s13  }
0x227: {  	s21 =	sadd.s32 $0xEE00, s20;
	s0 =	sor.u32 s3, s13;
	[tilespmem:s17+$0x0] =	vst v4  }
0x228: {  	s28 =	sor.u32 s19, s21;
	[tilespmem:s0+$0x0] =	vst v2;
	v59 =	vld.idx.msk [tilespmem:v14+s4+$0x0], $0xffff  }
0x229: {  	s29 =	sor.u32 s18, s21;
	v6 =	vld.idx.msk [tilespmem:v13+s4+$0x0], $0xffff;
	[tilespmem:s28+$0x0] =	vst v3  }
0x22a: {  	[tilespmem:s29+$0x0] =	vst v5;
	v3 =	vld.idx.msk [tilespmem:v58+s4+$0x0], $0xffff  }
0x22b: {  	v60 =	vadd.s32 $0x6C87, v16;
	[tilespmem:s22+$0x0] =	vst @p1 v18;
	v61 =	vld.idx.msk [tilespmem:v10+s4+$0x0], $0xffff  }
0x22c: {  	s30 =	sor.u32 s16, s21;
	[tilespmem:s10+$0x0] =	vst @p1 v22;
	v8 =	vld.idx.msk @p1 [tilespmem:v26+s4+$0x0], $0xffff  }
0x22d: {  	s31 =	sadd.s32 $0xFE00, s20;
	v7 =	vld.idx.msk @p1 [tilespmem:v25+s4+$0x0], $0xffff;
	s0 =	sor.u32 s3, s21;
	[tilespmem:s30+$0x0] =	vst v59  }
0x22e: {  	s2 =	sor.u32 s19, s31;
	[tilespmem:s0+$0x0] =	vst v6;
	v62 =	vld.idx.msk [tilespmem:v9+s4+$0x0], $0xffff  }
0x22f: {  	s5 =	sor.u32 s18, s31;
	v6 =	vld.idx.msk [tilespmem:v12+s4+$0x0], $0xffff;
	[tilespmem:s2+$0x0] =	vst v3  }
0x230: {  	v2 =	vld.idx.msk [tilespmem:v60+s4+$0x0], $0xffff;
	[tilespmem:s5+$0x0] =	vst v61  }
0x231: {  	[tilespmem:s8+$0x0] =	vst @p1 v8;
	v63 =	vld.idx.msk [tilespmem:v15+s4+$0x0], $0xffff  }
0x232: {  	s6 =	sor.u32 s16, s31;
	[tilespmem:s12+$0x0] =	vst @p1 v7  }
0x233: {  	s7 =	sadd.s32 $0x10E00, s20;
	s0 =	sor.u32 s3, s31;
	[tilespmem:s6+$0x0] =	vst v62  }
0x234: {  	s9 =	sor.u32 s19, s7;
	[tilespmem:s0+$0x0] =	vst v6;
	v1 =	vld.idx.msk [tilespmem:v1+s4+$0x0], $0xffff  }
0x235: {  	s10 =	sor.u32 s18, s7;
	v0 =	vld.idx.msk [tilespmem:v0+s4+$0x0], $0xffff;
	[tilespmem:s9+$0x0] =	vst v2  }
0x236: {  	[tilespmem:s10+$0x0] =	vst v63  }
0x237: {  	s1 =	rddreg [dreg:$0x8]  }
0x238: {  	s2 =	sor.u32 s16, s7;
	s1 =	sadd.s32 s1, s26  }
0x239: {  	s12 =	rddreg [dreg:$0x2];
	s0 =	sor.u32 s3, s7;
	[tilespmem:s2+$0x0] =	vst v1;
	s11 =	sshrl.u32 s1, $0x3  }
0x23a: {  	s13 =	simm.s32 $0x9C80;
	[tilespmem:s0+$0x0] =	vst v0;
	s0 =	sadd.s32 s12, s11  }
0x23b: {  	[hbm4b:s0+s23] =	stream.strided.scatter [tilespmem:s13], [sflag:$0x4], $0x1000, s24, s23, $0x38;
	[tilespmem:$0x19C80] =	vst v63  }
0x23c: {  	s15 =	simm.s32 $0xAC80;
	s14 =	sadd.s32 $0x20000, s0  }
0x23d: {  	[hbm4b:s14+s23] =	stream.strided.scatter [tilespmem:s15], [sflag:$0x4], $0x1000, s24, s23, $0x38;
	[tilespmem:$0x19C80] =	vst v63  }
0x23e: {  	s17 =	simm.s32 $0xBC80;
	s16 =	sadd.s32 $0x40000, s0  }
0x23f: {  	[hbm4b:s16+s23] =	stream.strided.scatter [tilespmem:s17], [sflag:$0x4], $0x1000, s24, s23, $0x38;
	[tilespmem:$0x19C80] =	vst v63  }
0x240: {  	s19 =	simm.s32 $0xCC80;
	s18 =	sadd.s32 $0x60000, s0  }
0x241: {  	[hbm4b:s18+s23] =	stream.strided.scatter [tilespmem:s19], [sflag:$0x4], $0x1000, s24, s23, $0x38;
	[tilespmem:$0x19C80] =	vst v63  }
0x242: {  	s21 =	simm.s32 $0xDC80;
	s20 =	sadd.s32 $0x80000, s0  }
0x243: {  	[hbm4b:s20+s23] =	stream.strided.scatter [tilespmem:s21], [sflag:$0x4], $0x1000, s24, s23, $0x38;
	[tilespmem:$0x19C80] =	vst v63  }
0x244: {  	p1 =	sne.s32 s25, $0x7;
	s28 =	simm.s32 $0xEC80;
	s22 =	sadd.s32 $0xA0000, s0  }
0x245: {  	[hbm4b:s22+s23] =	stream.strided.scatter [tilespmem:s28], [sflag:$0x4], $0x1000, s24, s23, $0x38;
	[tilespmem:$0x19C80] =	vst v63  }
.Ltmp10:
0x246: {  	_ = 	snop;
	(pc) =	sbr.rel @p1 .LBB2_20-.Ltmp10, $4  }
0x247: {  	s30 =	simm.s32 $0xFC80;
	s29 =	sadd.s32 $0xC0000, s0  }
0x248: {  	[hbm4b:s29+s23] =	stream.strided.scatter [tilespmem:s30], [sflag:$0x4], $0x1000, s24, s23, $0x38;
	[tilespmem:$0x19C80] =	vst v63  }
0x249: {  	s31 =	simm.s32 $0x10C80;
	[dreg:$0xd] =	wrdreg s11;
	s0 =	sadd.s32 $0xE0000, s0  }
0x24a: {  	[hbm4b:s0+s23] =	stream.strided.scatter [tilespmem:s31], [sflag:$0x4], $0x1000, s24, s23, $0x38;
	[tilespmem:$0x19C80] =	vst v63  }
.Ltmp11:
0x24b: {  	(pc) =	sbr.rel .LBB2_21-.Ltmp11, $4  }
0x24c: {  	s0 =	simm.s32 $0x3  }
0x24d: {  	_ =	swait.ge [sflag:s0], $0x1000  }
0x24e: {  	[sflag:s0] =	ssyncset.done $0x0  }
0x24f: {  	[sflag:s0] =	ssyncadd.s32 $0xFFFFF000  }
.LBB2_20:
0x250: {  	s0 =	sadd.s32 $0x2000, s26  }
0x251: {  	s1 =	rddreg [dreg:$0x1];
	s30 =	simm.s32 $0x7C80;
	s0 =	sshrl.u32 s0, $0x3  }
.Ltmp12:
0x252: {  	s31 =	simm.s32 $0x3;
	s0 =	sadd.s32 s1, s0;
	(pc) =	sbr.rel @p0 .LBB2_22-.Ltmp12, $4  }
0x253: {  	[tilespmem:s30], [sflag:$0x2] =	stream.strided.gather [hbm4b:s0+s23], $0x1000, s24, s23, $0x38;
	[tilespmem:$0x19C80] =	vst v63  }
0x254: {  	_ =	swait.ge [sflag:s31], $0x1000  }
0x255: {  	[sflag:s31] =	ssyncset.done $0x0  }
0x256: {  	[sflag:s31] =	ssyncadd.s32 $0xFFFFF000  }
.LBB2_21:
0x257: {  	s0 =	simm.s32 $0x5  }
0x258: {  	_ =	swait.ge [sflag:s0], $0x8000  }
0x259: {  	[sflag:s0] =	ssyncset.done $0x0  }
0x25a: {  	[sflag:s0] =	ssyncadd.s32 $0xFFFF8000  }
.LBB2_22:
0x25b: {  	s0 =	simm.s32 $0x0  }
0x25c: {  	s15 =	simm.s32 $0x0;
	s3 =	sand.u32 $0x40, s0  }
0x25d: {  	s20 =	sand.u32 $0xE00, s15;
	s19 =	sor.u32 $0x30, s3  }
0x25e: {  	s18 =	sor.u32 $0x10, s3;
	s11 =	sor.u32 s19, s20  }
0x25f: {  	s16 =	sor.u32 $0x20, s3;
	s24 =	sor.u32 s18, s20;
	v4 =	vld [tilespmem:s11+$0x8C80]  }
0x260: {  	s23 =	sor.u32 s16, s20;
	v3 =	vld [tilespmem:s24+$0x8C80]  }
0x261: {  	s22 =	sor.u32 s3, s20;
	v2 =	vld [tilespmem:s23+$0x8C80]  }
0x262: {  	v1 =	vld [tilespmem:s22+$0x8C80];
	_ =	sdelay $0x4  }
0x263: {  	v0 =	vld.idx.msk [tilespmem:v4+s15+$0x0], $0xffff  }
0x264: {  	v5 =	vadd.s32 $0xF81, v4;
	v6 =	vld.idx.msk [tilespmem:v3+s15+$0x0], $0xffff  }
0x265: {  	v7 =	vadd.s32 $0xF81, v3;
	v8 =	vld.idx.msk [tilespmem:v2+s15+$0x0], $0xffff  }
0x266: {  	v9 =	vadd.s32 $0xF81, v2;
	v10 =	vld.idx.msk [tilespmem:v1+s15+$0x0], $0xffff  }
0x267: {  	v11 =	vadd.s32 $0xF81, v1;
	[dreg:$0x10] =	wrdreg s11  }
0x268: {  	[tilespmem:s11+$0x11C80] =	vst v0  }
0x269: {  	[tilespmem:s24+$0x11C80] =	vst v6;
	v0 =	vld.idx.msk [tilespmem:v5+s15+$0x0], $0xffff  }
0x26a: {  	[tilespmem:s23+$0x11C80] =	vst v8;
	v5 =	vadd.s32 $0x1F02, v4;
	v6 =	vld.idx.msk [tilespmem:v7+s15+$0x0], $0xffff  }
0x26b: {  	[tilespmem:s22+$0x11C80] =	vst v10;
	v7 =	vadd.s32 $0x1F02, v3;
	v8 =	vld.idx.msk [tilespmem:v9+s15+$0x0], $0xffff  }
0x26c: {  	s12 =	sadd.s32 $0x12C80, s20;
	v10 =	vld.idx.msk [tilespmem:v11+s15+$0x0], $0xffff;
	v9 =	vadd.s32 $0x1F02, v2  }
0x26d: {  	s1 =	sor.u32 s19, s12;
	v11 =	vadd.s32 $0x1F02, v1  }
0x26e: {  	s13 =	sor.u32 s18, s12;
	[tilespmem:s1+$0x0] =	vst v0  }
0x26f: {  	s2 =	sor.u32 s16, s12;
	[tilespmem:s13+$0x0] =	vst v6;
	v0 =	vld.idx.msk [tilespmem:v5+s15+$0x0], $0xffff  }
0x270: {  	s0 =	sor.u32 s3, s12;
	[tilespmem:s2+$0x0] =	vst v8;
	v5 =	vadd.s32 $0x2E83, v4;
	v6 =	vld.idx.msk [tilespmem:v7+s15+$0x0], $0xffff  }
0x271: {  	[tilespmem:s0+$0x0] =	vst v10;
	v7 =	vadd.s32 $0x2E83, v3;
	v8 =	vld.idx.msk [tilespmem:v9+s15+$0x0], $0xffff  }
0x272: {  	s14 =	sadd.s32 $0x13C80, s20;
	v10 =	vld.idx.msk [tilespmem:v11+s15+$0x0], $0xffff;
	v9 =	vadd.s32 $0x2E83, v2  }
0x273: {  	s17 =	sor.u32 s19, s14;
	v11 =	vadd.s32 $0x2E83, v1  }
0x274: {  	s21 =	sor.u32 s18, s14;
	[tilespmem:s17+$0x0] =	vst v0  }
0x275: {  	s25 =	sor.u32 s16, s14;
	s0 =	simm.s32 $0x40;
	[tilespmem:s21+$0x0] =	vst v6;
	v5 =	vld.idx.msk [tilespmem:v5+s15+$0x0], $0xffff  }
0x276: {  	s7 =	simm.s32 $0x100;
	s1 =	sor.u32 s3, s14;
	[tilespmem:s25+$0x0] =	vst v8;
	s25 =	sand.u32 $0x40, s0;
	v7 =	vld.idx.msk [tilespmem:v7+s15+$0x0], $0xffff  }
0x277: {  	s29 =	sand.u32 $0xE00, s7;
	[tilespmem:s1+$0x0] =	vst v10;
	v6 =	vadd.s32 $0x3E04, v4;
	v8 =	vld.idx.msk [tilespmem:v9+s15+$0x0], $0xffff;
	s31 =	sor.u32 $0x30, s25  }
0x278: {  	v9 =	vld.idx.msk [tilespmem:v11+s15+$0x0], $0xffff;
	s5 =	sor.u32 s31, s29  }
0x279: {  	s26 =	sadd.s32 $0x14C80, s20;
	v10 =	vadd.s32 $0x3E04, v3;
	s1 =	sor.u32 $0x10, s25;
	s9 =	sor.u32 s25, s29;
	v0 =	vld [tilespmem:s5+$0x8C80]  }
0x27a: {  	s6 =	sor.u32 s19, s26;
	v11 =	vadd.s32 $0x3E04, v1;
	s12 =	sor.u32 s1, s29;
	v17 =	vld [tilespmem:s9+$0x8C80]  }
0x27b: {  	s30 =	sor.u32 $0x20, s25;
	v13 =	vld [tilespmem:s12+$0x8C80];
	[tilespmem:s6+$0x0] =	vst v5;
	v5 =	vadd.s32 $0x3E04, v2  }
0x27c: {  	s10 =	sor.u32 s18, s26;
	s8 =	sor.u32 s30, s29;
	v6 =	vld.idx.msk [tilespmem:v6+s15+$0x0], $0xffff  }
0x27d: {  	v12 =	vadd.s32 $0x4D85, v4;
	s2 =	sor.u32 s3, s26;
	v14 =	vld [tilespmem:s8+$0x8C80];
	[tilespmem:s10+$0x0] =	vst v7  }
0x27e: {  	s11 =	sor.u32 s16, s26;
	[tilespmem:s2+$0x0] =	vst v9;
	v7 =	vld.idx.msk [tilespmem:v10+s15+$0x0], $0xffff  }
0x27f: {  	s13 =	sadd.s32 $0x15C80, s20;
	[tilespmem:s11+$0x0] =	vst v8;
	v8 =	vld.idx.msk [tilespmem:v11+s15+$0x0], $0xffff  }
0x280: {  	s14 =	sor.u32 s19, s13;
	v5 =	vld.idx.msk [tilespmem:v5+s15+$0x0], $0xffff  }
0x281: {  	v11 =	vld.idx.msk [tilespmem:v0+s15+$0x0], $0xffff;
	[tilespmem:s14+$0x0] =	vst v6;
	v6 =	vadd.s32 $0x4D85, v3  }
0x282: {  	s17 =	sor.u32 s18, s13;
	v10 =	vadd.s32 $0x4D85, v2;
	v9 =	vld.idx.msk [tilespmem:v12+s15+$0x0], $0xffff  }
0x283: {  	s26 =	sor.u32 s3, s13;
	v18 =	vadd.s32 $0xF81, v0;
	[tilespmem:s17+$0x0] =	vst v7;
	v12 =	vld.idx.msk [tilespmem:v13+s15+$0x0], $0xffff  }
0x284: {  	v15 =	vadd.s32 $0x5D06, v4;
	s21 =	sor.u32 s16, s13;
	v19 =	vld.idx.msk [tilespmem:v17+s15+$0x0], $0xffff;
	[tilespmem:s26+$0x0] =	vst v8  }
0x285: {  	s10 =	sadd.s32 $0x16C80, s20;
	v16 =	vld.idx.msk [tilespmem:v14+s15+$0x0], $0xffff;
	v8 =	vadd.s32 $0xF81, v17;
	[tilespmem:s21+$0x0] =	vst v5  }
0x286: {  	s11 =	sor.u32 s19, s10;
	v7 =	vadd.s32 $0xF81, v13;
	[tilespmem:s5+$0x11C80] =	vst v11;
	v6 =	vld.idx.msk [tilespmem:v6+s15+$0x0], $0xffff  }
0x287: {  	v5 =	vadd.s32 $0xF81, v14;
	v10 =	vld.idx.msk [tilespmem:v10+s15+$0x0], $0xffff;
	[tilespmem:s11+$0x0] =	vst v9  }
0x288: {  	v9 =	vadd.s32 $0x4D85, v1;
	[tilespmem:s12+$0x11C80] =	vst v12;
	v12 =	vld.idx.msk [tilespmem:v18+s15+$0x0], $0xffff  }
0x289: {  	[tilespmem:s9+$0x11C80] =	vst v19;
	v11 =	vld.idx.msk [tilespmem:v15+s15+$0x0], $0xffff;
	v15 =	vadd.s32 $0x5D06, v3  }
0x28a: {  	[tilespmem:s8+$0x11C80] =	vst v16;
	v16 =	vadd.s32 $0x1F02, v0;
	v8 =	vld.idx.msk [tilespmem:v8+s15+$0x0], $0xffff  }
0x28b: {  	v4 =	vadd.s32 $0x6C87, v4;
	s12 =	sor.u32 s18, s10;
	v7 =	vld.idx.msk [tilespmem:v7+s15+$0x0], $0xffff  }
0x28c: {  	s13 =	sor.u32 s16, s10;
	s14 =	sadd.s32 $0x12C80, s29;
	v18 =	vadd.s32 $0x1F02, v13;
	v5 =	vld.idx.msk [tilespmem:v5+s15+$0x0], $0xffff;
	[tilespmem:s12+$0x0] =	vst v6  }
0x28d: {  	s6 =	sadd.s32 $0x17C80, s20;
	s21 =	sor.u32 s31, s14;
	v6 =	vadd.s32 $0x1F02, v14;
	[tilespmem:s13+$0x0] =	vst v10;
	v9 =	vld.idx.msk [tilespmem:v9+s15+$0x0], $0xffff  }
0x28e: {  	s17 =	sor.u32 s19, s6;
	v10 =	vadd.s32 $0x1F02, v17;
	[tilespmem:s21+$0x0] =	vst v12;
	v19 =	vld.idx.msk [tilespmem:v15+s15+$0x0], $0xffff  }
0x28f: {  	s26 =	sor.u32 s1, s14;
	[tilespmem:s17+$0x0] =	vst v11;
	v11 =	vadd.s32 $0x5D06, v2;
	v23 =	vld.idx.msk [tilespmem:v16+s15+$0x0], $0xffff  }
0x290: {  	v22 =	vadd.s32 $0x5D06, v1;
	s9 =	sor.u32 s30, s14;
	[tilespmem:s26+$0x0] =	vst v7;
	v4 =	vld.idx.msk [tilespmem:v4+s15+$0x0], $0xffff  }
0x291: {  	s2 =	sor.u32 s25, s14;
	v3 =	vadd.s32 $0x6C87, v3;
	v24 =	vld.idx.msk [tilespmem:v18+s15+$0x0], $0xffff;
	[tilespmem:s9+$0x0] =	vst v5  }
0x292: {  	v26 =	vadd.s32 $0x2E83, v0;
	s10 =	sor.u32 s3, s10;
	[tilespmem:s2+$0x0] =	vst v8;
	v25 =	vld.idx.msk [tilespmem:v6+s15+$0x0], $0xffff  }
0x293: {  	v27 =	vadd.s32 $0x2E83, v13;
	v1 =	vadd.s32 $0x6C87, v1;
	s11 =	sor.u32 s18, s6;
	s12 =	sadd.s32 $0x13C80, s29;
	v21 =	vld.idx.msk [tilespmem:v10+s15+$0x0], $0xffff;
	[tilespmem:s10+$0x0] =	vst v9  }
0x294: {  	s5 =	sadd.s32 $0x18C80, s20;
	v8 =	vadd.s32 $0x4D85, v14;
	v12 =	vadd.s32 $0x3E04, v13;
	s14 =	sor.u32 s31, s12;
	v15 =	vadd.s32 $0x2E83, v14;
	[tilespmem:s11+$0x0] =	vst v19;
	v20 =	vld.idx.msk [tilespmem:v11+s15+$0x0], $0xffff  }
0x295: {  	s13 =	sor.u32 s19, s5;
	v2 =	vadd.s32 $0x6C87, v2;
	v16 =	vadd.s32 $0x2E83, v17;
	v7 =	vadd.s32 $0x4D85, v13;
	v18 =	vld.idx.msk [tilespmem:v22+s15+$0x0], $0xffff;
	[tilespmem:s14+$0x0] =	vst v23  }
0x296: {  	s28 =	sor.u32 s3, s6;
	s17 =	sor.u32 s1, s12;
	v5 =	vadd.s32 $0x5D06, v17;
	v10 =	vadd.s32 $0x3E04, v17;
	v6 =	vadd.s32 $0x4D85, v17;
	[tilespmem:s13+$0x0] =	vst v4;
	v19 =	vld.idx.msk [tilespmem:v3+s15+$0x0], $0xffff  }
0x297: {  	s2 =	sor.u32 s16, s6;
	s21 =	sor.u32 s30, s12;
	s26 =	sor.u32 s18, s5;
	v9 =	vadd.s32 $0x5D06, v14;
	v11 =	vadd.s32 $0x3E04, v14;
	v14 =	vadd.s32 $0x6C87, v14;
	[tilespmem:s17+$0x0] =	vst v24;
	v22 =	vld.idx.msk [tilespmem:v26+s15+$0x0], $0xffff  }
0x298: {  	s11 =	sor.u32 s25, s12;
	s12 =	sor.u32 s3, s5;
	v4 =	vadd.s32 $0x5D06, v13;
	v3 =	vadd.s32 $0x6C87, v13;
	v13 =	vadd.s32 $0x6C87, v17;
	s17 =	sor.u32 s16, s5;
	v17 =	vld.idx.msk [tilespmem:v27+s15+$0x0], $0xffff;
	[tilespmem:s21+$0x0] =	vst v25  }
.LBB2_23:
0x299: {  	s0 =	sadd.s32 $0x40, s0;
	[tilespmem:s11+$0x0] =	vst v21;
	v15 =	vld.idx.msk [tilespmem:v15+s15+$0x0], $0xffff;
	v21 =	vadd.s32 $0x3E04, v0  }
0x29a: {  	s7 =	sadd.s32 $0x100, s7;
	s6 =	sand.u32 $0x40, s0;
	p0 =	slt.u32 s0, $0x3C0;
	v16 =	vld.idx.msk [tilespmem:v16+s15+$0x0], $0xffff;
	[tilespmem:s2+$0x0] =	vst v20  }
0x29b: {  	s5 =	sadd.s32 $0x14C80, s29;
	s11 =	sand.u32 $0xE00, s7;
	s8 =	sor.u32 $0x30, s6;
	[tilespmem:s28+$0x0] =	vst v18;
	v18 =	vld.idx.msk [tilespmem:v2+s15+$0x0], $0xffff;
	v2 =	vmov v14  }
0x29c: {  	s13 =	sor.u32 s31, s5;
	s9 =	sor.u32 $0x10, s6;
	s28 =	sor.u32 s8, s11;
	v14 =	vld.idx.msk [tilespmem:v1+s15+$0x0], $0xffff;
	[tilespmem:s26+$0x0] =	vst v19;
	v1 =	vmov v13  }
0x29d: {  	s2 =	sor.u32 s6, s11;
	s10 =	sor.u32 $0x20, s6;
	s26 =	sor.u32 s9, s11;
	v19 =	vld [tilespmem:s28+$0x8C80];
	[tilespmem:s13+$0x0] =	vst v22  }
0x29e: {  	s14 =	sor.u32 s1, s5;
	s21 =	sor.u32 s30, s5;
	s13 =	sor.u32 s10, s11;
	v13 =	vld.idx.msk [tilespmem:v21+s15+$0x0], $0xffff  }
0x29f: {  	s5 =	sor.u32 s25, s5;
	v20 =	vld [tilespmem:s26+$0x8C80];
	[tilespmem:s14+$0x0] =	vst v17  }
0x2a0: {  	v22 =	vadd.s32 $0x4D85, v0;
	v21 =	vld [tilespmem:s13+$0x8C80];
	[tilespmem:s21+$0x0] =	vst v15  }
0x2a1: {  	v23 =	vld [tilespmem:s2+$0x8C80];
	[tilespmem:s5+$0x0] =	vst v16  }
0x2a2: {  	s5 =	sadd.s32 $0x15C80, s29;
	v24 =	vld.idx.msk [tilespmem:v12+s15+$0x0], $0xffff;
	[tilespmem:s17+$0x0] =	vst v18  }
0x2a3: {  	s14 =	sor.u32 s1, s5;
	s17 =	sor.u32 s30, s5;
	s21 =	sor.u32 s31, s5;
	v18 =	vld.idx.msk [tilespmem:v11+s15+$0x0], $0xffff;
	[tilespmem:s12+$0x0] =	vst v14  }
0x2a4: {  	s5 =	sor.u32 s25, s5;
	v25 =	vadd.s32 $0xF81, v20;
	v26 =	vadd.s32 $0x1F02, v20;
	v17 =	vadd.s32 $0x2E83, v20;
	v14 =	vld.idx.msk [tilespmem:v10+s15+$0x0], $0xffff;
	[tilespmem:s21+$0x0] =	vst v13  }
0x2a5: {  	v27 =	vadd.s32 $0xF81, v21;
	v28 =	vadd.s32 $0x1F02, v21;
	v15 =	vadd.s32 $0x2E83, v21;
	v22 =	vld.idx.msk [tilespmem:v22+s15+$0x0], $0xffff  }
0x2a6: {  	v29 =	vadd.s32 $0xF81, v23;
	v30 =	vadd.s32 $0x1F02, v23;
	v16 =	vadd.s32 $0x2E83, v23;
	v31 =	vld.idx.msk [tilespmem:v19+s15+$0x0], $0xffff  }
0x2a7: {  	v33 =	vadd.s32 $0x5D06, v0;
	v12 =	vadd.s32 $0x3E04, v20;
	v11 =	vadd.s32 $0x3E04, v21;
	v32 =	vld.idx.msk [tilespmem:v20+s15+$0x0], $0xffff  }
0x2a8: {  	v35 =	vadd.s32 $0xF81, v19;
	v13 =	vadd.s32 $0x4D85, v20;
	v10 =	vadd.s32 $0x3E04, v23;
	v34 =	vld.idx.msk [tilespmem:v21+s15+$0x0], $0xffff;
	[tilespmem:s14+$0x0] =	vst v24  }
0x2a9: {  	s12 =	sadd.s32 $0x16C80, s29;
	v37 =	vadd.s32 $0x5D06, v20;
	v38 =	vadd.s32 $0x4D85, v21;
	v36 =	vadd.s32 $0x4D85, v23;
	v24 =	vld.idx.msk [tilespmem:v23+s15+$0x0], $0xffff;
	[tilespmem:s17+$0x0] =	vst v18  }
0x2aa: {  	v40 =	vadd.s32 $0x6C87, v20;
	v41 =	vadd.s32 $0x5D06, v21;
	v39 =	vadd.s32 $0x5D06, v23;
	s14 =	sor.u32 s30, s12;
	s17 =	sor.u32 s31, s12;
	[tilespmem:s5+$0x0] =	vst v14;
	v18 =	vld.idx.msk [tilespmem:v7+s15+$0x0], $0xffff;
	s5 =	sor.u32 s1, s12;
	v7 =	vmovc v13  }
0x2ab: {  	v13 =	vadd.s32 $0x6C87, v23;
	v14 =	vadd.s32 $0x6C87, v21;
	s12 =	sor.u32 s25, s12;
	v20 =	vld.idx.msk [tilespmem:v8+s15+$0x0], $0xffff;
	[tilespmem:s17+$0x0] =	vst v22;
	v8 =	vmov v38  }
0x2ac: {  	[tilespmem:s28+$0x11C80] =	vst v31;
	v21 =	vld.idx.msk [tilespmem:v33+s15+$0x0], $0xffff  }
0x2ad: {  	[tilespmem:s26+$0x11C80] =	vst v32;
	v22 =	vld.idx.msk [tilespmem:v35+s15+$0x0], $0xffff  }
0x2ae: {  	v23 =	vld.idx.msk [tilespmem:v25+s15+$0x0], $0xffff;
	[tilespmem:s13+$0x11C80] =	vst v34;
	v25 =	vadd.s32 $0x6C87, v0;
	v0 =	vmov v19  }
0x2af: {  	[tilespmem:s2+$0x11C80] =	vst v24;
	v19 =	vld.idx.msk [tilespmem:v27+s15+$0x0], $0xffff;
	v24 =	vadd.s32 $0x1F02, v0  }
0x2b0: {  	s2 =	sadd.s32 $0x17C80, s29;
	v27 =	vld.idx.msk [tilespmem:v29+s15+$0x0], $0xffff;
	[tilespmem:s5+$0x0] =	vst v18  }
0x2b1: {  	s5 =	sadd.s32 $0x12C80, s11;
	s13 =	sor.u32 s1, s2;
	v18 =	vld.idx.msk [tilespmem:v6+s15+$0x0], $0xffff;
	[tilespmem:s14+$0x0] =	vst v20;
	s14 =	sor.u32 s31, s2;
	v6 =	vmov v36  }
0x2b2: {  	s17 =	sor.u32 s9, s5;
	s21 =	sor.u32 s10, s5;
	s26 =	sor.u32 s8, s5;
	v20 =	vld.idx.msk [tilespmem:v4+s15+$0x0], $0xffff;
	[tilespmem:s14+$0x0] =	vst v21;
	v4 =	vmov v37  }
0x2b3: {  	s28 =	sor.u32 s25, s2;
	s5 =	sor.u32 s6, s5;
	s2 =	sor.u32 s30, s2;
	[tilespmem:s26+$0x0] =	vst v22;
	v22 =	vld.idx.msk [tilespmem:v25+s15+$0x0], $0xffff  }
0x2b4: {  	[tilespmem:s17+$0x0] =	vst v23;
	v23 =	vld.idx.msk [tilespmem:v24+s15+$0x0], $0xffff  }
0x2b5: {  	v24 =	vld.idx.msk [tilespmem:v26+s15+$0x0], $0xffff;
	[tilespmem:s21+$0x0] =	vst v19  }
0x2b6: {  	v26 =	vadd.s32 $0x2E83, v0;
	[tilespmem:s5+$0x0] =	vst v27;
	v25 =	vld.idx.msk [tilespmem:v28+s15+$0x0], $0xffff;
	s5 =	sadd.s32 $0x18C80, s29;
	s29 =	smov.u32 s11  }
0x2b7: {  	v21 =	vld.idx.msk [tilespmem:v30+s15+$0x0], $0xffff;
	[tilespmem:s12+$0x0] =	vst v18;
	s11 =	sadd.s32 $0x13C80, s29  }
.Ltmp13:
0x2b8: {  	s26 =	sor.u32 s1, s5;
	s1 =	sor.u32 s31, s5;
	[tilespmem:s13+$0x0] =	vst v20;
	v20 =	vld.idx.msk [tilespmem:v9+s15+$0x0], $0xffff;
	(pc) =	sbr.rel @p0 .LBB2_23-.Ltmp13, $4  }
0x2b9: {  	s13 =	sor.u32 s9, s11;
	s14 =	sor.u32 s10, s11;
	s12 =	sor.u32 s8, s11;
	v9 =	vmov v41;
	v18 =	vld.idx.msk [tilespmem:v5+s15+$0x0], $0xffff;
	[tilespmem:s1+$0x0] =	vst v22;
	v5 =	vmov v39  }
0x2ba: {  	s17 =	sor.u32 s30, s5;
	s11 =	sor.u32 s6, s11;
	[tilespmem:s12+$0x0] =	vst v23;
	s12 =	sor.u32 s25, s5;
	v19 =	vld.idx.msk [tilespmem:v3+s15+$0x0], $0xffff;
	v3 =	vmov v40  }
0x2bb: {  	s31 =	smov.u32 s8;
	s1 =	smov.u32 s9;
	s25 =	smov.u32 s6;
	[tilespmem:s13+$0x0] =	vst v24;
	v22 =	vld.idx.msk [tilespmem:v26+s15+$0x0], $0xffff  }
0x2bc: {  	s30 =	smov.u32 s10;
	v17 =	vld.idx.msk [tilespmem:v17+s15+$0x0], $0xffff;
	[tilespmem:s14+$0x0] =	vst v25  }
0x2bd: {  	_ =	sdelay $0x2  }
0x2be: {  	v23 =	vadd.s32 $0x3E04, v0  }
0x2bf: {  	[tilespmem:s11+$0x0] =	vst v21;
	v15 =	vld.idx.msk [tilespmem:v15+s15+$0x0], $0xffff  }
0x2c0: {  	s0 =	sadd.s32 $0x14C80, s29;
	v16 =	vld.idx.msk [tilespmem:v16+s15+$0x0], $0xffff  }
0x2c1: {  	s5 =	sor.u32 s31, s0  }
0x2c2: {  	s6 =	sor.u32 s1, s0;
	[tilespmem:s5+$0x0] =	vst v22  }
0x2c3: {  	s7 =	sor.u32 s30, s0;
	[tilespmem:s6+$0x0] =	vst v17;
	v17 =	vld.idx.msk [tilespmem:v23+s15+$0x0], $0xffff  }
0x2c4: {  	s0 =	sor.u32 s25, s0;
	[tilespmem:s7+$0x0] =	vst v15;
	v15 =	vadd.s32 $0x4D85, v0;
	v12 =	vld.idx.msk [tilespmem:v12+s15+$0x0], $0xffff  }
0x2c5: {  	[tilespmem:s0+$0x0] =	vst v16;
	v11 =	vld.idx.msk [tilespmem:v11+s15+$0x0], $0xffff  }
0x2c6: {  	s8 =	sadd.s32 $0x15C80, s29;
	v10 =	vld.idx.msk [tilespmem:v10+s15+$0x0], $0xffff  }
0x2c7: {  	s9 =	sor.u32 s31, s8  }
0x2c8: {  	s10 =	sor.u32 s1, s8;
	[tilespmem:s9+$0x0] =	vst v17  }
0x2c9: {  	s11 =	sor.u32 s30, s8;
	[tilespmem:s10+$0x0] =	vst v12;
	v12 =	vld.idx.msk [tilespmem:v15+s15+$0x0], $0xffff  }
0x2ca: {  	s0 =	sor.u32 s25, s8;
	[tilespmem:s11+$0x0] =	vst v11;
	v11 =	vadd.s32 $0x5D06, v0;
	v7 =	vld.idx.msk [tilespmem:v7+s15+$0x0], $0xffff  }
0x2cb: {  	[tilespmem:s0+$0x0] =	vst v10;
	v8 =	vld.idx.msk [tilespmem:v8+s15+$0x0], $0xffff  }
0x2cc: {  	s13 =	sadd.s32 $0x16C80, s29;
	v6 =	vld.idx.msk [tilespmem:v6+s15+$0x0], $0xffff  }
0x2cd: {  	[tilespmem:s2+$0x0] =	vst v20;
	s14 =	sor.u32 s31, s13  }
0x2ce: {  	s21 =	sor.u32 s1, s13;
	[tilespmem:s14+$0x0] =	vst v12  }
0x2cf: {  	s5 =	sor.u32 s30, s13;
	[tilespmem:s21+$0x0] =	vst v7;
	v7 =	vld.idx.msk [tilespmem:v11+s15+$0x0], $0xffff  }
0x2d0: {  	v0 =	vadd.s32 $0x6C87, v0;
	s0 =	sor.u32 s25, s13;
	[tilespmem:s5+$0x0] =	vst v8;
	v4 =	vld.idx.msk [tilespmem:v4+s15+$0x0], $0xffff  }
0x2d1: {  	[tilespmem:s0+$0x0] =	vst v6;
	v6 =	vld.idx.msk [tilespmem:v9+s15+$0x0], $0xffff  }
0x2d2: {  	[tilespmem:s28+$0x0] =	vst v18;
	s6 =	sadd.s32 $0x17C80, s29;
	v5 =	vld.idx.msk [tilespmem:v5+s15+$0x0], $0xffff  }
0x2d3: {  	v2 =	vld.idx.msk [tilespmem:v2+s15+$0x0], $0xffff;
	[tilespmem:s26+$0x0] =	vst v19;
	s7 =	sor.u32 s31, s6  }
0x2d4: {  	v1 =	vld.idx.msk [tilespmem:v1+s15+$0x0], $0xffff;
	s8 =	sor.u32 s1, s6;
	[tilespmem:s7+$0x0] =	vst v7  }
0x2d5: {  	s9 =	sor.u32 s30, s6;
	[tilespmem:s8+$0x0] =	vst v4;
	v0 =	vld.idx.msk [tilespmem:v0+s15+$0x0], $0xffff  }
0x2d6: {  	s0 =	sor.u32 s25, s6;
	v3 =	vld.idx.msk [tilespmem:v3+s15+$0x0], $0xffff;
	[tilespmem:s9+$0x0] =	vst v6  }
0x2d7: {  	[tilespmem:s0+$0x0] =	vst v5;
	v4 =	vld.idx.msk [tilespmem:v14+s15+$0x0], $0xffff  }
0x2d8: {  	[tilespmem:s17+$0x0] =	vst v2;
	s10 =	sadd.s32 $0x18C80, s29;
	v2 =	vld.idx.msk [tilespmem:v13+s15+$0x0], $0xffff  }
0x2d9: {  	[tilespmem:s12+$0x0] =	vst v1;
	s11 =	sor.u32 s31, s10  }
0x2da: {  	s12 =	sor.u32 s1, s10;
	[tilespmem:s11+$0x0] =	vst v0  }
0x2db: {  	s13 =	sor.u32 s30, s10;
	[tilespmem:s12+$0x0] =	vst v3  }
0x2dc: {  	s0 =	sor.u32 s25, s10;
	[tilespmem:s13+$0x0] =	vst v4  }
0x2dd: {  	[tilespmem:s0+$0x0] =	vst v2  }
0x2de: {  	s0 =	rddreg [dreg:$0x10];
	v3 =	vld [tilespmem:s24+$0x8D00]  }
0x2df: {  	v4 =	vld [tilespmem:s0+$0x8D00]  }
0x2e0: {  	v2 =	vld [tilespmem:s23+$0x8D00]  }
0x2e1: {  	v1 =	vld [tilespmem:s22+$0x8D00];
	_ =	sdelay $0x3  }
0x2e2: {  	s15 =	simm.s32 $0x0  }
0x2e3: {  	v6 =	vld.idx.msk [tilespmem:v3+s15+$0x0], $0xffff  }
0x2e4: {  	v7 =	vadd.s32 $0xF81, v3;
	v0 =	vld.idx.msk [tilespmem:v4+s15+$0x0], $0xffff  }
0x2e5: {  	v5 =	vadd.s32 $0xF81, v4;
	v8 =	vld.idx.msk [tilespmem:v2+s15+$0x0], $0xffff  }
0x2e6: {  	v9 =	vadd.s32 $0xF81, v2;
	v10 =	vld.idx.msk [tilespmem:v1+s15+$0x0], $0xffff  }
0x2e7: {  	v11 =	vadd.s32 $0xF81, v1  }
0x2e8: {  	[tilespmem:s24+$0x11D00] =	vst v6  }
0x2e9: {  	[tilespmem:s0+$0x11D00] =	vst v0;
	v6 =	vld.idx.msk [tilespmem:v7+s15+$0x0], $0xffff  }
0x2ea: {  	[tilespmem:s23+$0x11D00] =	vst v8;
	v7 =	vadd.s32 $0x1F02, v3;
	v0 =	vld.idx.msk [tilespmem:v5+s15+$0x0], $0xffff  }
0x2eb: {  	[tilespmem:s22+$0x11D00] =	vst v10;
	v8 =	vld.idx.msk [tilespmem:v9+s15+$0x0], $0xffff;
	v5 =	vadd.s32 $0x1F02, v4  }
0x2ec: {  	s14 =	sadd.s32 $0x12D00, s20;
	v9 =	vadd.s32 $0x1F02, v2;
	v10 =	vld.idx.msk [tilespmem:v11+s15+$0x0], $0xffff  }
0x2ed: {  	s21 =	sor.u32 s18, s14;
	v11 =	vadd.s32 $0x1F02, v1  }
0x2ee: {  	s17 =	sor.u32 s19, s14;
	[tilespmem:s21+$0x0] =	vst v6  }
0x2ef: {  	s22 =	sor.u32 s16, s14;
	[tilespmem:s17+$0x0] =	vst v0;
	v6 =	vld.idx.msk [tilespmem:v7+s15+$0x0], $0xffff  }
0x2f0: {  	s0 =	sor.u32 s3, s14;
	[tilespmem:s22+$0x0] =	vst v8;
	v7 =	vadd.s32 $0x2E83, v3;
	v0 =	vld.idx.msk [tilespmem:v5+s15+$0x0], $0xffff  }
0x2f1: {  	[tilespmem:s0+$0x0] =	vst v10;
	v8 =	vld.idx.msk [tilespmem:v9+s15+$0x0], $0xffff;
	v5 =	vadd.s32 $0x2E83, v4  }
0x2f2: {  	s23 =	sadd.s32 $0x13D00, s20;
	v9 =	vadd.s32 $0x2E83, v2;
	v10 =	vld.idx.msk [tilespmem:v11+s15+$0x0], $0xffff  }
0x2f3: {  	s25 =	sor.u32 s18, s23;
	v11 =	vadd.s32 $0x2E83, v1  }
0x2f4: {  	s24 =	sor.u32 s19, s23;
	[tilespmem:s25+$0x0] =	vst v6  }
0x2f5: {  	s26 =	sor.u32 s16, s23;
	s25 =	simm.s32 $0x40;
	[tilespmem:s24+$0x0] =	vst v0;
	v7 =	vld.idx.msk [tilespmem:v7+s15+$0x0], $0xffff  }
0x2f6: {  	s28 =	sor.u32 s3, s23;
	s0 =	simm.s32 $0x100;
	[tilespmem:s26+$0x0] =	vst v8;
	s22 =	sand.u32 $0x40, s25;
	v5 =	vld.idx.msk [tilespmem:v5+s15+$0x0], $0xffff  }
0x2f7: {  	v6 =	vadd.s32 $0x3E04, v4;
	[tilespmem:s28+$0x0] =	vst v10;
	v8 =	vld.idx.msk [tilespmem:v9+s15+$0x0], $0xffff;
	s24 =	sand.u32 $0xE00, s0;
	s23 =	sor.u32 $0x30, s22  }
0x2f8: {  	v9 =	vld.idx.msk [tilespmem:v11+s15+$0x0], $0xffff;
	s30 =	sor.u32 s23, s24  }
0x2f9: {  	s29 =	sadd.s32 $0x14D00, s20;
	v10 =	vadd.s32 $0x3E04, v3;
	s1 =	sor.u32 $0x10, s22;
	s8 =	sor.u32 s22, s24;
	v0 =	vld [tilespmem:s30+$0x8D00]  }
0x2fa: {  	s6 =	sor.u32 s19, s29;
	v11 =	vadd.s32 $0x3E04, v1;
	s31 =	sor.u32 s1, s24;
	v17 =	vld [tilespmem:s8+$0x8D00]  }
0x2fb: {  	s21 =	sor.u32 $0x20, s22;
	v13 =	vld [tilespmem:s31+$0x8D00];
	[tilespmem:s6+$0x0] =	vst v5;
	v5 =	vadd.s32 $0x3E04, v2  }
0x2fc: {  	s9 =	sor.u32 s18, s29;
	s7 =	sor.u32 s21, s24;
	v6 =	vld.idx.msk [tilespmem:v6+s15+$0x0], $0xffff  }
0x2fd: {  	s2 =	sor.u32 s3, s29;
	v12 =	vadd.s32 $0x4D85, v4;
	v14 =	vld [tilespmem:s7+$0x8D00];
	[tilespmem:s9+$0x0] =	vst v7  }
0x2fe: {  	s10 =	sor.u32 s16, s29;
	[tilespmem:s2+$0x0] =	vst v9;
	v7 =	vld.idx.msk [tilespmem:v10+s15+$0x0], $0xffff  }
0x2ff: {  	s11 =	sadd.s32 $0x15D00, s20;
	[tilespmem:s10+$0x0] =	vst v8;
	v8 =	vld.idx.msk [tilespmem:v11+s15+$0x0], $0xffff  }
0x300: {  	s12 =	sor.u32 s19, s11;
	v5 =	vld.idx.msk [tilespmem:v5+s15+$0x0], $0xffff  }
0x301: {  	v11 =	vld.idx.msk [tilespmem:v0+s15+$0x0], $0xffff;
	[tilespmem:s12+$0x0] =	vst v6;
	v6 =	vadd.s32 $0x4D85, v3  }
0x302: {  	s13 =	sor.u32 s18, s11;
	v10 =	vadd.s32 $0x4D85, v2;
	v9 =	vld.idx.msk [tilespmem:v12+s15+$0x0], $0xffff  }
0x303: {  	s17 =	sor.u32 s3, s11;
	v18 =	vadd.s32 $0xF81, v0;
	[tilespmem:s13+$0x0] =	vst v7;
	v12 =	vld.idx.msk [tilespmem:v13+s15+$0x0], $0xffff  }
0x304: {  	v15 =	vadd.s32 $0x5D06, v4;
	s14 =	sor.u32 s16, s11;
	v19 =	vld.idx.msk [tilespmem:v17+s15+$0x0], $0xffff;
	[tilespmem:s17+$0x0] =	vst v8  }
0x305: {  	s26 =	sadd.s32 $0x16D00, s20;
	v16 =	vld.idx.msk [tilespmem:v14+s15+$0x0], $0xffff;
	v8 =	vadd.s32 $0xF81, v17;
	[tilespmem:s14+$0x0] =	vst v5  }
0x306: {  	s28 =	sor.u32 s19, s26;
	v7 =	vadd.s32 $0xF81, v13;
	[tilespmem:s30+$0x11D00] =	vst v11;
	v6 =	vld.idx.msk [tilespmem:v6+s15+$0x0], $0xffff  }
0x307: {  	v5 =	vadd.s32 $0xF81, v14;
	v10 =	vld.idx.msk [tilespmem:v10+s15+$0x0], $0xffff;
	[tilespmem:s28+$0x0] =	vst v9  }
0x308: {  	v9 =	vadd.s32 $0x4D85, v1;
	[tilespmem:s31+$0x11D00] =	vst v12;
	v12 =	vld.idx.msk [tilespmem:v18+s15+$0x0], $0xffff  }
0x309: {  	[tilespmem:s8+$0x11D00] =	vst v19;
	v11 =	vld.idx.msk [tilespmem:v15+s15+$0x0], $0xffff;
	v15 =	vadd.s32 $0x5D06, v3  }
0x30a: {  	[tilespmem:s7+$0x11D00] =	vst v16;
	v16 =	vadd.s32 $0x1F02, v0;
	v8 =	vld.idx.msk [tilespmem:v8+s15+$0x0], $0xffff  }
0x30b: {  	v4 =	vadd.s32 $0x6C87, v4;
	s29 =	sor.u32 s18, s26;
	v7 =	vld.idx.msk [tilespmem:v7+s15+$0x0], $0xffff  }
0x30c: {  	s8 =	sadd.s32 $0x12D00, s24;
	s30 =	sor.u32 s16, s26;
	v18 =	vadd.s32 $0x1F02, v13;
	v5 =	vld.idx.msk [tilespmem:v5+s15+$0x0], $0xffff;
	[tilespmem:s29+$0x0] =	vst v6  }
0x30d: {  	s11 =	sor.u32 s23, s8;
	s31 =	sadd.s32 $0x17D00, s20;
	v6 =	vadd.s32 $0x1F02, v14;
	[tilespmem:s30+$0x0] =	vst v10;
	v9 =	vld.idx.msk [tilespmem:v9+s15+$0x0], $0xffff  }
0x30e: {  	s10 =	sor.u32 s19, s31;
	v10 =	vadd.s32 $0x1F02, v17;
	[tilespmem:s11+$0x0] =	vst v12;
	v19 =	vld.idx.msk [tilespmem:v15+s15+$0x0], $0xffff  }
0x30f: {  	s12 =	sor.u32 s1, s8;
	[tilespmem:s10+$0x0] =	vst v11;
	v11 =	vadd.s32 $0x5D06, v2;
	v23 =	vld.idx.msk [tilespmem:v16+s15+$0x0], $0xffff  }
0x310: {  	v22 =	vadd.s32 $0x5D06, v1;
	s13 =	sor.u32 s21, s8;
	[tilespmem:s12+$0x0] =	vst v7;
	v4 =	vld.idx.msk [tilespmem:v4+s15+$0x0], $0xffff  }
0x311: {  	s2 =	sor.u32 s22, s8;
	v3 =	vadd.s32 $0x6C87, v3;
	v24 =	vld.idx.msk [tilespmem:v18+s15+$0x0], $0xffff;
	[tilespmem:s13+$0x0] =	vst v5  }
0x312: {  	v26 =	vadd.s32 $0x2E83, v0;
	s14 =	sor.u32 s3, s26;
	[tilespmem:s2+$0x0] =	vst v8;
	v25 =	vld.idx.msk [tilespmem:v6+s15+$0x0], $0xffff  }
0x313: {  	v27 =	vadd.s32 $0x2E83, v13;
	s26 =	sadd.s32 $0x13D00, s24;
	v1 =	vadd.s32 $0x6C87, v1;
	s17 =	sor.u32 s18, s31;
	v21 =	vld.idx.msk [tilespmem:v10+s15+$0x0], $0xffff;
	[tilespmem:s14+$0x0] =	vst v9  }
0x314: {  	s20 =	sadd.s32 $0x18D00, s20;
	v8 =	vadd.s32 $0x4D85, v14;
	s29 =	sor.u32 s23, s26;
	v12 =	vadd.s32 $0x3E04, v13;
	v15 =	vadd.s32 $0x2E83, v14;
	[tilespmem:s17+$0x0] =	vst v19;
	v20 =	vld.idx.msk [tilespmem:v11+s15+$0x0], $0xffff  }
0x315: {  	s28 =	sor.u32 s19, s20;
	v2 =	vadd.s32 $0x6C87, v2;
	v16 =	vadd.s32 $0x2E83, v17;
	v7 =	vadd.s32 $0x4D85, v13;
	v18 =	vld.idx.msk [tilespmem:v22+s15+$0x0], $0xffff;
	[tilespmem:s29+$0x0] =	vst v23  }
0x316: {  	s19 =	sor.u32 s16, s31;
	s16 =	sor.u32 s16, s20;
	s30 =	sor.u32 s1, s26;
	v5 =	vadd.s32 $0x5D06, v17;
	v10 =	vadd.s32 $0x3E04, v17;
	v6 =	vadd.s32 $0x4D85, v17;
	[tilespmem:s28+$0x0] =	vst v4;
	v19 =	vld.idx.msk [tilespmem:v3+s15+$0x0], $0xffff  }
0x317: {  	s2 =	sor.u32 s22, s26;
	s11 =	sor.u32 s3, s31;
	s31 =	sor.u32 s21, s26;
	v9 =	vadd.s32 $0x5D06, v14;
	v11 =	vadd.s32 $0x3E04, v14;
	v14 =	vadd.s32 $0x6C87, v14;
	[tilespmem:s30+$0x0] =	vst v24;
	v22 =	vld.idx.msk [tilespmem:v26+s15+$0x0], $0xffff  }
0x318: {  	s10 =	sor.u32 s3, s20;
	s3 =	simm.s32 $0x0;
	s17 =	sor.u32 s18, s20;
	v4 =	vadd.s32 $0x5D06, v13;
	v3 =	vadd.s32 $0x6C87, v13;
	v13 =	vadd.s32 $0x6C87, v17;
	v17 =	vld.idx.msk [tilespmem:v27+s15+$0x0], $0xffff;
	[tilespmem:s31+$0x0] =	vst v25  }
.LBB2_25:
0x319: {  	s25 =	sadd.s32 $0x40, s25;
	[tilespmem:s2+$0x0] =	vst v21;
	v15 =	vld.idx.msk [tilespmem:v15+s15+$0x0], $0xffff;
	v21 =	vadd.s32 $0x3E04, v0  }
0x31a: {  	s0 =	sadd.s32 $0x100, s0;
	s6 =	sand.u32 $0x40, s25;
	p0 =	slt.u32 s25, $0x3C0;
	v16 =	vld.idx.msk [tilespmem:v16+s15+$0x0], $0xffff;
	[tilespmem:s19+$0x0] =	vst v20  }
0x31b: {  	s5 =	sadd.s32 $0x14D00, s24;
	s7 =	sand.u32 $0xE00, s0;
	s8 =	sor.u32 $0x30, s6;
	[tilespmem:s11+$0x0] =	vst v18;
	v18 =	vld.idx.msk [tilespmem:v2+s3+$0x0], $0xffff;
	v2 =	vmov v14  }
0x31c: {  	s13 =	sor.u32 s23, s5;
	s12 =	sor.u32 $0x10, s6;
	s11 =	sor.u32 s8, s7;
	v14 =	vld.idx.msk [tilespmem:v1+s3+$0x0], $0xffff;
	[tilespmem:s17+$0x0] =	vst v19;
	v1 =	vmov v13  }
0x31d: {  	s2 =	sor.u32 s6, s7;
	s9 =	sor.u32 $0x20, s6;
	s17 =	sor.u32 s12, s7;
	v19 =	vld [tilespmem:s11+$0x8D00];
	[tilespmem:s13+$0x0] =	vst v22  }
0x31e: {  	s18 =	sor.u32 s9, s7;
	s3 =	sor.u32 s1, s5;
	s13 =	sor.u32 s21, s5;
	v13 =	vld.idx.msk [tilespmem:v21+s15+$0x0], $0xffff  }
0x31f: {  	s5 =	sor.u32 s22, s5;
	v20 =	vld [tilespmem:s17+$0x8D00];
	[tilespmem:s3+$0x0] =	vst v17;
	s3 =	smov.u32 s15  }
0x320: {  	v22 =	vadd.s32 $0x4D85, v0;
	v21 =	vld [tilespmem:s18+$0x8D00];
	[tilespmem:s13+$0x0] =	vst v15  }
0x321: {  	v23 =	vld [tilespmem:s2+$0x8D00];
	[tilespmem:s5+$0x0] =	vst v16  }
0x322: {  	s5 =	sadd.s32 $0x15D00, s24;
	v24 =	vld.idx.msk [tilespmem:v12+s3+$0x0], $0xffff;
	[tilespmem:s16+$0x0] =	vst v18  }
0x323: {  	s13 =	sor.u32 s1, s5;
	s14 =	sor.u32 s21, s5;
	s16 =	sor.u32 s23, s5;
	v18 =	vld.idx.msk [tilespmem:v11+s3+$0x0], $0xffff;
	[tilespmem:s10+$0x0] =	vst v14  }
0x324: {  	s5 =	sor.u32 s22, s5;
	v25 =	vadd.s32 $0xF81, v20;
	v26 =	vadd.s32 $0x1F02, v20;
	v17 =	vadd.s32 $0x2E83, v20;
	v14 =	vld.idx.msk [tilespmem:v10+s3+$0x0], $0xffff;
	[tilespmem:s16+$0x0] =	vst v13  }
0x325: {  	v27 =	vadd.s32 $0xF81, v21;
	v28 =	vadd.s32 $0x1F02, v21;
	v15 =	vadd.s32 $0x2E83, v21;
	v22 =	vld.idx.msk [tilespmem:v22+s3+$0x0], $0xffff  }
0x326: {  	v29 =	vadd.s32 $0xF81, v23;
	v30 =	vadd.s32 $0x1F02, v23;
	v16 =	vadd.s32 $0x2E83, v23;
	v31 =	vld.idx.msk [tilespmem:v19+s15+$0x0], $0xffff  }
0x327: {  	v33 =	vadd.s32 $0x5D06, v0;
	v12 =	vadd.s32 $0x3E04, v20;
	v11 =	vadd.s32 $0x3E04, v21;
	v32 =	vld.idx.msk [tilespmem:v20+s15+$0x0], $0xffff  }
0x328: {  	v35 =	vadd.s32 $0xF81, v19;
	v13 =	vadd.s32 $0x4D85, v20;
	v10 =	vadd.s32 $0x3E04, v23;
	v34 =	vld.idx.msk [tilespmem:v21+s15+$0x0], $0xffff;
	[tilespmem:s13+$0x0] =	vst v24  }
0x329: {  	s10 =	sadd.s32 $0x16D00, s24;
	v37 =	vadd.s32 $0x5D06, v20;
	v38 =	vadd.s32 $0x4D85, v21;
	v36 =	vadd.s32 $0x4D85, v23;
	v24 =	vld.idx.msk [tilespmem:v23+s15+$0x0], $0xffff;
	[tilespmem:s14+$0x0] =	vst v18  }
0x32a: {  	v40 =	vadd.s32 $0x6C87, v20;
	v41 =	vadd.s32 $0x5D06, v21;
	v39 =	vadd.s32 $0x5D06, v23;
	s13 =	sor.u32 s21, s10;
	s14 =	sor.u32 s23, s10;
	[tilespmem:s5+$0x0] =	vst v14;
	v18 =	vld.idx.msk [tilespmem:v7+s3+$0x0], $0xffff;
	s5 =	sor.u32 s1, s10;
	v7 =	vmovc v13  }
0x32b: {  	v13 =	vadd.s32 $0x6C87, v23;
	v14 =	vadd.s32 $0x6C87, v21;
	s10 =	sor.u32 s22, s10;
	v20 =	vld.idx.msk [tilespmem:v8+s3+$0x0], $0xffff;
	[tilespmem:s14+$0x0] =	vst v22;
	v8 =	vmov v38  }
0x32c: {  	[tilespmem:s11+$0x11D00] =	vst v31;
	v21 =	vld.idx.msk [tilespmem:v33+s3+$0x0], $0xffff  }
0x32d: {  	[tilespmem:s17+$0x11D00] =	vst v32;
	v22 =	vld.idx.msk [tilespmem:v35+s15+$0x0], $0xffff  }
0x32e: {  	v23 =	vld.idx.msk [tilespmem:v25+s15+$0x0], $0xffff;
	[tilespmem:s18+$0x11D00] =	vst v34;
	v25 =	vadd.s32 $0x6C87, v0;
	v0 =	vmov v19  }
0x32f: {  	[tilespmem:s2+$0x11D00] =	vst v24;
	v19 =	vld.idx.msk [tilespmem:v27+s15+$0x0], $0xffff;
	v24 =	vadd.s32 $0x1F02, v0  }
0x330: {  	s2 =	sadd.s32 $0x17D00, s24;
	v27 =	vld.idx.msk [tilespmem:v29+s15+$0x0], $0xffff;
	[tilespmem:s5+$0x0] =	vst v18  }
0x331: {  	s5 =	sadd.s32 $0x12D00, s7;
	s14 =	sor.u32 s1, s2;
	s11 =	sor.u32 s23, s2;
	v18 =	vld.idx.msk [tilespmem:v6+s3+$0x0], $0xffff;
	[tilespmem:s13+$0x0] =	vst v20;
	v6 =	vmov v36  }
0x332: {  	s13 =	sor.u32 s12, s5;
	s16 =	sor.u32 s9, s5;
	s17 =	sor.u32 s8, s5;
	v20 =	vld.idx.msk [tilespmem:v4+s3+$0x0], $0xffff;
	[tilespmem:s11+$0x0] =	vst v21;
	v4 =	vmov v37  }
0x333: {  	s19 =	sor.u32 s21, s2;
	s5 =	sor.u32 s6, s5;
	s11 =	sor.u32 s22, s2;
	[tilespmem:s17+$0x0] =	vst v22;
	v22 =	vld.idx.msk [tilespmem:v25+s3+$0x0], $0xffff  }
0x334: {  	[tilespmem:s13+$0x0] =	vst v23;
	v23 =	vld.idx.msk [tilespmem:v24+s15+$0x0], $0xffff  }
0x335: {  	v24 =	vld.idx.msk [tilespmem:v26+s15+$0x0], $0xffff;
	[tilespmem:s16+$0x0] =	vst v19  }
0x336: {  	v26 =	vadd.s32 $0x2E83, v0;
	[tilespmem:s5+$0x0] =	vst v27;
	v25 =	vld.idx.msk [tilespmem:v28+s15+$0x0], $0xffff  }
0x337: {  	s2 =	sadd.s32 $0x13D00, s7;
	s5 =	sadd.s32 $0x18D00, s24;
	v21 =	vld.idx.msk [tilespmem:v30+s15+$0x0], $0xffff;
	[tilespmem:s10+$0x0] =	vst v18  }
.Ltmp14:
0x338: {  	s17 =	sor.u32 s1, s5;
	s1 =	sor.u32 s23, s5;
	[tilespmem:s14+$0x0] =	vst v20;
	v20 =	vld.idx.msk [tilespmem:v9+s3+$0x0], $0xffff;
	(pc) =	sbr.rel @p0 .LBB2_25-.Ltmp14, $4  }
0x339: {  	s13 =	sor.u32 s12, s2;
	s10 =	sor.u32 s8, s2;
	s14 =	sor.u32 s9, s2;
	v9 =	vmov v41;
	v18 =	vld.idx.msk [tilespmem:v5+s3+$0x0], $0xffff;
	[tilespmem:s1+$0x0] =	vst v22;
	v5 =	vmov v39  }
0x33a: {  	s16 =	sor.u32 s21, s5;
	s2 =	sor.u32 s6, s2;
	[tilespmem:s10+$0x0] =	vst v23;
	s10 =	sor.u32 s22, s5;
	v19 =	vld.idx.msk [tilespmem:v3+s3+$0x0], $0xffff;
	v3 =	vmov v40  }
0x33b: {  	s24 =	smov.u32 s7;
	s23 =	smov.u32 s8;
	s22 =	smov.u32 s6;
	[tilespmem:s13+$0x0] =	vst v24;
	v22 =	vld.idx.msk [tilespmem:v26+s15+$0x0], $0xffff  }
0x33c: {  	s21 =	smov.u32 s9;
	s1 =	smov.u32 s12;
	v17 =	vld.idx.msk [tilespmem:v17+s15+$0x0], $0xffff;
	[tilespmem:s14+$0x0] =	vst v25  }
0x33d: {  	_ =	sdelay $0x2  }
0x33e: {  	v23 =	vadd.s32 $0x3E04, v0  }
0x33f: {  	[tilespmem:s2+$0x0] =	vst v21;
	v15 =	vld.idx.msk [tilespmem:v15+s15+$0x0], $0xffff  }
0x340: {  	s0 =	sadd.s32 $0x14D00, s24;
	v16 =	vld.idx.msk [tilespmem:v16+s15+$0x0], $0xffff  }
0x341: {  	s9 =	sor.u32 s23, s0  }
0x342: {  	s12 =	sor.u32 s1, s0;
	[tilespmem:s9+$0x0] =	vst v22  }
0x343: {  	s13 =	sor.u32 s21, s0;
	[tilespmem:s12+$0x0] =	vst v17;
	v17 =	vld.idx.msk [tilespmem:v23+s15+$0x0], $0xffff  }
0x344: {  	s0 =	sor.u32 s22, s0;
	[tilespmem:s13+$0x0] =	vst v15;
	v15 =	vadd.s32 $0x4D85, v0;
	v12 =	vld.idx.msk [tilespmem:v12+s15+$0x0], $0xffff  }
0x345: {  	[tilespmem:s0+$0x0] =	vst v16;
	v11 =	vld.idx.msk [tilespmem:v11+s15+$0x0], $0xffff  }
0x346: {  	s14 =	sadd.s32 $0x15D00, s24;
	v10 =	vld.idx.msk [tilespmem:v10+s15+$0x0], $0xffff  }
0x347: {  	s18 =	sor.u32 s23, s14  }
0x348: {  	s20 =	sor.u32 s1, s14;
	[tilespmem:s18+$0x0] =	vst v17  }
0x349: {  	s25 =	sor.u32 s21, s14;
	[tilespmem:s20+$0x0] =	vst v12;
	v12 =	vld.idx.msk [tilespmem:v15+s15+$0x0], $0xffff  }
0x34a: {  	s0 =	sor.u32 s22, s14;
	v15 =	vadd.s32 $0x5D06, v0;
	[tilespmem:s25+$0x0] =	vst v11;
	v7 =	vld.idx.msk [tilespmem:v7+s15+$0x0], $0xffff  }
0x34b: {  	[tilespmem:s0+$0x0] =	vst v10;
	v8 =	vld.idx.msk [tilespmem:v8+s15+$0x0], $0xffff  }
0x34c: {  	s26 =	sadd.s32 $0x16D00, s24;
	v6 =	vld.idx.msk [tilespmem:v6+s15+$0x0], $0xffff  }
0x34d: {  	[tilespmem:s19+$0x0] =	vst v20;
	s28 =	sor.u32 s23, s26  }
0x34e: {  	s5 =	sor.u32 s1, s26;
	[tilespmem:s28+$0x0] =	vst v12  }
0x34f: {  	s29 =	sor.u32 s21, s26;
	[tilespmem:s5+$0x0] =	vst v7;
	v10 =	vld.idx.msk [tilespmem:v15+s15+$0x0], $0xffff  }
0x350: {  	v0 =	vadd.s32 $0x6C87, v0;
	s0 =	sor.u32 s22, s26;
	[tilespmem:s29+$0x0] =	vst v8;
	v4 =	vld.idx.msk [tilespmem:v4+s15+$0x0], $0xffff  }
0x351: {  	[tilespmem:s0+$0x0] =	vst v6;
	v6 =	vld.idx.msk [tilespmem:v9+s15+$0x0], $0xffff  }
0x352: {  	s30 =	sadd.s32 $0x17D00, s24;
	[tilespmem:s11+$0x0] =	vst v18;
	v5 =	vld.idx.msk [tilespmem:v5+s15+$0x0], $0xffff  }
0x353: {  	v2 =	vld.idx.msk [tilespmem:v2+s3+$0x0], $0xffff;
	s31 =	sor.u32 s23, s30;
	[tilespmem:s17+$0x0] =	vst v19  }
0x354: {  	v1 =	vld.idx.msk [tilespmem:v1+s3+$0x0], $0xffff;
	s5 =	sor.u32 s1, s30;
	[tilespmem:s31+$0x0] =	vst v10  }
0x355: {  	s6 =	sor.u32 s21, s30;
	[tilespmem:s5+$0x0] =	vst v4;
	v0 =	vld.idx.msk [tilespmem:v0+s15+$0x0], $0xffff  }
0x356: {  	s0 =	sor.u32 s22, s30;
	v3 =	vld.idx.msk [tilespmem:v3+s15+$0x0], $0xffff;
	[tilespmem:s6+$0x0] =	vst v6  }
0x357: {  	[tilespmem:s0+$0x0] =	vst v5;
	v4 =	vld.idx.msk [tilespmem:v14+s15+$0x0], $0xffff  }
0x358: {  	s7 =	sadd.s32 $0x18D00, s24;
	p0 =	por $0x0, $0x0;
	s2 =	simm.s32 $0x1;
	[tilespmem:s16+$0x0] =	vst v2;
	v2 =	vld.idx.msk [tilespmem:v13+s15+$0x0], $0xffff  }
0x359: {  	s8 =	sor.u32 s23, s7;
	s2 =	simm.s32 @!p0 $0x0;
	[tilespmem:s10+$0x0] =	vst v1  }
0x35a: {  	s2 =	sshll.u32 s2, $0x6;
	s9 =	sor.u32 s1, s7;
	[tilespmem:s8+$0x0] =	vst v0  }
0x35b: {  	s10 =	sor.u32 s21, s7;
	s21 =	sadd.s32 $0x0, s2;
	[tilespmem:s9+$0x0] =	vst v3  }
0x35c: {  	s0 =	sor.u32 s22, s7;
	s22 =	sadd.s32 $0x30, s21;
	[tilespmem:s10+$0x0] =	vst v4  }
0x35d: {  	s23 =	sadd.s32 $0x10, s21;
	s11 =	sor.u32 $0x100, s22;
	[tilespmem:s0+$0x0] =	vst v2  }
0x35e: {  	s12 =	sor.u32 $0x100, s23;
	v16 =	vld [tilespmem:s11+$0x8C80]  }
0x35f: {  	v0 =	vld [tilespmem:s12+$0x8C80]  }
0x360: {  	s24 =	sadd.s32 $0x20, s21  }
0x361: {  	s13 =	sor.u32 $0x100, s24  }
0x362: {  	s14 =	sor.u32 $0x100, s21;
	v1 =	vld [tilespmem:s13+$0x8C80]  }
0x363: {  	v3 =	vld [tilespmem:s14+$0x8C80];
	_ =	sdelay $0x2  }
0x364: {  	v2 =	vld.idx.msk [tilespmem:v16+s15+$0x0], $0xffff  }
0x365: {  	v5 =	vadd.s32 $0xF81, v16;
	v4 =	vld.idx.msk [tilespmem:v0+s15+$0x0], $0xffff  }
0x366: {  	v6 =	vadd.s32 $0xF81, v0;
	_ =	sdelay $0x1  }
0x367: {  	v7 =	vld.idx.msk [tilespmem:v1+s15+$0x0], $0xffff  }
0x368: {  	v8 =	vadd.s32 $0xF81, v1;
	v9 =	vld.idx.msk [tilespmem:v3+s15+$0x0], $0xffff;
	[tilespmem:s11+$0x11C80] =	vst v2  }
0x369: {  	v2 =	vadd.s32 $0xF81, v3;
	[tilespmem:s12+$0x11C80] =	vst v4;
	v4 =	vld.idx.msk [tilespmem:v5+s15+$0x0], $0xffff  }
0x36a: {  	s16 =	simm.s32 $0x0;
	v5 =	vld.idx.msk [tilespmem:v6+s15+$0x0], $0xffff;
	v6 =	vadd.s32 $0x1F02, v16  }
0x36b: {  	s3 =	sand.u32 $0x40, s16;
	s20 =	sand.u32 $0xE00, s15;
	v10 =	vadd.s32 $0x1F02, v0  }
0x36c: {  	s19 =	sor.u32 $0x30, s3;
	s17 =	sadd.s32 $0x12D80, s20;
	[tilespmem:s13+$0x11C80] =	vst v7  }
0x36d: {  	s18 =	sor.u32 $0x10, s3;
	s25 =	sor.u32 s19, s17;
	[tilespmem:s14+$0x11C80] =	vst v9;
	v9 =	vld.idx.msk [tilespmem:v8+s15+$0x0], $0xffff  }
0x36e: {  	s26 =	sor.u32 s18, s17;
	v11 =	vadd.s32 $0x1F02, v1;
	v12 =	vld.idx.msk [tilespmem:v2+s15+$0x0], $0xffff;
	[tilespmem:s25+$0x0] =	vst v4  }
0x36f: {  	v18 =	vadd.s32 $0x1F02, v3;
	[tilespmem:s26+$0x0] =	vst v5;
	v19 =	vld.idx.msk [tilespmem:v6+s15+$0x0], $0xffff  }
0x370: {  	p2 =	por $0x1, $0x1;
	s16 =	sor.u32 $0x20, s3;
	v22 =	vadd.s32 $0x2E83, v16;
	v20 =	vld.idx.msk [tilespmem:v10+s15+$0x0], $0xffff  }
.Ltmp15:
0x371: {  	s28 =	sor.u32 s16, s17;
	v21 =	vadd.s32 $0x4D85, v0;
	v13 =	vadd.s32 $0x4D85, v3;
	v15 =	vadd.s32 $0x4D85, v1;
	(pc) =	sbr.rel @!p2 .LBB2_27-.Ltmp15, $4  }
0x372: {  	s29 =	sadd.s32 $0x13D80, s20;
	s0 =	sor.u32 s3, s17;
	v14 =	vadd.s32 $0x6C87, v0;
	v7 =	vadd.s32 $0x2E83, v1;
	v8 =	vadd.s32 $0x2E83, v0;
	[tilespmem:s28+$0x0] =	vst v9  }
0x373: {  	s30 =	sor.u32 s19, s29;
	v2 =	vadd.s32 $0x3E04, v3;
	v5 =	vadd.s32 $0x3E04, v0;
	v4 =	vadd.s32 $0x3E04, v1;
	v17 =	vld.idx.msk [tilespmem:v11+s15+$0x0], $0xffff;
	[tilespmem:s0+$0x0] =	vst v12  }
0x374: {  	s31 =	sor.u32 s18, s29;
	v9 =	vadd.s32 $0x5D06, v1;
	v1 =	vadd.s32 $0x6C87, v1;
	v6 =	vadd.s32 $0x2E83, v3;
	v18 =	vld.idx.msk [tilespmem:v18+s15+$0x0], $0xffff;
	[tilespmem:s30+$0x0] =	vst v19  }
0x375: {  	p1 =	por !p0, !p0;
	s2 =	sor.u32 s3, s29;
	s9 =	sor.u32 s16, s29;
	v10 =	vadd.s32 $0x5D06, v0;
	v0 =	vadd.s32 $0x6C87, v3;
	v12 =	vadd.s32 $0x5D06, v3;
	[tilespmem:s31+$0x0] =	vst v20;
	v24 =	vld.idx.msk [tilespmem:v22+s15+$0x0], $0xffff  }
0x376: {  	_ =	sdelay $0x1  }
0x377: {  	v11 =	vadd.s32 $0x3E04, v16  }
0x378: {  	s0 =	simm.s32 $0x1  }
0x379: {  	v8 =	vld.idx.msk [tilespmem:v8+s15+$0x0], $0xffff;
	s10 =	sadd.s32 $0x14D80, s20;
	s0 =	simm.s32 @!p1 $0x0;
	[tilespmem:s9+$0x0] =	vst v17  }
0x37a: {  	s5 =	sor.u32 s19, s10;
	s0 =	sshll.u32 s0, $0x6;
	[tilespmem:s2+$0x0] =	vst v18;
	v7 =	vld.idx.msk [tilespmem:v7+s15+$0x0], $0xffff  }
0x37b: {  	s0 =	sadd.s32 $0x100, s0;
	v6 =	vld.idx.msk [tilespmem:v6+s15+$0x0], $0xffff;
	[tilespmem:s5+$0x0] =	vst v24  }
0x37c: {  	s1 =	sadd.s32 $0x30, s0;
	s8 =	sor.u32 $0x100, s0;
	v11 =	vld.idx.msk [tilespmem:v11+s15+$0x0], $0xffff  }
0x37d: {  	s6 =	sadd.s32 $0x10, s0;
	s1 =	sor.u32 $0x100, s1;
	v24 =	vld [tilespmem:s8+$0x8C80]  }
0x37e: {  	s11 =	sadd.s32 $0x20, s0;
	s6 =	sor.u32 $0x100, s6;
	v3 =	vld [tilespmem:s1+$0x8C80]  }
0x37f: {  	s12 =	sor.u32 s18, s10;
	v17 =	vadd.s32 $0x4D85, v16;
	s5 =	sor.u32 $0x100, s11;
	v22 =	vld [tilespmem:s6+$0x8C80]  }
0x380: {  	s7 =	sor.u32 s16, s10;
	[tilespmem:s12+$0x0] =	vst v8;
	v23 =	vld [tilespmem:s5+$0x8C80]  }
0x381: {  	s14 =	sadd.s32 $0x15D80, s20;
	s13 =	sor.u32 s3, s10;
	v5 =	vld.idx.msk [tilespmem:v5+s15+$0x0], $0xffff;
	[tilespmem:s7+$0x0] =	vst v7  }
0x382: {  	s17 =	sor.u32 s19, s14;
	[tilespmem:s13+$0x0] =	vst v6;
	v4 =	vld.idx.msk [tilespmem:v4+s15+$0x0], $0xffff  }
0x383: {  	v2 =	vld.idx.msk [tilespmem:v2+s15+$0x0], $0xffff;
	[tilespmem:s17+$0x0] =	vst v11  }
0x384: {  	v6 =	vld.idx.msk [tilespmem:v17+s15+$0x0], $0xffff  }
0x385: {  	v19 =	vld.idx.msk [tilespmem:v24+s15+$0x0], $0xffff  }
0x386: {  	s25 =	sor.u32 s18, s14;
	v7 =	vld.idx.msk [tilespmem:v3+s15+$0x0], $0xffff  }
0x387: {  	s26 =	sor.u32 s16, s14;
	v11 =	vadd.s32 $0x5D06, v16;
	[tilespmem:s25+$0x0] =	vst v5;
	v8 =	vld.idx.msk [tilespmem:v22+s15+$0x0], $0xffff  }
0x388: {  	s9 =	sadd.s32 $0x16D80, s20;
	s2 =	sor.u32 s3, s14;
	v20 =	vadd.s32 $0xF81, v24;
	v17 =	vld.idx.msk [tilespmem:v23+s15+$0x0], $0xffff;
	[tilespmem:s26+$0x0] =	vst v4  }
0x389: {  	s12 =	sor.u32 s19, s9;
	v18 =	vadd.s32 $0xF81, v3;
	[tilespmem:s2+$0x0] =	vst v2;
	v2 =	vld.idx.msk [tilespmem:v21+s15+$0x0], $0xffff  }
0x38a: {  	v5 =	vadd.s32 $0xF81, v22;
	v15 =	vld.idx.msk [tilespmem:v15+s15+$0x0], $0xffff;
	[tilespmem:s12+$0x0] =	vst v6  }
0x38b: {  	v4 =	vadd.s32 $0xF81, v23;
	v13 =	vld.idx.msk [tilespmem:v13+s15+$0x0], $0xffff;
	[tilespmem:s8+$0x11C80] =	vst v19  }
0x38c: {  	v6 =	vld.idx.msk [tilespmem:v11+s15+$0x0], $0xffff;
	[tilespmem:s1+$0x11C80] =	vst v7  }
0x38d: {  	[tilespmem:s5+$0x11C80] =	vst v17;
	v17 =	vld.idx.msk [tilespmem:v20+s15+$0x0], $0xffff  }
0x38e: {  	s14 =	sor.u32 s16, s9;
	s13 =	sor.u32 s18, s9;
	[tilespmem:s6+$0x11C80] =	vst v8;
	v8 =	vadd.s32 $0x6C87, v16;
	v7 =	vld.idx.msk [tilespmem:v18+s15+$0x0], $0xffff  }
0x38f: {  	s0 =	simm.s32 $0x100;
	s7 =	simm.s32 $0x40;
	s17 =	sadd.s32 $0x17D80, s20;
	v11 =	vadd.s32 $0x1F02, v3;
	v5 =	vld.idx.msk [tilespmem:v5+s15+$0x0], $0xffff;
	[tilespmem:s13+$0x0] =	vst v2  }
0x390: {  	s25 =	sand.u32 $0xE00, s0;
	s2 =	sor.u32 s3, s9;
	v16 =	vadd.s32 $0x1F02, v22;
	s1 =	sand.u32 $0x40, s7;
	v4 =	vld.idx.msk [tilespmem:v4+s15+$0x0], $0xffff;
	[tilespmem:s14+$0x0] =	vst v15  }
0x391: {  	s26 =	sadd.s32 $0x12D80, s25;
	s8 =	sor.u32 s19, s17;
	s29 =	sor.u32 $0x30, s1;
	v10 =	vld.idx.msk [tilespmem:v10+s15+$0x0], $0xffff;
	[tilespmem:s2+$0x0] =	vst v13  }
0x392: {  	v2 =	vadd.s32 $0x1F02, v23;
	s30 =	sor.u32 $0x10, s1;
	s10 =	sor.u32 s29, s26;
	v19 =	vld.idx.msk [tilespmem:v9+s15+$0x0], $0xffff;
	[tilespmem:s8+$0x0] =	vst v6  }
0x393: {  	v15 =	vadd.s32 $0x1F02, v24;
	s11 =	sor.u32 s30, s26;
	v21 =	vld.idx.msk [tilespmem:v8+s15+$0x0], $0xffff;
	[tilespmem:s10+$0x0] =	vst v7  }
0x394: {  	s31 =	sor.u32 $0x20, s1;
	s5 =	sor.u32 s1, s26;
	[tilespmem:s11+$0x0] =	vst v5;
	v25 =	vld.idx.msk [tilespmem:v11+s15+$0x0], $0xffff  }
0x395: {  	p5 =	por $0x1, $0x1;
	v26 =	vadd.s32 $0x2E83, v3;
	s13 =	sor.u32 s18, s17;
	s12 =	sor.u32 s31, s26;
	[tilespmem:s5+$0x0] =	vst v17;
	v16 =	vld.idx.msk [tilespmem:v16+s15+$0x0], $0xffff  }
.Ltmp16:
0x396: {  	s14 =	sadd.s32 $0x13D80, s25;
	v13 =	vadd.s32 $0x4D85, v22;
	v9 =	vadd.s32 $0x5D06, v22;
	v6 =	vadd.s32 $0x2E83, v24;
	v20 =	vld.idx.msk [tilespmem:v12+s15+$0x0], $0xffff;
	[tilespmem:s12+$0x0] =	vst v4;
	s11 =	sadd.s32 $0x18D80, s20;
	(pc) =	sbr.rel @!p5 .LBB2_29-.Ltmp16, $4  }
0x397: {  	s8 =	sor.u32 s3, s17;
	v12 =	vadd.s32 $0x5D06, v24;
	v8 =	vadd.s32 $0x2E83, v22;
	v7 =	vadd.s32 $0x2E83, v23;
	s10 =	sor.u32 s16, s17;
	v17 =	vld.idx.msk [tilespmem:v2+s15+$0x0], $0xffff;
	[tilespmem:s13+$0x0] =	vst v10;
	s17 =	sor.u32 s19, s11  }
0x398: {  	p4 =	por !p1, !p1;
	p3 =	por $0x1, $0x1;
	s26 =	sor.u32 s29, s14;
	v18 =	vld.idx.msk [tilespmem:v15+s15+$0x0], $0xffff;
	v5 =	vadd.s32 $0x3E04, v22;
	v4 =	vadd.s32 $0x3E04, v23;
	v15 =	vadd.s32 $0x4D85, v23;
	[tilespmem:s17+$0x0] =	vst v21  }
0x399: {  	s9 =	sor.u32 s31, s14;
	s2 =	sor.u32 s1, s14;
	s12 =	sor.u32 s30, s14;
	v2 =	vadd.s32 $0x3E04, v24;
	v10 =	vadd.s32 $0x4D85, v24;
	v11 =	vadd.s32 $0x6C87, v22;
	v22 =	vld.idx.msk [tilespmem:v14+s15+$0x0], $0xffff;
	[tilespmem:s26+$0x0] =	vst v25  }
0x39a: {  	s28 =	sor.u32 s18, s11;
	s6 =	sor.u32 s3, s11;
	s11 =	sor.u32 s16, s11;
	v14 =	vadd.s32 $0x5D06, v23;
	v23 =	vadd.s32 $0x6C87, v23;
	v21 =	vadd.s32 $0x6C87, v24;
	[tilespmem:s12+$0x0] =	vst v16;
	v24 =	vld.idx.msk [tilespmem:v26+s15+$0x0], $0xffff  }
.LBB2_30:
0x39b: {  	s5 =	simm.s32 $0x1  }
0x39c: {  	v8 =	vld.idx.msk [tilespmem:v8+s15+$0x0], $0xffff;
	[tilespmem:s9+$0x0] =	vst v17;
	s9 =	smov.u32 s30;
	s12 =	smov.u32 s31;
	s5 =	simm.s32 @!p4 $0x0  }
0x39d: {  	v16 =	vadd.s32 $0x3E04, v3;
	s0 =	sadd.s32 $0x100, s0;
	s5 =	sshll.u32 s5, $0x6;
	[tilespmem:s2+$0x0] =	vst v18;
	v7 =	vld.idx.msk [tilespmem:v7+s15+$0x0], $0xffff  }
0x39e: {  	s2 =	sadd.s32 s5, s0;
	v6 =	vld.idx.msk [tilespmem:v6+s15+$0x0], $0xffff;
	[tilespmem:s10+$0x0] =	vst v19  }
0x39f: {  	s14 =	sadd.s32 $0x14D80, s25;
	s5 =	sadd.s32 $0x10, s2;
	s10 =	sadd.s32 $0x30, s2;
	[tilespmem:s8+$0x0] =	vst v20;
	v17 =	vld.idx.msk [tilespmem:v1+s15+$0x0], $0xffff;
	v1 =	vmov v23  }
0x3a0: {  	s26 =	sor.u32 s29, s14;
	s17 =	sadd.s32 $0x20, s2;
	s8 =	sor.u32 $0x100, s10;
	v18 =	vld.idx.msk [tilespmem:v0+s15+$0x0], $0xffff;
	[tilespmem:s28+$0x0] =	vst v22;
	v0 =	vmov v21  }
0x3a1: {  	s2 =	sor.u32 $0x100, s2;
	s13 =	sor.u32 $0x100, s5;
	s10 =	sor.u32 $0x100, s17;
	v19 =	vld [tilespmem:s8+$0x8C80];
	[tilespmem:s26+$0x0] =	vst v24  }
0x3a2: {  	s5 =	sor.u32 s1, s14;
	s17 =	sor.u32 s9, s14;
	s14 =	sor.u32 s12, s14;
	v16 =	vld.idx.msk [tilespmem:v16+s15+$0x0], $0xffff  }
0x3a3: {  	v20 =	vld [tilespmem:s13+$0x8C80];
	[tilespmem:s17+$0x0] =	vst v8  }
0x3a4: {  	v21 =	vadd.s32 $0x4D85, v3;
	v22 =	vld [tilespmem:s10+$0x8C80];
	[tilespmem:s14+$0x0] =	vst v7  }
0x3a5: {  	v23 =	vld [tilespmem:s2+$0x8C80];
	[tilespmem:s5+$0x0] =	vst v6  }
0x3a6: {  	s5 =	sadd.s32 $0x15D80, s25;
	v24 =	vld.idx.msk [tilespmem:v5+s15+$0x0], $0xffff;
	[tilespmem:s11+$0x0] =	vst v17  }
0x3a7: {  	s11 =	sor.u32 s9, s5;
	s14 =	sor.u32 s12, s5;
	s17 =	sor.u32 s29, s5;
	v17 =	vld.idx.msk [tilespmem:v4+s15+$0x0], $0xffff;
	[tilespmem:s6+$0x0] =	vst v18  }
0x3a8: {  	s5 =	sor.u32 s1, s5;
	v18 =	vadd.s32 $0xF81, v20;
	v25 =	vadd.s32 $0x1F02, v20;
	v8 =	vadd.s32 $0x2E83, v20;
	v26 =	vld.idx.msk [tilespmem:v2+s15+$0x0], $0xffff;
	[tilespmem:s17+$0x0] =	vst v16  }
0x3a9: {  	v16 =	vadd.s32 $0xF81, v22;
	v27 =	vadd.s32 $0x1F02, v22;
	v7 =	vadd.s32 $0x2E83, v22;
	v28 =	vld.idx.msk [tilespmem:v21+s15+$0x0], $0xffff  }
0x3aa: {  	v29 =	vadd.s32 $0xF81, v23;
	v30 =	vadd.s32 $0x1F02, v23;
	v6 =	vadd.s32 $0x2E83, v23;
	v31 =	vld.idx.msk [tilespmem:v19+s15+$0x0], $0xffff  }
0x3ab: {  	v33 =	vadd.s32 $0x5D06, v3;
	v5 =	vadd.s32 $0x3E04, v20;
	v4 =	vadd.s32 $0x3E04, v22;
	v32 =	vld.idx.msk [tilespmem:v20+s15+$0x0], $0xffff  }
0x3ac: {  	v35 =	vadd.s32 $0xF81, v19;
	v21 =	vadd.s32 $0x4D85, v20;
	v2 =	vadd.s32 $0x3E04, v23;
	v34 =	vld.idx.msk [tilespmem:v22+s15+$0x0], $0xffff;
	[tilespmem:s11+$0x0] =	vst v24  }
0x3ad: {  	s6 =	sadd.s32 $0x16D80, s25;
	v37 =	vadd.s32 $0x5D06, v20;
	v38 =	vadd.s32 $0x4D85, v22;
	v36 =	vadd.s32 $0x4D85, v23;
	v24 =	vld.idx.msk [tilespmem:v23+s15+$0x0], $0xffff;
	[tilespmem:s14+$0x0] =	vst v17  }
0x3ae: {  	v40 =	vadd.s32 $0x6C87, v20;
	v39 =	vadd.s32 $0x5D06, v23;
	v20 =	vadd.s32 $0x5D06, v22;
	s11 =	sor.u32 s12, s6;
	s14 =	sor.u32 s29, s6;
	[tilespmem:s5+$0x0] =	vst v26;
	v17 =	vld.idx.msk [tilespmem:v13+s15+$0x0], $0xffff;
	s5 =	sor.u32 s9, s6;
	v13 =	vmovc v21  }
0x3af: {  	v21 =	vadd.s32 $0x6C87, v23;
	v23 =	vadd.s32 $0x6C87, v22;
	s6 =	sor.u32 s1, s6;
	v22 =	vld.idx.msk [tilespmem:v15+s15+$0x0], $0xffff;
	[tilespmem:s14+$0x0] =	vst v28;
	v15 =	vmov v38  }
0x3b0: {  	[tilespmem:s8+$0x11C80] =	vst v31;
	v26 =	vld.idx.msk [tilespmem:v33+s15+$0x0], $0xffff  }
0x3b1: {  	[tilespmem:s13+$0x11C80] =	vst v32;
	v28 =	vld.idx.msk [tilespmem:v35+s15+$0x0], $0xffff  }
0x3b2: {  	v31 =	vadd.s32 $0x6C87, v3;
	v3 =	vmov v19;
	v18 =	vld.idx.msk [tilespmem:v18+s15+$0x0], $0xffff;
	[tilespmem:s10+$0x11C80] =	vst v34  }
0x3b3: {  	s7 =	sadd.s32 $0x40, s7;
	v19 =	vadd.s32 $0x1F02, v3;
	[tilespmem:s2+$0x11C80] =	vst v24;
	v16 =	vld.idx.msk [tilespmem:v16+s15+$0x0], $0xffff  }
0x3b4: {  	s13 =	sand.u32 $0x40, s7;
	s10 =	sadd.s32 $0x17D80, s25;
	s2 =	sand.u32 $0xE00, s0;
	v24 =	vld.idx.msk [tilespmem:v29+s15+$0x0], $0xffff;
	[tilespmem:s5+$0x0] =	vst v17  }
0x3b5: {  	s17 =	sor.u32 $0x30, s13;
	s8 =	sor.u32 s29, s10;
	s5 =	sadd.s32 $0x12D80, s2;
	v29 =	vld.idx.msk [tilespmem:v10+s15+$0x0], $0xffff;
	[tilespmem:s11+$0x0] =	vst v22;
	v10 =	vmov v36  }
0x3b6: {  	s30 =	sor.u32 $0x10, s13;
	s31 =	sor.u32 $0x20, s13;
	s11 =	sor.u32 s17, s5;
	v22 =	vld.idx.msk [tilespmem:v9+s15+$0x0], $0xffff;
	[tilespmem:s8+$0x0] =	vst v26;
	v9 =	vmov v37  }
0x3b7: {  	s14 =	sor.u32 s13, s5;
	s8 =	sor.u32 s30, s5;
	s5 =	sor.u32 s31, s5;
	[tilespmem:s11+$0x0] =	vst v28;
	v26 =	vld.idx.msk [tilespmem:v31+s15+$0x0], $0xffff  }
0x3b8: {  	s11 =	sor.u32 s9, s10;
	[tilespmem:s8+$0x0] =	vst v18;
	v28 =	vld.idx.msk [tilespmem:v19+s15+$0x0], $0xffff;
	s8 =	sor.u32 s1, s10;
	s10 =	sor.u32 s12, s10  }
0x3b9: {  	p5 =	slt.u32 s7, $0x3C0;
	v25 =	vld.idx.msk [tilespmem:v25+s15+$0x0], $0xffff;
	[tilespmem:s5+$0x0] =	vst v16  }
0x3ba: {  	v16 =	vadd.s32 $0x2E83, v3;
	[tilespmem:s14+$0x0] =	vst v24;
	v17 =	vld.idx.msk [tilespmem:v27+s15+$0x0], $0xffff  }
.Ltmp17:
0x3bb: {  	s5 =	sadd.s32 $0x18D80, s25;
	s25 =	smov.u32 s2;
	v18 =	vld.idx.msk [tilespmem:v30+s15+$0x0], $0xffff;
	[tilespmem:s6+$0x0] =	vst v29;
	(pc) =	sbr.rel @p5 .LBB2_30-.Ltmp17, $4  }
0x3bc: {  	s2 =	sadd.s32 $0x13D80, s25;
	s28 =	sor.u32 s9, s5;
	s6 =	sor.u32 s29, s5;
	[tilespmem:s11+$0x0] =	vst v22;
	v19 =	vld.idx.msk [tilespmem:v14+s15+$0x0], $0xffff;
	v14 =	vmov v20  }
0x3bd: {  	s14 =	sor.u32 s30, s2;
	s9 =	sor.u32 s31, s2;
	s11 =	sor.u32 s17, s2;
	v20 =	vld.idx.msk [tilespmem:v12+s15+$0x0], $0xffff;
	[tilespmem:s6+$0x0] =	vst v26;
	v12 =	vmov v39  }
0x3be: {  	s2 =	sor.u32 s13, s2;
	s6 =	sor.u32 s1, s5;
	[tilespmem:s11+$0x0] =	vst v28;
	v22 =	vld.idx.msk [tilespmem:v11+s15+$0x0], $0xffff;
	s11 =	sor.u32 s12, s5;
	v11 =	vmov v40  }
0x3bf: {  	p4 =	por !p4, !p4;
	s29 =	smov.u32 s17;
	s1 =	smov.u32 s13;
	[tilespmem:s14+$0x0] =	vst v25;
	v24 =	vld.idx.msk [tilespmem:v16+s15+$0x0], $0xffff  }
0x3c0: {  	v25 =	vmovc v1;
	v26 =	vmovc v0;
	v16 =	vmov v3;
	v1 =	vmov v23;
	v0 =	vmov v21  }
0x3c1: {  	v21 =	vmovc v13;
	v13 =	vmovc v10;
	v10 =	vmov v9;
	v9 =	vmov v14;
	v14 =	vmov v11  }
.LBB2_32:
0x3c2: {  	_ =	sdelay $0x3  }
0x3c3: {  	v3 =	vld.idx.msk [tilespmem:v8+s15+$0x0], $0xffff;
	[tilespmem:s9+$0x0] =	vst v17;
	v8 =	vadd.s32 $0x3E04, v16  }
0x3c4: {  	[tilespmem:s2+$0x0] =	vst v18;
	v7 =	vld.idx.msk [tilespmem:v7+s15+$0x0], $0xffff  }
0x3c5: {  	s0 =	sadd.s32 $0x14D80, s25;
	v6 =	vld.idx.msk [tilespmem:v6+s15+$0x0], $0xffff  }
0x3c6: {  	s17 =	sor.u32 s29, s0  }
0x3c7: {  	s26 =	sor.u32 s30, s0;
	[tilespmem:s17+$0x0] =	vst v24  }
0x3c8: {  	s5 =	sor.u32 s31, s0;
	[tilespmem:s26+$0x0] =	vst v3;
	v3 =	vld.idx.msk [tilespmem:v8+s15+$0x0], $0xffff  }
0x3c9: {  	s0 =	sor.u32 s1, s0;
	[tilespmem:s5+$0x0] =	vst v7;
	v7 =	vadd.s32 $0x4D85, v16;
	v5 =	vld.idx.msk [tilespmem:v5+s15+$0x0], $0xffff  }
0x3ca: {  	[tilespmem:s0+$0x0] =	vst v6;
	v4 =	vld.idx.msk [tilespmem:v4+s15+$0x0], $0xffff  }
0x3cb: {  	s7 =	sadd.s32 $0x15D80, s25;
	v2 =	vld.idx.msk [tilespmem:v2+s15+$0x0], $0xffff  }
0x3cc: {  	s9 =	sor.u32 s29, s7  }
0x3cd: {  	s12 =	sor.u32 s30, s7;
	[tilespmem:s9+$0x0] =	vst v3  }
0x3ce: {  	s13 =	sor.u32 s31, s7;
	[tilespmem:s12+$0x0] =	vst v5;
	v3 =	vld.idx.msk [tilespmem:v7+s15+$0x0], $0xffff  }
0x3cf: {  	s0 =	sor.u32 s1, s7;
	v5 =	vadd.s32 $0x5D06, v16;
	[tilespmem:s13+$0x0] =	vst v4;
	v4 =	vld.idx.msk [tilespmem:v21+s15+$0x0], $0xffff  }
0x3d0: {  	[tilespmem:s0+$0x0] =	vst v2;
	v2 =	vld.idx.msk [tilespmem:v15+s15+$0x0], $0xffff  }
0x3d1: {  	s14 =	sadd.s32 $0x16D80, s25;
	v6 =	vld.idx.msk [tilespmem:v13+s15+$0x0], $0xffff  }
0x3d2: {  	[tilespmem:s10+$0x0] =	vst @p3 v19;
	s17 =	sor.u32 s29, s14  }
0x3d3: {  	s5 =	sor.u32 s30, s14;
	[tilespmem:s17+$0x0] =	vst v3  }
0x3d4: {  	s26 =	sor.u32 s31, s14;
	v3 =	vld.idx.msk [tilespmem:v5+s15+$0x0], $0xffff;
	[tilespmem:s5+$0x0] =	vst v4  }
0x3d5: {  	s0 =	sor.u32 s1, s14;
	v4 =	vadd.s32 $0x6C87, v16;
	[tilespmem:s26+$0x0] =	vst v2;
	v2 =	vld.idx.msk [tilespmem:v10+s15+$0x0], $0xffff  }
0x3d6: {  	[tilespmem:s0+$0x0] =	vst v6;
	v5 =	vld.idx.msk [tilespmem:v9+s15+$0x0], $0xffff  }
0x3d7: {  	[tilespmem:s8+$0x0] =	vst @p3 v20;
	s7 =	sadd.s32 $0x17D80, s25;
	v6 =	vld.idx.msk [tilespmem:v12+s15+$0x0], $0xffff  }
0x3d8: {  	[tilespmem:s28+$0x0] =	vst @p3 v22;
	s8 =	sor.u32 s29, s7;
	v7 =	vld.idx.msk @p3 [tilespmem:v25+s15+$0x0], $0xffff  }
0x3d9: {  	v8 =	vld.idx.msk @p3 [tilespmem:v26+s15+$0x0], $0xffff;
	s9 =	sor.u32 s30, s7;
	[tilespmem:s8+$0x0] =	vst v3  }
0x3da: {  	s10 =	sor.u32 s31, s7;
	v3 =	vld.idx.msk [tilespmem:v4+s15+$0x0], $0xffff;
	[tilespmem:s9+$0x0] =	vst v2  }
0x3db: {  	s0 =	sor.u32 s1, s7;
	v2 =	vld.idx.msk [tilespmem:v14+s15+$0x0], $0xffff;
	[tilespmem:s10+$0x0] =	vst v5  }
0x3dc: {  	[tilespmem:s0+$0x0] =	vst v6;
	v1 =	vld.idx.msk [tilespmem:v1+s15+$0x0], $0xffff  }
0x3dd: {  	[tilespmem:s11+$0x0] =	vst @p3 v7;
	s11 =	sadd.s32 $0x18D80, s25;
	v0 =	vld.idx.msk [tilespmem:v0+s15+$0x0], $0xffff  }
0x3de: {  	[tilespmem:s6+$0x0] =	vst @p3 v8;
	s12 =	sor.u32 s29, s11  }
0x3df: {  	s13 =	sor.u32 s30, s11;
	[tilespmem:s12+$0x0] =	vst v3  }
0x3e0: {  	s14 =	sor.u32 s31, s11;
	[tilespmem:s13+$0x0] =	vst v2  }
0x3e1: {  	s0 =	sor.u32 s1, s11;
	[tilespmem:s14+$0x0] =	vst v1  }
0x3e2: {  	s15 =	sor.u32 $0x180, s22;
	[tilespmem:s0+$0x0] =	vst v0  }
0x3e3: {  	s17 =	sor.u32 $0x180, s23;
	v16 =	vld [tilespmem:s15+$0x8C80]  }
0x3e4: {  	v0 =	vld [tilespmem:s17+$0x8C80];
	_ =	sdelay $0x1  }
0x3e5: {  	s22 =	sor.u32 $0x180, s24  }
0x3e6: {  	s23 =	sor.u32 $0x180, s21;
	v1 =	vld [tilespmem:s22+$0x8C80]  }
0x3e7: {  	v3 =	vld [tilespmem:s23+$0x8C80];
	_ =	sdelay $0x2  }
0x3e8: {  	v2 =	vld.idx.msk [tilespmem:v16+s4+$0x0], $0xffff  }
0x3e9: {  	v5 =	vadd.s32 $0xF81, v16;
	v4 =	vld.idx.msk [tilespmem:v0+s4+$0x0], $0xffff  }
0x3ea: {  	v6 =	vadd.s32 $0xF81, v0;
	_ =	sdelay $0x1  }
0x3eb: {  	v7 =	vld.idx.msk [tilespmem:v1+s4+$0x0], $0xffff  }
0x3ec: {  	v8 =	vadd.s32 $0xF81, v1;
	v9 =	vld.idx.msk [tilespmem:v3+s4+$0x0], $0xffff;
	[tilespmem:s15+$0x11C80] =	vst v2  }
0x3ed: {  	v2 =	vadd.s32 $0xF81, v3;
	[tilespmem:s17+$0x11C80] =	vst v4;
	v4 =	vld.idx.msk [tilespmem:v5+s4+$0x0], $0xffff  }
0x3ee: {  	v5 =	vld.idx.msk [tilespmem:v6+s4+$0x0], $0xffff;
	v6 =	vadd.s32 $0x1F02, v16  }
0x3ef: {  	v10 =	vadd.s32 $0x1F02, v0  }
0x3f0: {  	s24 =	sadd.s32 $0x12E00, s20;
	[tilespmem:s22+$0x11C80] =	vst v7  }
0x3f1: {  	s25 =	sor.u32 s19, s24;
	[tilespmem:s23+$0x11C80] =	vst v9;
	v9 =	vld.idx.msk [tilespmem:v8+s4+$0x0], $0xffff  }
0x3f2: {  	s26 =	sor.u32 s18, s24;
	v11 =	vadd.s32 $0x1F02, v1;
	v12 =	vld.idx.msk [tilespmem:v2+s4+$0x0], $0xffff;
	[tilespmem:s25+$0x0] =	vst v4  }
0x3f3: {  	v18 =	vadd.s32 $0x1F02, v3;
	[tilespmem:s26+$0x0] =	vst v5;
	v20 =	vld.idx.msk [tilespmem:v6+s4+$0x0], $0xffff  }
0x3f4: {  	v23 =	vadd.s32 $0x2E83, v16;
	v22 =	vld.idx.msk [tilespmem:v10+s4+$0x0], $0xffff  }
.Ltmp18:
0x3f5: {  	s28 =	sor.u32 s16, s24;
	v19 =	vadd.s32 $0x4D85, v0;
	v13 =	vadd.s32 $0x4D85, v3;
	v14 =	vadd.s32 $0x4D85, v1;
	(pc) =	sbr.rel @!p2 .LBB2_33-.Ltmp18, $4  }
0x3f6: {  	s29 =	sadd.s32 $0x13E00, s20;
	s0 =	sor.u32 s3, s24;
	v15 =	vadd.s32 $0x6C87, v0;
	v7 =	vadd.s32 $0x2E83, v1;
	v8 =	vadd.s32 $0x2E83, v0;
	[tilespmem:s28+$0x0] =	vst v9  }
0x3f7: {  	s30 =	sor.u32 s19, s29;
	v2 =	vadd.s32 $0x3E04, v3;
	v5 =	vadd.s32 $0x3E04, v0;
	v4 =	vadd.s32 $0x3E04, v1;
	v17 =	vld.idx.msk [tilespmem:v11+s4+$0x0], $0xffff;
	[tilespmem:s0+$0x0] =	vst v12  }
0x3f8: {  	s31 =	sor.u32 s18, s29;
	v9 =	vadd.s32 $0x5D06, v1;
	v1 =	vadd.s32 $0x6C87, v1;
	v6 =	vadd.s32 $0x2E83, v3;
	v21 =	vld.idx.msk [tilespmem:v18+s4+$0x0], $0xffff;
	[tilespmem:s30+$0x0] =	vst v20  }
0x3f9: {  	s2 =	sor.u32 s3, s29;
	s9 =	sor.u32 s16, s29;
	v10 =	vadd.s32 $0x5D06, v0;
	v0 =	vadd.s32 $0x6C87, v3;
	v12 =	vadd.s32 $0x5D06, v3;
	[tilespmem:s31+$0x0] =	vst v22;
	v24 =	vld.idx.msk [tilespmem:v23+s4+$0x0], $0xffff  }
0x3fa: {  	_ =	sdelay $0x1  }
0x3fb: {  	s0 =	simm.s32 $0x1;
	v11 =	vadd.s32 $0x3E04, v16  }
0x3fc: {  	s0 =	simm.s32 @!p1 $0x0  }
0x3fd: {  	v8 =	vld.idx.msk [tilespmem:v8+s4+$0x0], $0xffff;
	s23 =	sadd.s32 $0x14E00, s20;
	s0 =	sshll.u32 s0, $0x6;
	[tilespmem:s9+$0x0] =	vst v17  }
0x3fe: {  	s5 =	sor.u32 s19, s23;
	s0 =	sadd.s32 $0x100, s0;
	[tilespmem:s2+$0x0] =	vst v21;
	v7 =	vld.idx.msk [tilespmem:v7+s4+$0x0], $0xffff  }
0x3ff: {  	s1 =	sadd.s32 $0x30, s0;
	v6 =	vld.idx.msk [tilespmem:v6+s4+$0x0], $0xffff;
	[tilespmem:s5+$0x0] =	vst v24  }
0x400: {  	s6 =	sadd.s32 $0x10, s0;
	s24 =	sadd.s32 $0x20, s0;
	s0 =	sor.u32 $0x180, s0;
	v11 =	vld.idx.msk [tilespmem:v11+s4+$0x0], $0xffff  }
0x401: {  	s1 =	sor.u32 $0x180, s1;
	v24 =	vld [tilespmem:s0+$0x8C80]  }
0x402: {  	s6 =	sor.u32 $0x180, s6;
	v3 =	vld [tilespmem:s1+$0x8C80]  }
0x403: {  	s7 =	sor.u32 s18, s23;
	v17 =	vadd.s32 $0x4D85, v16;
	s5 =	sor.u32 $0x180, s24;
	v22 =	vld [tilespmem:s6+$0x8C80]  }
0x404: {  	s8 =	sor.u32 s16, s23;
	[tilespmem:s7+$0x0] =	vst v8;
	v23 =	vld [tilespmem:s5+$0x8C80]  }
0x405: {  	s25 =	sadd.s32 $0x15E00, s20;
	s2 =	sor.u32 s3, s23;
	v5 =	vld.idx.msk [tilespmem:v5+s4+$0x0], $0xffff;
	[tilespmem:s8+$0x0] =	vst v7  }
0x406: {  	s26 =	sor.u32 s19, s25;
	[tilespmem:s2+$0x0] =	vst v6;
	v4 =	vld.idx.msk [tilespmem:v4+s4+$0x0], $0xffff  }
0x407: {  	v2 =	vld.idx.msk [tilespmem:v2+s4+$0x0], $0xffff;
	[tilespmem:s26+$0x0] =	vst v11  }
0x408: {  	v6 =	vld.idx.msk [tilespmem:v17+s4+$0x0], $0xffff  }
0x409: {  	s28 =	sor.u32 s18, s25;
	v20 =	vld.idx.msk [tilespmem:v24+s4+$0x0], $0xffff  }
0x40a: {  	s29 =	sor.u32 s16, s25;
	[tilespmem:s28+$0x0] =	vst v5;
	v7 =	vld.idx.msk [tilespmem:v3+s4+$0x0], $0xffff  }
0x40b: {  	s31 =	sadd.s32 $0x16E00, s20;
	s30 =	sor.u32 s3, s25;
	v11 =	vadd.s32 $0x5D06, v16;
	v8 =	vld.idx.msk [tilespmem:v22+s4+$0x0], $0xffff;
	[tilespmem:s29+$0x0] =	vst v4  }
0x40c: {  	s10 =	sor.u32 s19, s31;
	v18 =	vadd.s32 $0xF81, v3;
	v17 =	vld.idx.msk [tilespmem:v23+s4+$0x0], $0xffff;
	[tilespmem:s30+$0x0] =	vst v2  }
0x40d: {  	v5 =	vadd.s32 $0xF81, v22;
	v2 =	vld.idx.msk [tilespmem:v19+s4+$0x0], $0xffff;
	[tilespmem:s10+$0x0] =	vst v6  }
0x40e: {  	v4 =	vadd.s32 $0xF81, v23;
	v14 =	vld.idx.msk [tilespmem:v14+s4+$0x0], $0xffff;
	[tilespmem:s0+$0x11C80] =	vst v20  }
0x40f: {  	v19 =	vadd.s32 $0xF81, v24;
	v13 =	vld.idx.msk [tilespmem:v13+s4+$0x0], $0xffff;
	[tilespmem:s1+$0x11C80] =	vst v7  }
0x410: {  	v6 =	vld.idx.msk [tilespmem:v11+s4+$0x0], $0xffff;
	[tilespmem:s6+$0x11C80] =	vst v8  }
0x411: {  	s15 =	simm.s32 $0x40;
	s11 =	sor.u32 s18, s31;
	[tilespmem:s5+$0x11C80] =	vst v17;
	v8 =	vadd.s32 $0x6C87, v16;
	v7 =	vld.idx.msk [tilespmem:v18+s4+$0x0], $0xffff  }
0x412: {  	s13 =	sadd.s32 $0x17E00, s20;
	s12 =	sor.u32 s16, s31;
	v11 =	vadd.s32 $0x1F02, v3;
	s1 =	simm.s32 $0x100;
	v5 =	vld.idx.msk [tilespmem:v5+s4+$0x0], $0xffff;
	[tilespmem:s11+$0x0] =	vst v2  }
0x413: {  	s26 =	sor.u32 s3, s31;
	s0 =	sand.u32 $0x40, s15;
	v16 =	vadd.s32 $0x1F02, v22;
	v4 =	vld.idx.msk [tilespmem:v4+s4+$0x0], $0xffff;
	s7 =	sand.u32 $0xE00, s1;
	[tilespmem:s12+$0x0] =	vst v14  }
0x414: {  	s22 =	sor.u32 s19, s13;
	s21 =	sor.u32 $0x30, s0;
	v17 =	vld.idx.msk [tilespmem:v19+s4+$0x0], $0xffff;
	s14 =	sadd.s32 $0x12E00, s7;
	[tilespmem:s26+$0x0] =	vst v13  }
0x415: {  	s11 =	sor.u32 $0x10, s0;
	v10 =	vld.idx.msk [tilespmem:v10+s4+$0x0], $0xffff;
	s23 =	sor.u32 s21, s14;
	[tilespmem:s22+$0x0] =	vst v6  }
0x416: {  	s17 =	sor.u32 $0x20, s0;
	s24 =	sor.u32 s11, s14;
	v19 =	vld.idx.msk [tilespmem:v8+s4+$0x0], $0xffff;
	[tilespmem:s23+$0x0] =	vst v7  }
0x417: {  	v2 =	vadd.s32 $0x1F02, v23;
	s25 =	sor.u32 s17, s14;
	[tilespmem:s24+$0x0] =	vst v5;
	v25 =	vld.idx.msk [tilespmem:v11+s4+$0x0], $0xffff  }
0x418: {  	v14 =	vadd.s32 $0x1F02, v24;
	s2 =	sor.u32 s0, s14;
	[tilespmem:s25+$0x0] =	vst v4;
	v16 =	vld.idx.msk [tilespmem:v16+s4+$0x0], $0xffff  }
0x419: {  	p2 =	por $0x1, $0x1;
	s28 =	sor.u32 s18, s13;
	s29 =	sadd.s32 $0x18E00, s20;
	[tilespmem:s2+$0x0] =	vst v17  }
0x41a: {  	p0 =	por $0x1, $0x1;
	v26 =	vadd.s32 $0x2E83, v3;
	s31 =	sor.u32 s19, s29;
	s30 =	sadd.s32 $0x13E00, s7;
	v20 =	vld.idx.msk [tilespmem:v9+s4+$0x0], $0xffff;
	[tilespmem:s28+$0x0] =	vst v10  }
.Ltmp19:
0x41b: {  	p1 =	por !p1, !p1;
	v13 =	vadd.s32 $0x4D85, v22;
	v9 =	vadd.s32 $0x5D06, v22;
	v6 =	vadd.s32 $0x2E83, v24;
	s12 =	sor.u32 s21, s30;
	v18 =	vld.idx.msk [tilespmem:v12+s4+$0x0], $0xffff;
	[tilespmem:s31+$0x0] =	vst v19;
	(pc) =	sbr.rel @!p2 .LBB2_35-.Ltmp19, $4  }
0x41c: {  	s6 =	sor.u32 s16, s13;
	s22 =	sor.u32 s3, s13;
	s13 =	sor.u32 s11, s30;
	v12 =	vadd.s32 $0x5D06, v24;
	v8 =	vadd.s32 $0x2E83, v22;
	v7 =	vadd.s32 $0x2E83, v23;
	v17 =	vld.idx.msk [tilespmem:v2+s4+$0x0], $0xffff;
	[tilespmem:s12+$0x0] =	vst v25  }
0x41d: {  	s8 =	sor.u32 s3, s29;
	s10 =	sor.u32 s18, s29;
	s9 =	sor.u32 s17, s30;
	v5 =	vadd.s32 $0x3E04, v22;
	v4 =	vadd.s32 $0x3E04, v23;
	v21 =	vld.idx.msk [tilespmem:v14+s4+$0x0], $0xffff;
	v2 =	vadd.s32 $0x3E04, v24;
	[tilespmem:s13+$0x0] =	vst v16  }
0x41e: {  	s2 =	sor.u32 s0, s30;
	s23 =	simm.s32 $0x200;
	v10 =	vadd.s32 $0x4D85, v24;
	v14 =	vadd.s32 $0x4D85, v23;
	v11 =	vadd.s32 $0x6C87, v22;
	v22 =	vld.idx.msk [tilespmem:v15+s4+$0x0], $0xffff;
	s25 =	rddreg [dreg:$0xc]  }
0x41f: {  	s24 =	simm.s32 $0x400;
	v15 =	vadd.s32 $0x5D06, v23;
	v23 =	vadd.s32 $0x6C87, v23;
	v19 =	vadd.s32 $0x6C87, v24;
	s12 =	sor.u32 s16, s29;
	v24 =	vld.idx.msk [tilespmem:v26+s4+$0x0], $0xffff;
	s26 =	rddreg [dreg:$0xd]  }
.LBB2_36:
0x420: {  	s5 =	simm.s32 $0x1  }
0x421: {  	v8 =	vld.idx.msk [tilespmem:v8+s4+$0x0], $0xffff;
	[tilespmem:s9+$0x0] =	vst v17;
	s9 =	smov.u32 s11;
	s3 =	smov.u32 s17;
	s5 =	simm.s32 @!p1 $0x0  }
0x422: {  	v16 =	vadd.s32 $0x3E04, v3;
	s1 =	sadd.s32 $0x100, s1;
	s5 =	sshll.u32 s5, $0x6;
	[tilespmem:s2+$0x0] =	vst v21;
	v7 =	vld.idx.msk [tilespmem:v7+s4+$0x0], $0xffff  }
0x423: {  	s2 =	sadd.s32 s5, s1;
	v6 =	vld.idx.msk [tilespmem:v6+s4+$0x0], $0xffff;
	[tilespmem:s6+$0x0] =	vst v20  }
0x424: {  	s13 =	sadd.s32 $0x14E00, s7;
	s5 =	sadd.s32 $0x10, s2;
	s6 =	sadd.s32 $0x30, s2;
	[tilespmem:s22+$0x0] =	vst v18;
	v17 =	vld.idx.msk [tilespmem:v1+s4+$0x0], $0xffff;
	v1 =	vmov v23  }
0x425: {  	s16 =	sor.u32 s21, s13;
	s14 =	sadd.s32 $0x20, s2;
	s6 =	sor.u32 $0x180, s6;
	v18 =	vld.idx.msk [tilespmem:v0+s4+$0x0], $0xffff;
	[tilespmem:s10+$0x0] =	vst v22;
	v0 =	vmov v19  }
0x426: {  	s2 =	sor.u32 $0x180, s2;
	s11 =	sor.u32 $0x180, s5;
	s10 =	sor.u32 $0x180, s14;
	v20 =	vld [tilespmem:s6+$0x8C80];
	[tilespmem:s16+$0x0] =	vst v24  }
0x427: {  	s5 =	sor.u32 s0, s13;
	s14 =	sor.u32 s9, s13;
	s13 =	sor.u32 s3, s13;
	v16 =	vld.idx.msk [tilespmem:v16+s4+$0x0], $0xffff  }
0x428: {  	v19 =	vld [tilespmem:s11+$0x8C80];
	[tilespmem:s14+$0x0] =	vst v8  }
0x429: {  	v22 =	vadd.s32 $0x4D85, v3;
	v21 =	vld [tilespmem:s10+$0x8C80];
	[tilespmem:s13+$0x0] =	vst v7  }
0x42a: {  	v23 =	vld [tilespmem:s2+$0x8C80];
	[tilespmem:s5+$0x0] =	vst v6  }
0x42b: {  	s5 =	sadd.s32 $0x15E00, s7;
	v24 =	vld.idx.msk [tilespmem:v5+s4+$0x0], $0xffff;
	[tilespmem:s12+$0x0] =	vst v17  }
0x42c: {  	s12 =	sor.u32 s9, s5;
	s13 =	sor.u32 s3, s5;
	s14 =	sor.u32 s21, s5;
	v17 =	vld.idx.msk [tilespmem:v4+s4+$0x0], $0xffff;
	[tilespmem:s8+$0x0] =	vst v18  }
0x42d: {  	s5 =	sor.u32 s0, s5;
	v18 =	vadd.s32 $0xF81, v19;
	v25 =	vadd.s32 $0x1F02, v19;
	v8 =	vadd.s32 $0x2E83, v19;
	v26 =	vld.idx.msk [tilespmem:v2+s4+$0x0], $0xffff;
	[tilespmem:s14+$0x0] =	vst v16  }
0x42e: {  	v16 =	vadd.s32 $0xF81, v21;
	v27 =	vadd.s32 $0x1F02, v21;
	v7 =	vadd.s32 $0x2E83, v21;
	v22 =	vld.idx.msk [tilespmem:v22+s4+$0x0], $0xffff  }
0x42f: {  	v28 =	vadd.s32 $0xF81, v23;
	v29 =	vadd.s32 $0x1F02, v23;
	v6 =	vadd.s32 $0x2E83, v23;
	v30 =	vld.idx.msk [tilespmem:v20+s4+$0x0], $0xffff  }
0x430: {  	v32 =	vadd.s32 $0x5D06, v3;
	v5 =	vadd.s32 $0x3E04, v19;
	v4 =	vadd.s32 $0x3E04, v21;
	v31 =	vld.idx.msk [tilespmem:v19+s4+$0x0], $0xffff  }
0x431: {  	v35 =	vadd.s32 $0xF81, v20;
	v33 =	vadd.s32 $0x4D85, v19;
	v2 =	vadd.s32 $0x3E04, v23;
	v34 =	vld.idx.msk [tilespmem:v21+s4+$0x0], $0xffff;
	[tilespmem:s12+$0x0] =	vst v24  }
0x432: {  	s8 =	sadd.s32 $0x16E00, s7;
	v37 =	vadd.s32 $0x5D06, v19;
	v38 =	vadd.s32 $0x4D85, v21;
	v36 =	vadd.s32 $0x4D85, v23;
	v24 =	vld.idx.msk [tilespmem:v23+s4+$0x0], $0xffff;
	[tilespmem:s13+$0x0] =	vst v17  }
0x433: {  	v40 =	vadd.s32 $0x6C87, v19;
	v41 =	vadd.s32 $0x5D06, v21;
	v39 =	vadd.s32 $0x5D06, v23;
	s12 =	sor.u32 s3, s8;
	s13 =	sor.u32 s21, s8;
	[tilespmem:s5+$0x0] =	vst v26;
	v17 =	vld.idx.msk [tilespmem:v13+s4+$0x0], $0xffff;
	s5 =	sor.u32 s9, s8;
	v13 =	vmovc v33  }
0x434: {  	v19 =	vadd.s32 $0x6C87, v23;
	v23 =	vadd.s32 $0x6C87, v21;
	s8 =	sor.u32 s0, s8;
	v21 =	vld.idx.msk [tilespmem:v14+s4+$0x0], $0xffff;
	[tilespmem:s13+$0x0] =	vst v22;
	v14 =	vmov v38  }
0x435: {  	[tilespmem:s6+$0x11C80] =	vst v30;
	v22 =	vld.idx.msk [tilespmem:v32+s4+$0x0], $0xffff  }
0x436: {  	[tilespmem:s11+$0x11C80] =	vst v31;
	v26 =	vld.idx.msk [tilespmem:v35+s4+$0x0], $0xffff  }
0x437: {  	v30 =	vadd.s32 $0x6C87, v3;
	v3 =	vmov v20;
	v18 =	vld.idx.msk [tilespmem:v18+s4+$0x0], $0xffff;
	[tilespmem:s10+$0x11C80] =	vst v34  }
0x438: {  	s15 =	sadd.s32 $0x40, s15;
	v20 =	vadd.s32 $0x1F02, v3;
	[tilespmem:s2+$0x11C80] =	vst v24;
	v16 =	vld.idx.msk [tilespmem:v16+s4+$0x0], $0xffff  }
0x439: {  	s13 =	sand.u32 $0x40, s15;
	s6 =	sadd.s32 $0x17E00, s7;
	s2 =	sand.u32 $0xE00, s1;
	v24 =	vld.idx.msk [tilespmem:v28+s4+$0x0], $0xffff;
	[tilespmem:s5+$0x0] =	vst v17  }
0x43a: {  	s16 =	sor.u32 $0x30, s13;
	s10 =	sor.u32 s21, s6;
	s5 =	sadd.s32 $0x12E00, s2;
	v28 =	vld.idx.msk [tilespmem:v10+s4+$0x0], $0xffff;
	[tilespmem:s12+$0x0] =	vst v21;
	v10 =	vmov v36  }
0x43b: {  	s17 =	sor.u32 $0x20, s13;
	s11 =	sor.u32 $0x10, s13;
	s12 =	sor.u32 s16, s5;
	v31 =	vld.idx.msk [tilespmem:v9+s4+$0x0], $0xffff;
	[tilespmem:s10+$0x0] =	vst v22;
	v9 =	vmov v37  }
0x43c: {  	s14 =	sor.u32 s11, s5;
	s10 =	sor.u32 s13, s5;
	s5 =	sor.u32 s17, s5;
	[tilespmem:s12+$0x0] =	vst v26;
	v22 =	vld.idx.msk [tilespmem:v30+s4+$0x0], $0xffff  }
0x43d: {  	s22 =	sor.u32 s0, s6;
	s12 =	sor.u32 s9, s6;
	s6 =	sor.u32 s3, s6;
	[tilespmem:s14+$0x0] =	vst v18;
	v26 =	vld.idx.msk [tilespmem:v20+s4+$0x0], $0xffff  }
0x43e: {  	p2 =	slt.u32 s15, $0x3C0;
	v25 =	vld.idx.msk [tilespmem:v25+s4+$0x0], $0xffff;
	[tilespmem:s5+$0x0] =	vst v16  }
0x43f: {  	v16 =	vadd.s32 $0x2E83, v3;
	[tilespmem:s10+$0x0] =	vst v24;
	v17 =	vld.idx.msk [tilespmem:v27+s4+$0x0], $0xffff  }
.Ltmp20:
0x440: {  	s5 =	sadd.s32 $0x18E00, s7;
	s7 =	smov.u32 s2;
	v21 =	vld.idx.msk [tilespmem:v29+s4+$0x0], $0xffff;
	[tilespmem:s8+$0x0] =	vst v28;
	(pc) =	sbr.rel @p2 .LBB2_36-.Ltmp20, $4  }
0x441: {  	s2 =	sadd.s32 $0x13E00, s7;
	s10 =	sor.u32 s9, s5;
	s8 =	sor.u32 s21, s5;
	[tilespmem:s12+$0x0] =	vst v31;
	v20 =	vld.idx.msk [tilespmem:v15+s4+$0x0], $0xffff;
	v15 =	vmov v41  }
0x442: {  	s14 =	sor.u32 s11, s2;
	s9 =	sor.u32 s17, s2;
	s12 =	sor.u32 s16, s2;
	v18 =	vld.idx.msk [tilespmem:v12+s4+$0x0], $0xffff;
	[tilespmem:s8+$0x0] =	vst v22;
	v12 =	vmov v39  }
0x443: {  	s2 =	sor.u32 s13, s2;
	s8 =	sor.u32 s0, s5;
	[tilespmem:s12+$0x0] =	vst v26;
	v22 =	vld.idx.msk [tilespmem:v11+s4+$0x0], $0xffff;
	s12 =	sor.u32 s3, s5;
	v11 =	vmov v40  }
0x444: {  	p1 =	por !p1, !p1;
	s21 =	smov.u32 s16;
	s0 =	smov.u32 s13;
	[tilespmem:s14+$0x0] =	vst v25;
	v24 =	vld.idx.msk [tilespmem:v16+s4+$0x0], $0xffff  }
0x445: {  	v25 =	vmovc v1;
	v26 =	vmovc v0;
	s18 =	smov.u32 s11;
	s16 =	smov.u32 s17;
	v16 =	vmov v3;
	v1 =	vmov v23;
	v0 =	vmov v19  }
0x446: {  	s20 =	smov.u32 s7;
	s19 =	smov.u32 s21;
	s3 =	smov.u32 s0;
	v19 =	vmovc v13;
	v13 =	vmovc v10;
	v10 =	vmov v9;
	v9 =	vmov v15;
	v15 =	vmov v11  }
.LBB2_38:
0x447: {  	_ =	sdelay $0x3  }
0x448: {  	v3 =	vld.idx.msk [tilespmem:v8+s4+$0x0], $0xffff;
	[tilespmem:s9+$0x0] =	vst v17;
	v55 =	vadd.s32 $0x3E04, v16  }
0x449: {  	[tilespmem:s2+$0x0] =	vst v21;
	v7 =	vld.idx.msk [tilespmem:v7+s4+$0x0], $0xffff  }
0x44a: {  	s0 =	sadd.s32 $0x14E00, s20;
	v6 =	vld.idx.msk [tilespmem:v6+s4+$0x0], $0xffff  }
0x44b: {  	s1 =	sor.u32 s19, s0  }
0x44c: {  	s11 =	sor.u32 s18, s0;
	[tilespmem:s1+$0x0] =	vst v24  }
0x44d: {  	s13 =	sor.u32 s16, s0;
	[tilespmem:s11+$0x0] =	vst v3;
	v56 =	vld.idx.msk [tilespmem:v55+s4+$0x0], $0xffff  }
0x44e: {  	v57 =	vadd.s32 $0x4D85, v16;
	s0 =	sor.u32 s3, s0;
	[tilespmem:s13+$0x0] =	vst v7;
	v5 =	vld.idx.msk [tilespmem:v5+s4+$0x0], $0xffff  }
0x44f: {  	[tilespmem:s0+$0x0] =	vst v6;
	v4 =	vld.idx.msk [tilespmem:v4+s4+$0x0], $0xffff  }
0x450: {  	s14 =	sadd.s32 $0x15E00, s20;
	v2 =	vld.idx.msk [tilespmem:v2+s4+$0x0], $0xffff  }
0x451: {  	s15 =	sor.u32 s19, s14  }
0x452: {  	s17 =	sor.u32 s18, s14;
	[tilespmem:s15+$0x0] =	vst v56  }
0x453: {  	s21 =	sor.u32 s16, s14;
	[tilespmem:s17+$0x0] =	vst v5;
	v3 =	vld.idx.msk [tilespmem:v57+s4+$0x0], $0xffff  }
0x454: {  	v58 =	vadd.s32 $0x5D06, v16;
	s0 =	sor.u32 s3, s14;
	[tilespmem:s21+$0x0] =	vst v4;
	v59 =	vld.idx.msk [tilespmem:v19+s4+$0x0], $0xffff  }
0x455: {  	[tilespmem:s0+$0x0] =	vst v2;
	v60 =	vld.idx.msk [tilespmem:v14+s4+$0x0], $0xffff  }
0x456: {  	s28 =	sadd.s32 $0x16E00, s20;
	v6 =	vld.idx.msk [tilespmem:v13+s4+$0x0], $0xffff  }
0x457: {  	[tilespmem:s6+$0x0] =	vst @p0 v20;
	s29 =	sor.u32 s19, s28  }
0x458: {  	s30 =	sor.u32 s18, s28;
	[tilespmem:s29+$0x0] =	vst v3  }
0x459: {  	s31 =	sor.u32 s16, s28;
	v3 =	vld.idx.msk [tilespmem:v58+s4+$0x0], $0xffff;
	[tilespmem:s30+$0x0] =	vst v59  }
0x45a: {  	v61 =	vadd.s32 $0x6C87, v16;
	s0 =	sor.u32 s3, s28;
	[tilespmem:s31+$0x0] =	vst v60;
	v62 =	vld.idx.msk [tilespmem:v10+s4+$0x0], $0xffff  }
0x45b: {  	[tilespmem:s0+$0x0] =	vst v6;
	v63 =	vld.idx.msk [tilespmem:v9+s4+$0x0], $0xffff  }
0x45c: {  	[tilespmem:s22+$0x0] =	vst @p0 v18;
	s5 =	sadd.s32 $0x17E00, s20;
	v6 =	vld.idx.msk [tilespmem:v12+s4+$0x0], $0xffff  }
0x45d: {  	[tilespmem:s10+$0x0] =	vst @p0 v22;
	s6 =	sor.u32 s19, s5;
	v8 =	vld.idx.msk @p0 [tilespmem:v26+s4+$0x0], $0xffff  }
0x45e: {  	s7 =	sor.u32 s18, s5;
	v7 =	vld.idx.msk @p0 [tilespmem:v25+s4+$0x0], $0xffff;
	[tilespmem:s6+$0x0] =	vst v3  }
0x45f: {  	s9 =	sor.u32 s16, s5;
	v3 =	vld.idx.msk [tilespmem:v61+s4+$0x0], $0xffff;
	[tilespmem:s7+$0x0] =	vst v62  }
0x460: {  	s0 =	sor.u32 s3, s5;
	v2 =	vld.idx.msk [tilespmem:v15+s4+$0x0], $0xffff;
	[tilespmem:s9+$0x0] =	vst v63  }
0x461: {  	[tilespmem:s0+$0x0] =	vst v6;
	v1 =	vld.idx.msk [tilespmem:v1+s4+$0x0], $0xffff  }
0x462: {  	s10 =	sadd.s32 $0x18E00, s20;
	[tilespmem:s8+$0x0] =	vst @p0 v8;
	v0 =	vld.idx.msk [tilespmem:v0+s4+$0x0], $0xffff  }
0x463: {  	s11 =	sor.u32 s19, s10;
	[tilespmem:s12+$0x0] =	vst @p0 v7  }
0x464: {  	s12 =	sor.u32 s18, s10;
	[tilespmem:s11+$0x0] =	vst v3  }
0x465: {  	s13 =	sor.u32 s16, s10;
	[tilespmem:s12+$0x0] =	vst v2  }
0x466: {  	s0 =	sor.u32 s3, s10;
	[tilespmem:s13+$0x0] =	vst v1  }
0x467: {  	[tilespmem:s0+$0x0] =	vst v0  }
0x468: {  	s0 =	rddreg [dreg:$0x9]  }
0x469: {  	s14 =	simm.s32 $0x11C80;
	s0 =	sadd.s32 s26, s0  }
0x46a: {  	[hbm4b:s0+s23] =	stream.strided.scatter [tilespmem:s14], [sflag:$0x5], $0x1000, s24, s23, $0x38;
	[tilespmem:$0x19C80] =	vst v63  }
0x46b: {  	s16 =	simm.s32 $0x12C80;
	s15 =	sadd.s32 $0x20000, s0  }
0x46c: {  	[hbm4b:s15+s23] =	stream.strided.scatter [tilespmem:s16], [sflag:$0x5], $0x1000, s24, s23, $0x38;
	[tilespmem:$0x19C80] =	vst v63  }
0x46d: {  	s18 =	simm.s32 $0x13C80;
	s17 =	sadd.s32 $0x40000, s0  }
0x46e: {  	[hbm4b:s17+s23] =	stream.strided.scatter [tilespmem:s18], [sflag:$0x5], $0x1000, s24, s23, $0x38;
	[tilespmem:$0x19C80] =	vst v63  }
0x46f: {  	s20 =	simm.s32 $0x14C80;
	s19 =	sadd.s32 $0x60000, s0  }
0x470: {  	[hbm4b:s19+s23] =	stream.strided.scatter [tilespmem:s20], [sflag:$0x5], $0x1000, s24, s23, $0x38;
	[tilespmem:$0x19C80] =	vst v63  }
0x471: {  	s22 =	simm.s32 $0x15C80;
	s25 =	sadd.s32 $0x1, s25;
	s21 =	sadd.s32 $0x80000, s0  }
0x472: {  	[hbm4b:s21+s23] =	stream.strided.scatter [tilespmem:s22], [sflag:$0x5], $0x1000, s24, s23, $0x38;
	[tilespmem:$0x19C80] =	vst v63  }
0x473: {  	p0 =	sne.s32 s25, $0x8;
	s28 =	simm.s32 $0x16C80;
	s26 =	sadd.s32 $0xA0000, s0  }
0x474: {  	[hbm4b:s26+s23] =	stream.strided.scatter [tilespmem:s28], [sflag:$0x5], $0x1000, s24, s23, $0x38;
	[tilespmem:$0x19C80] =	vst v63  }
.Ltmp21:
0x475: {  	_ = 	snop;
	(pc) =	sbr.rel @p0 .LBB2_2-.Ltmp21, $4  }
.Ltmp22:
0x476: {  	s30 =	simm.s32 $0x17C80;
	s29 =	sadd.s32 $0xC0000, s0;
	(pc) =	sbr.rel @!p0 .LBB2_39-.Ltmp22, $4  }
0x477: {  	[hbm4b:s29+s23] =	stream.strided.scatter [tilespmem:s30], [sflag:$0x5], $0x1000, s24, s23, $0x38;
	[tilespmem:$0x19C80] =	vst v63  }
0x478: {  	s31 =	simm.s32 $0x18C80;
	s0 =	sadd.s32 $0xE0000, s0  }
0x479: {  	[hbm4b:s0+s23] =	stream.strided.scatter [tilespmem:s31], [sflag:$0x5], $0x1000, s24, s23, $0x38;
	[tilespmem:$0x19C80] =	vst v63  }
0x47a: {  	_ = 	snop  }
.LBB2_7:
.Ltmp23:
0x47b: {  	(pc) =	sbr.rel .LBB2_12-.Ltmp23, $3  }
0x47c: {  	_ =	sdelay $0x1  }
0x47d: {  	s30 =	smov.u32 s18;
	s31 =	smov.u32 s16;
	s25 =	smov.u32 s20  }
0x47e: {  	s29 =	smov.u32 s19;
	s1 =	smov.u32 s3;
	p4 =	por $0x0, $0x0  }
.LBB2_13:
.Ltmp24:
0x47f: {  	(pc) =	sbr.rel .LBB2_18-.Ltmp24, $3  }
0x480: {  	_ =	sdelay $0x1  }
0x481: {  	s25 =	rddreg [dreg:$0xc]  }
0x482: {  	s23 =	simm.s32 $0x200;
	s24 =	simm.s32 $0x400;
	s26 =	rddreg [dreg:$0xe]  }
.LBB2_27:
.Ltmp25:
0x483: {  	(pc) =	sbr.rel .LBB2_32-.Ltmp25, $3  }
0x484: {  	_ =	sdelay $0x1  }
0x485: {  	s30 =	smov.u32 s18;
	s31 =	smov.u32 s16;
	s25 =	smov.u32 s20  }
0x486: {  	s29 =	smov.u32 s19;
	s1 =	smov.u32 s3;
	p3 =	por $0x0, $0x0  }
.LBB2_33:
.Ltmp26:
0x487: {  	(pc) =	sbr.rel .LBB2_38-.Ltmp26, $3  }
0x488: {  	_ =	sdelay $0x1  }
0x489: {  	s25 =	rddreg [dreg:$0xc]  }
0x48a: {  	s23 =	simm.s32 $0x200;
	s24 =	simm.s32 $0x400;
	s26 =	rddreg [dreg:$0xd]  }
.LBB2_9:
.Ltmp27:
0x48b: {  	(pc) =	sbr.rel .LBB2_12-.Ltmp27, $3  }
0x48c: {  	_ =	sdelay $0x1  }
0x48d: {  	v25 =	vmovc v1;
	v26 =	vmovc v0;
	v16 =	vmov v3;
	v1 =	vmov v23;
	v0 =	vmov v21  }
0x48e: {  	v21 =	vmovc v13;
	v13 =	vmovc v10;
	v10 =	vmov v9;
	v9 =	vmov v14;
	v14 =	vmov v11  }
.LBB2_15:
.Ltmp28:
0x48f: {  	(pc) =	sbr.rel .LBB2_18-.Ltmp28, $3  }
0x490: {  	_ =	sdelay $0x1  }
0x491: {  	v25 =	vmovc v1;
	v26 =	vmovc v0;
	s18 =	smov.u32 s11;
	s16 =	smov.u32 s17;
	v16 =	vmov v3;
	v1 =	vmov v23;
	v0 =	vmov v19  }
0x492: {  	s20 =	smov.u32 s2;
	s19 =	smov.u32 s21;
	s3 =	smov.u32 s0;
	v19 =	vmovc v13;
	v13 =	vmovc v10;
	v10 =	vmov v9;
	v9 =	vmov v15;
	v15 =	vmov v11  }
.LBB2_29:
.Ltmp29:
0x493: {  	(pc) =	sbr.rel .LBB2_32-.Ltmp29, $3  }
0x494: {  	_ =	sdelay $0x1  }
0x495: {  	v25 =	vmovc v1;
	v26 =	vmovc v0;
	v16 =	vmov v3;
	v1 =	vmov v23;
	v0 =	vmov v21  }
0x496: {  	v21 =	vmovc v13;
	v13 =	vmovc v10;
	v10 =	vmov v9;
	v9 =	vmov v14;
	v14 =	vmov v11  }
.LBB2_35:
.Ltmp30:
0x497: {  	(pc) =	sbr.rel .LBB2_38-.Ltmp30, $3  }
0x498: {  	_ =	sdelay $0x1  }
0x499: {  	v25 =	vmovc v1;
	v26 =	vmovc v0;
	s18 =	smov.u32 s11;
	s16 =	smov.u32 s17;
	v16 =	vmov v3;
	v1 =	vmov v23;
	v0 =	vmov v19  }
0x49a: {  	s20 =	smov.u32 s7;
	s19 =	smov.u32 s21;
	s3 =	smov.u32 s0;
	v19 =	vmovc v13;
	v13 =	vmovc v10;
	v10 =	vmov v9;
	v9 =	vmov v15;
	v15 =	vmov v11  }
.LBB2_40:
0x49b: {  	_ =	sfence.sel $0x180000  }
0x49c: {  	[bflag:$0x0] =	sbarrier.arrive $0xFFFF  }
0x49d: {  	_ =	strace $0x90000047  }
0x49e: {  	s0 =	stileid.u32;
	[bflag:$0x2] =	sbarrier.arrive $0xFFFF  }
0x49f: {  	p0 =	sne.s32 s0, $0x0;
	s0 =	rddreg [dreg:$0x3]  }
0x4a0: {  	s0 =	sadd.s32 @!p0 $0x100000, s0  }
0x4a1: {  	[sflag:s0] =	ssyncadd.tile.s32 @!p0 $0x1;
	_ =	shalt  }
.Lfunc_end2:
_tile_overlayer_lowered:
.L_overlay_start_2:
0x4a2: {  	(tag) =	ssettag $0x2  }
0x4a3: {  	s0 =	rddreg [dreg:$0x0];
	s2 =	stileid.u32  }
0x4a4: {  	s1 =	rddreg [dreg:$0x1];
	p0 =	sne.s32 s2, $0x0  }
0x4a5: {  	s3 =	rddreg [dreg:$0x2];
	[bflag:$0x3] =	sbarrier.arrive $0xFFFF;
	s2 =	simm.s32 @!p0 $0x1C06  }
0x4a6: {  	[timem:s3], [sflag:s2] =	dma.local @!p0 [hbm:s0], s1  }
0x4a7: {  	s0 =	simm.s32 @!p0 $0x6  }
0x4a8: {  	_ =	swait.ge @!p0 [sflag:s0], s1  }
0x4a9: {  	s1 =	ssub.s32 @!p0 $0x0, s1;
	[sflag:s0] =	ssyncset.done @!p0 $0x0  }
0x4aa: {  	[sflag:s0] =	ssyncadd.s32 @!p0 s1  }
0x4ab: {  	[bflag:$0x3] =	sbarrier.arrive $0xFFFF  }
0x4ac: {  	_ =	shalt  }

</sc_bundles>
